<compile_context>
chip_gen: v7x
topology: tpu7x:2x2x1
jax: 0.10.2.dev20260603
libtpu: 0.0.44.dev20260713+nightly
codegen_flags: <defaults>
</compile_context>

<pallas_src>
import functools

import jax
import jax.numpy as jnp
import numpy as np
from jax import lax
from jax.experimental import pallas as pl
from jax.experimental.pallas import tpu as pltpu
from jax.experimental.pallas import tpu_sc as plsc

N = 10000
E = 320000
D_IN = 128
H = 12
F = 16
NC = 2
NS = 16
NW = NC * NS
CH = 128
NCHT = E // CH
MAXC = NCHT // NW + 1
KB = 8
PD = 4
NP = 10240
STRIPE = NP // NS
VR = NP // 8
XR = N // 8


def _sc_mesh():
    return plsc.VectorSubcoreMesh(core_axis_name="c", subcore_axis_name="s",
                                  num_cores=NC, num_subcores=NS)


_SC_PARAMS = pltpu.CompilerParams(use_tc_tiling_on_sc=False)



def _worker_span(wid):
    base = (wid * NCHT) // NW
    cnt = (((wid + 1) * NCHT) // NW) - base
    return base, cnt


def _deg_body(src_hbm, dst_hbm, zeros_hbm, out_hbm,
              src_v, dst_v, ones_v, dout_sh, din_sh, sem):
    cid = lax.axis_index("c")
    sid = lax.axis_index("s")
    wid = sid * NC + cid
    base, cnt = _worker_span(wid)
    zrows = zeros_hbm.at[pl.ds(sid * STRIPE, STRIPE)]
    stages = (
        (zrows, dout_sh.at[pl.ds(sid * STRIPE, STRIPE)]),
        (zrows, din_sh.at[pl.ds(sid * STRIPE, STRIPE)]),
        (src_hbm.at[pl.ds(base, MAXC)], src_v),
        (dst_hbm.at[pl.ds(base, MAXC)], dst_v),
    )
    for a, b_ in stages:
        pltpu.async_copy(a, b_, sem)
    for a, b_ in stages:
        pltpu.make_async_copy(a, b_, sem).wait()
    def fill(i, _):
        ones_v[i, :] = jnp.full((F,), 1.0, jnp.float32)
        return _
    lax.fori_loop(0, CH, fill, 0)
    plsc.subcore_barrier()
    def chunk(c, _):
        pltpu.async_copy(ones_v, dout_sh.at[src_v.at[c]], sem, add=True)
        pltpu.async_copy(ones_v, din_sh.at[dst_v.at[c]], sem, add=True)
        return _
    lax.fori_loop(0, cnt, chunk, 0)
    def drain(c, _):
        pltpu.make_async_copy(ones_v, dout_sh.at[src_v.at[0]], sem).wait()
        pltpu.make_async_copy(ones_v, din_sh.at[dst_v.at[0]], sem).wait()
        return _
    lax.fori_loop(0, cnt, drain, 0)
    plsc.subcore_barrier()
    s = pl.ds(sid * STRIPE, STRIPE)
    pltpu.sync_copy(dout_sh.at[s], out_hbm.at[cid, 0, s])
    pltpu.sync_copy(din_sh.at[s], out_hbm.at[cid, 1, s])


def _agg_body(table_hbm, src_hbm, dst_hbm, zeros_hbm, out_hbm,
              src_v, dst_v, rows_v, tbl_sh, acc_sh, gsem, ssem):
    cid = lax.axis_index("c")
    sid = lax.axis_index("s")
    wid = sid * NC + cid
    base, cnt = _worker_span(wid)
    s = pl.ds(sid * STRIPE, STRIPE)
    stages = (
        (zeros_hbm.at[s], acc_sh.at[s]),
        (table_hbm.at[s], tbl_sh.at[s]),
        (src_hbm.at[pl.ds(base, MAXC)], src_v),
        (dst_hbm.at[pl.ds(base, MAXC)], dst_v),
    )
    for i, (a, b_) in enumerate(stages):
        pltpu.async_copy(a, b_, gsem.at[i])
    for i, (a, b_) in enumerate(stages):
        pltpu.make_async_copy(a, b_, gsem.at[i]).wait()
    plsc.subcore_barrier()
    def step(c, _):
        b = lax.rem(c, KB)
        p = c - PD
        bp = lax.rem(p + KB, KB)
        @pl.when(c < cnt)
        def _g():
            @pl.when(c >= KB)
            def _w():
                pltpu.make_async_copy(rows_v.at[b], acc_sh.at[src_v.at[0]],
                                      ssem.at[b]).wait()
            pltpu.async_copy(tbl_sh.at[src_v.at[c]], rows_v.at[b], gsem.at[b])
        @pl.when(c >= PD)
        def _s():
            pltpu.make_async_copy(tbl_sh.at[src_v.at[0]], rows_v.at[bp],
                                  gsem.at[bp]).wait()
            pltpu.async_copy(rows_v.at[bp], acc_sh.at[dst_v.at[p]],
                             ssem.at[bp], add=True)
        return _
    lax.fori_loop(0, cnt + PD, step, 0)
    def drain(j, _):
        @pl.when(j < cnt)
        def _w():
            pltpu.make_async_copy(rows_v.at[j], acc_sh.at[src_v.at[0]],
                                  ssem.at[j]).wait()
        return _
    lax.fori_loop(0, KB, drain, 0)
    plsc.subcore_barrier()
    pltpu.sync_copy(acc_sh.at[s], out_hbm.at[cid, s])


def _sc_degrees(src_r, dst_r, zeros):
    return pl.kernel(
        _deg_body,
        out_type=jax.ShapeDtypeStruct((NC, 2, NP, F), jnp.float32),
        mesh=_sc_mesh(),
        compiler_params=_SC_PARAMS,
        scratch_types=[
            pltpu.VMEM((MAXC, CH), jnp.int32),
            pltpu.VMEM((MAXC, CH), jnp.int32),
            pltpu.VMEM((CH, F), jnp.float32),
            pltpu.VMEM_SHARED((NP, F), jnp.float32),
            pltpu.VMEM_SHARED((NP, F), jnp.float32),
            pltpu.SemaphoreType.DMA,
        ],
    )(src_r, dst_r, zeros)


def _sc_aggregate(table, src_r, dst_r, zeros):
    return pl.kernel(
        _agg_body,
        out_type=jax.ShapeDtypeStruct((NC, NP, F), jnp.float32),
        mesh=_sc_mesh(),
        compiler_params=_SC_PARAMS,
        scratch_types=[
            pltpu.VMEM((MAXC, CH), jnp.int32),
            pltpu.VMEM((MAXC, CH), jnp.int32),
            pltpu.VMEM((KB, CH, F), jnp.float32),
            pltpu.VMEM_SHARED((NP, F), jnp.float32),
            pltpu.VMEM_SHARED((NP, F), jnp.float32),
            pltpu.SemaphoreType.DMA((KB,)),
            pltpu.SemaphoreType.DMA((KB,)),
        ],
    )(table, src_r, dst_r, zeros)



def _prep1_body(x_ref, w_ref, deg_ref, t_ref, rin_ref, rout_ref):
    dout = deg_ref[0, 0] + deg_ref[1, 0]
    din = deg_ref[0, 1] + deg_ref[1, 1]
    rout = lax.rsqrt(jnp.maximum(dout, 1.0))
    rin = lax.rsqrt(jnp.maximum(din, 1.0))
    rout_ref[...] = rout
    rin_ref[...] = rin
    xall = x_ref[...].reshape(XR, 8, D_IN)
    w = w_ref[...]
    for c in range(8):
        xc = xall[:, c, :]
        yc = jnp.dot(xc, w, preferred_element_type=jnp.float32)
        t_ref[0:XR, c * F:(c + 1) * F] = yc * rout[0:XR, c * F:(c + 1) * F]


def _tc_prep1(x, w1p, deg):
    return pl.pallas_call(
        _prep1_body,
        out_shape=(jax.ShapeDtypeStruct((VR, 128), jnp.float32),
                   jax.ShapeDtypeStruct((VR, 128), jnp.float32),
                   jax.ShapeDtypeStruct((VR, 128), jnp.float32)),
    )(x, w1p, deg)


def _prep_body(part_ref, rin_ref, rout_ref, b_ref, w_ref, t_ref):
    agg = part_ref[0] + part_ref[1]
    h = jnp.maximum(agg * rin_ref[...] + b_ref[...], 0.0)
    y = jnp.dot(h, w_ref[...], preferred_element_type=jnp.float32)
    t_ref[...] = y * rout_ref[...]


def _tc_prep(part, rin, rout, b128, wblk):
    return pl.pallas_call(
        _prep_body,
        out_shape=jax.ShapeDtypeStruct((VR, 128), jnp.float32),
    )(part, rin, rout, b128, wblk)


def _final_body(part_ref, rin_ref, b_ref, l1w_ref, l1b_ref, l2w_ref, l2b_ref,
                l3w_ref, l3b_ref, out_ref):
    agg = part_ref[0] + part_ref[1]
    h = jnp.maximum(agg * rin_ref[...] + b_ref[...], 0.0)
    rows = lax.broadcasted_iota(jnp.int32, (VR, 128), 0)
    h = jnp.where(rows < XR, h, 0.0)
    s = jnp.sum(h, axis=0, keepdims=True)
    fold = jnp.where(lax.broadcasted_iota(jnp.int32, (128, F), 0) % F
                     == lax.broadcasted_iota(jnp.int32, (128, F), 1),
                     1.0, 0.0)
    hg = jnp.dot(s, fold, preferred_element_type=jnp.float32)[:, :H] / N
    hg = jnp.maximum(jnp.dot(hg, l1w_ref[...],
                             preferred_element_type=jnp.float32)
                     + l1b_ref[...], 0.0)
    hg = jnp.maximum(jnp.dot(hg, l2w_ref[...],
                             preferred_element_type=jnp.float32)
                     + l2b_ref[...], 0.0)
    r = jnp.dot(hg, l3w_ref[...], preferred_element_type=jnp.float32)
    out_ref[...] = r + l3b_ref[...]


def _tc_final(part, rin, b3_128, l1w, l1b, l2w, l2b, l3w, l3b):
    return pl.pallas_call(
        _final_body,
        out_shape=jax.ShapeDtypeStruct((1, 1), jnp.float32),
    )(part, rin, b3_128, l1w, l1b, l2w, l2b, l3w, l3b)



def kernel(x, edge_index, W1, b1, W2, b2, W3, b3, L1W, L1b, L2W, L2b, L3W, L3b):
    f32 = jnp.float32
    src_r = edge_index[0].reshape(NCHT, CH)
    dst_r = edge_index[1].reshape(NCHT, CH)
    zeros = jnp.zeros((NP, F), f32)
    eye8 = np.eye(8, dtype=np.float32)

    def padw(w):
        return jnp.zeros((F, F), f32).at[:w.shape[0], :w.shape[1]].set(w)

    def tile_b(b):
        return jnp.tile(jnp.zeros((F,), f32).at[:H].set(b), 8).reshape(1, 128)

    w1p = jnp.zeros((D_IN, F), f32).at[:, :H].set(W1)
    w2b = jnp.kron(eye8, padw(W2))
    w3b = jnp.kron(eye8, padw(W3))
    b1t = tile_b(b1)
    b2t = tile_b(b2)
    b3t = tile_b(b3)

    def vw(a):
        return a.reshape(a.shape[:-2] + (VR, 128))

    def rw(a):
        return a.reshape(NP, F)

    deg = _sc_degrees(src_r, dst_r, zeros)
    t1, rin, rout = _tc_prep1(x, w1p, vw(deg))
    p1 = _sc_aggregate(rw(t1), src_r, dst_r, zeros)
    t2 = _tc_prep(vw(p1), rin, rout, b1t, w2b)
    p2 = _sc_aggregate(rw(t2), src_r, dst_r, zeros)
    t3 = _tc_prep(vw(p2), rin, rout, b2t, w3b)
    p3 = _sc_aggregate(rw(t3), src_r, dst_r, zeros)
    return _tc_final(vw(p3), rin, b3t, L1W, L1b.reshape(1, H),
                     L2W, L2b.reshape(1, H), L3W, L3b.reshape(1, 1))

# --- scband reference (transcript-rebuilt; emitter-appended) ---
"""Pipeline reference for scband-gnn-49452253447051 (READ-ONLY COPY).

The authoritative reference and input builder live on the scoring server;
editing this copy changes nothing except your own understanding.
"""

import jax, jax.numpy as jnp
import numpy as np

N = 10000
E = 320000
D_IN = 128
H = 12


def setup_inputs(seed: int = 0) -> dict:
    key = jax.random.key(seed)
    ks = jax.random.split(key, 16)
    x = jax.random.normal(ks[0], (N, D_IN), dtype=jnp.float32)
    edge_index = jax.random.randint(ks[1], (2, E), 0, N, dtype=jnp.int32)
    def glorot(k, shape):
        fan_in, fan_out = shape[0], shape[1]
        lim = (6.0 / (fan_in + fan_out)) ** 0.5
        return jax.random.uniform(k, shape, dtype=jnp.float32, minval=-lim, maxval=lim)
    W1 = glorot(ks[2], (D_IN, H)); b1 = jnp.zeros((H,), jnp.float32)
    W2 = glorot(ks[3], (H, H));    b2 = jnp.zeros((H,), jnp.float32)
    W3 = glorot(ks[4], (H, H));    b3 = jnp.zeros((H,), jnp.float32)
    L1W = glorot(ks[5], (H, H)); L1b = jnp.zeros((H,), jnp.float32)
    L2W = glorot(ks[6], (H, H)); L2b = jnp.zeros((H,), jnp.float32)
    L3W = glorot(ks[7], (H, 1)); L3b = jnp.zeros((1,), jnp.float32)
    return {"x": x, "edge_index": edge_index,
            "W1": W1, "b1": b1, "W2": W2, "b2": b2, "W3": W3, "b3": b3,
            "L1W": L1W, "L1b": L1b, "L2W": L2W, "L2b": L2b, "L3W": L3W, "L3b": L3b}


def _graph_conv(h, src, dst, W, b):
    # DGL GraphConv with norm='both': h_i = b + sum_{j->i} h_j W / sqrt(deg_out(j)*deg_in(i))
    deg_out = jnp.maximum(jnp.bincount(src, length=N), 1).astype(h.dtype)
    deg_in = jnp.maximum(jnp.bincount(dst, length=N), 1).astype(h.dtype)
    h = h * jax.lax.rsqrt(deg_out)[:, None]
    h = h @ W
    agg = jax.ops.segment_sum(h[src], dst, num_segments=N)
    return agg * jax.lax.rsqrt(deg_in)[:, None] + b


def reference(x, edge_index, W1, b1, W2, b2, W3, b3, L1W, L1b, L2W, L2b, L3W, L3b):
    src, dst = edge_index[0], edge_index[1]
    h = jax.nn.relu(_graph_conv(x, src, dst, W1, b1))
    h = jax.nn.relu(_graph_conv(h, src, dst, W2, b2))
    h = jax.nn.relu(_graph_conv(h, src, dst, W3, b3))
    hg = jnp.mean(h, axis=0, keepdims=True)  # dgl.mean_nodes over a single graph -> (1, H)
    hg = jax.nn.relu(hg @ L1W + L1b)
    hg = jax.nn.relu(hg @ L2W + L2b)
    hg = hg @ L3W + L3b
    return hg

if __name__ == "__main__":
    import jax
    _d = setup_inputs()
    print(jax.jit(kernel)(*tuple(_d.values())))

</pallas_src>

<mosaic_0001>
#map = affine_map<(d0, d1) -> (0, 0)>
#map1 = affine_map<(d0, d1) -> (0, 0, 0)>
module attributes {stable_mosaic.version = 14 : i64} {
  func.func @_agg_body(%arg0: i32, %arg1: i32, %arg2: memref<10240x16xf32, #tpu.memory_space<hbm>>, %arg3: memref<2500x128xi32, #tpu.memory_space<hbm>>, %arg4: memref<2500x128xi32, #tpu.memory_space<hbm>>, %arg5: memref<10240x16xf32, #tpu.memory_space<hbm>>, %arg6: memref<2x10240x16xf32, #tpu.memory_space<hbm>>, %arg7: memref<79x128xi32, #tpu.memory_space<vmem>>, %arg8: memref<79x128xi32, #tpu.memory_space<vmem>>, %arg9: memref<8x128x16xf32, #tpu.memory_space<vmem>>, %arg10: memref<10240x16xf32, #tpu.memory_space<vmem_shared>>, %arg11: memref<10240x16xf32, #tpu.memory_space<vmem_shared>>, %arg12: memref<8x!tpu.dma_semaphore, #tpu.memory_space<semaphore_mem>>, %arg13: memref<8x!tpu.dma_semaphore, #tpu.memory_space<semaphore_mem>>) attributes {dimension_semantics = [#tpu.dimension_semantics<core_parallel>, #tpu.dimension_semantics<subcore_parallel>], iteration_bounds = array<i64: 2, 16>, scalar_prefetch = 0 : i64, scratch_operands = 7 : i64, tpu.core_type = #tpu.core_type<sc_vector_subcore>, window_params = [{transform_indices = #map}, {transform_indices = #map}, {transform_indices = #map}, {transform_indices = #map}, {transform_indices = #map1}]} {
    %mul3A = arith.constant 2 : i32
    %mul3A_0 = arith.muli %arg1, %mul3A : i32
    %add3A = arith.addi %mul3A_0, %arg0 : i32
    %mul3A_1 = arith.constant 2500 : i32
    %mul3A_2 = arith.muli %add3A, %mul3A_1 : i32
    %jit3A = arith.constant 32 : i32
    %div3A = arith.divsi %mul3A_2, %jit3A : i32
    %sign3A = arith.constant 0 : i32
    %sign3A_3 = arith.cmpi sgt, %mul3A_2, %sign3A : i32
    %sign3A_4 = arith.extui %sign3A_3 : i1 to i32
    %sign3A_5 = arith.constant 0 : i32
    %sign3A_6 = arith.cmpi slt, %mul3A_2, %sign3A_5 : i32
    %sign3A_7 = arith.extui %sign3A_6 : i1 to i32
    %sign3A_8 = arith.subi %sign3A_4, %sign3A_7 : i32
    %sign3A_9 = arith.constant 0 : i32
    %sign3A_10 = arith.cmpi sgt, %jit3A, %sign3A_9 : i32
    %sign3A_11 = arith.extui %sign3A_10 : i1 to i32
    %sign3A_12 = arith.constant 0 : i32
    %sign3A_13 = arith.cmpi slt, %jit3A, %sign3A_12 : i32
    %sign3A_14 = arith.extui %sign3A_13 : i1 to i32
    %sign3A_15 = arith.subi %sign3A_11, %sign3A_14 : i32
    %ne3A = arith.cmpi ne, %sign3A_8, %sign3A_15 : i32
    %rem3A = arith.remsi %mul3A_2, %jit3A : i32
    %ne3A_16 = arith.constant 0 : i32
    %ne3A_17 = arith.cmpi ne, %rem3A, %ne3A_16 : i32
    %and3A = arith.andi %ne3A, %ne3A_17 : i1
    %sub3A = arith.constant 1 : i32
    %sub3A_18 = arith.subi %div3A, %sub3A : i32
    %select_n3A = arith.select %and3A, %sub3A_18, %div3A : i32
    %add3A_19 = arith.constant 1 : i32
    %add3A_20 = arith.addi %add3A, %add3A_19 : i32
    %mul3A_21 = arith.constant 2500 : i32
    %mul3A_22 = arith.muli %add3A_20, %mul3A_21 : i32
    %jit3A_23 = arith.constant 32 : i32
    %div3A_24 = arith.divsi %mul3A_22, %jit3A_23 : i32
    %sign3A_25 = arith.constant 0 : i32
    %sign3A_26 = arith.cmpi sgt, %mul3A_22, %sign3A_25 : i32
    %sign3A_27 = arith.extui %sign3A_26 : i1 to i32
    %sign3A_28 = arith.constant 0 : i32
    %sign3A_29 = arith.cmpi slt, %mul3A_22, %sign3A_28 : i32
    %sign3A_30 = arith.extui %sign3A_29 : i1 to i32
    %sign3A_31 = arith.subi %sign3A_27, %sign3A_30 : i32
    %sign3A_32 = arith.constant 0 : i32
    %sign3A_33 = arith.cmpi sgt, %jit3A_23, %sign3A_32 : i32
    %sign3A_34 = arith.extui %sign3A_33 : i1 to i32
    %sign3A_35 = arith.constant 0 : i32
    %sign3A_36 = arith.cmpi slt, %jit3A_23, %sign3A_35 : i32
    %sign3A_37 = arith.extui %sign3A_36 : i1 to i32
    %sign3A_38 = arith.subi %sign3A_34, %sign3A_37 : i32
    %ne3A_39 = arith.cmpi ne, %sign3A_31, %sign3A_38 : i32
    %rem3A_40 = arith.remsi %mul3A_22, %jit3A_23 : i32
    %ne3A_41 = arith.constant 0 : i32
    %ne3A_42 = arith.cmpi ne, %rem3A_40, %ne3A_41 : i32
    %and3A_43 = arith.andi %ne3A_39, %ne3A_42 : i1
    %sub3A_44 = arith.constant 1 : i32
    %sub3A_45 = arith.subi %div3A_24, %sub3A_44 : i32
    %select_n3A_46 = arith.select %and3A_43, %sub3A_45, %div3A_24 : i32
    %sub3A_47 = arith.subi %select_n3A_46, %select_n3A : i32
    %mul3A_48 = arith.constant 640 : i32
    %mul3A_49 = arith.muli %arg1, %mul3A_48 : i32
    %dma_start3A = arith.constant 0 : i32
    %dma_start3A_50 = tpu.memref_slice %arg12[%dma_start3A] : memref<8x!tpu.dma_semaphore, #tpu.memory_space<semaphore_mem>> -> memref<1x!tpu.dma_semaphore, #tpu.memory_space<semaphore_mem>>
    %dma_start3A_51 = tpu.memref_squeeze %dma_start3A_50 : memref<1x!tpu.dma_semaphore, #tpu.memory_space<semaphore_mem>> -> memref<!tpu.dma_semaphore, #tpu.memory_space<semaphore_mem>>
    %dma_start3A_52 = arith.constant 0 : i32
    %dma_start3A_53 = tpu.memref_slice %arg11[%mul3A_49, %dma_start3A_52] : memref<10240x16xf32, #tpu.memory_space<vmem_shared>> -> memref<640x16xf32, #tpu.memory_space<vmem_shared>>
    %dma_start3A_54 = arith.constant 0 : i32
    %dma_start3A_55 = tpu.memref_slice %arg5[%mul3A_49, %dma_start3A_54] : memref<10240x16xf32, #tpu.memory_space<hbm>> -> memref<640x16xf32, #tpu.memory_space<hbm>>
    tpu.enqueue_dma source(%dma_start3A_55 : memref<640x16xf32, #tpu.memory_space<hbm>>) target(%dma_start3A_53 : memref<640x16xf32, #tpu.memory_space<vmem_shared>>) target_semaphore(%dma_start3A_51 : memref<!tpu.dma_semaphore, #tpu.memory_space<semaphore_mem>>)
    %dma_start3A_56 = arith.constant 1 : i32
    %dma_start3A_57 = tpu.memref_slice %arg12[%dma_start3A_56] : memref<8x!tpu.dma_semaphore, #tpu.memory_space<semaphore_mem>> -> memref<1x!tpu.dma_semaphore, #tpu.memory_space<semaphore_mem>>
    %dma_start3A_58 = tpu.memref_squeeze %dma_start3A_57 : memref<1x!tpu.dma_semaphore, #tpu.memory_space<semaphore_mem>> -> memref<!tpu.dma_semaphore, #tpu.memory_space<semaphore_mem>>
    %dma_start3A_59 = arith.constant 0 : i32
    %dma_start3A_60 = tpu.memref_slice %arg10[%mul3A_49, %dma_start3A_59] : memref<10240x16xf32, #tpu.memory_space<vmem_shared>> -> memref<640x16xf32, #tpu.memory_space<vmem_shared>>
    %dma_start3A_61 = arith.constant 0 : i32
    %dma_start3A_62 = tpu.memref_slice %arg2[%mul3A_49, %dma_start3A_61] : memref<10240x16xf32, #tpu.memory_space<hbm>> -> memref<640x16xf32, #tpu.memory_space<hbm>>
    tpu.enqueue_dma source(%dma_start3A_62 : memref<640x16xf32, #tpu.memory_space<hbm>>) target(%dma_start3A_60 : memref<640x16xf32, #tpu.memory_space<vmem_shared>>) target_semaphore(%dma_start3A_58 : memref<!tpu.dma_semaphore, #tpu.memory_space<semaphore_mem>>)
    %dma_start3A_63 = arith.constant 2 : i32
    %dma_start3A_64 = arith.constant 0 : i32
    %dma_start3A_65 = tpu.memref_slice %arg3[%select_n3A, %dma_start3A_64] : memref<2500x128xi32, #tpu.memory_space<hbm>> -> memref<79x128xi32, #tpu.memory_space<hbm>>
    %dma_start3A_66 = tpu.memref_slice %arg12[%dma_start3A_63] : memref<8x!tpu.dma_semaphore, #tpu.memory_space<semaphore_mem>> -> memref<1x!tpu.dma_semaphore, #tpu.memory_space<semaphore_mem>>
    %dma_start3A_67 = tpu.memref_squeeze %dma_start3A_66 : memref<1x!tpu.dma_semaphore, #tpu.memory_space<semaphore_mem>> -> memref<!tpu.dma_semaphore, #tpu.memory_space<semaphore_mem>>
    %dma_start3A_68 = arith.constant 0 : i32
    %dma_start3A_69 = tpu.memref_slice %arg3[%select_n3A, %dma_start3A_68] : memref<2500x128xi32, #tpu.memory_space<hbm>> -> memref<79x128xi32, #tpu.memory_space<hbm>>
    tpu.enqueue_dma source(%dma_start3A_69 : memref<79x128xi32, #tpu.memory_space<hbm>>) target(%arg7 : memref<79x128xi32, #tpu.memory_space<vmem>>) target_semaphore(%dma_start3A_67 : memref<!tpu.dma_semaphore, #tpu.memory_space<semaphore_mem>>)
    %dma_start3A_70 = arith.constant 3 : i32
    %dma_start3A_71 = arith.constant 0 : i32
    %dma_start3A_72 = tpu.memref_slice %arg4[%select_n3A, %dma_start3A_71] : memref<2500x128xi32, #tpu.memory_space<hbm>> -> memref<79x128xi32, #tpu.memory_space<hbm>>
    %dma_start3A_73 = tpu.memref_slice %arg12[%dma_start3A_70] : memref<8x!tpu.dma_semaphore, #tpu.memory_space<semaphore_mem>> -> memref<1x!tpu.dma_semaphore, #tpu.memory_space<semaphore_mem>>
    %dma_start3A_74 = tpu.memref_squeeze %dma_start3A_73 : memref<1x!tpu.dma_semaphore, #tpu.memory_space<semaphore_mem>> -> memref<!tpu.dma_semaphore, #tpu.memory_space<semaphore_mem>>
    %dma_start3A_75 = arith.constant 0 : i32
    %dma_start3A_76 = tpu.memref_slice %arg4[%select_n3A, %dma_start3A_75] : memref<2500x128xi32, #tpu.memory_space<hbm>> -> memref<79x128xi32, #tpu.memory_space<hbm>>
    tpu.enqueue_dma source(%dma_start3A_76 : memref<79x128xi32, #tpu.memory_space<hbm>>) target(%arg8 : memref<79x128xi32, #tpu.memory_space<vmem>>) target_semaphore(%dma_start3A_74 : memref<!tpu.dma_semaphore, #tpu.memory_space<semaphore_mem>>)
    %dma_wait3A = arith.constant 0 : i32
    %dma_wait3A_77 = tpu.memref_slice %arg12[%dma_wait3A] : memref<8x!tpu.dma_semaphore, #tpu.memory_space<semaphore_mem>> -> memref<1x!tpu.dma_semaphore, #tpu.memory_space<semaphore_mem>>
    %dma_wait3A_78 = tpu.memref_squeeze %dma_wait3A_77 : memref<1x!tpu.dma_semaphore, #tpu.memory_space<semaphore_mem>> -> memref<!tpu.dma_semaphore, #tpu.memory_space<semaphore_mem>>
    %dma_wait3A_79 = arith.constant 0 : i32
    %dma_wait3A_80 = tpu.memref_slice %arg11[%mul3A_49, %dma_wait3A_79] : memref<10240x16xf32, #tpu.memory_space<vmem_shared>> -> memref<640x16xf32, #tpu.memory_space<vmem_shared>>
    %dma_wait3A_81 = arith.constant 0 : i32
    %dma_wait3A_82 = tpu.memref_slice %arg5[%mul3A_49, %dma_wait3A_81] : memref<10240x16xf32, #tpu.memory_space<hbm>> -> memref<640x16xf32, #tpu.memory_space<hbm>>
    tpu.wait_dma2 semaphore(%dma_wait3A_78 : memref<!tpu.dma_semaphore, #tpu.memory_space<semaphore_mem>>) src(%dma_wait3A_82 : memref<640x16xf32, #tpu.memory_space<hbm>>) dst(%dma_wait3A_80 : memref<640x16xf32, #tpu.memory_space<vmem_shared>>)
    %dma_wait3A_83 = arith.constant 1 : i32
    %dma_wait3A_84 = tpu.memref_slice %arg12[%dma_wait3A_83] : memref<8x!tpu.dma_semaphore, #tpu.memory_space<semaphore_mem>> -> memref<1x!tpu.dma_semaphore, #tpu.memory_space<semaphore_mem>>
    %dma_wait3A_85 = tpu.memref_squeeze %dma_wait3A_84 : memref<1x!tpu.dma_semaphore, #tpu.memory_space<semaphore_mem>> -> memref<!tpu.dma_semaphore, #tpu.memory_space<semaphore_mem>>
    %dma_wait3A_86 = arith.constant 0 : i32
    %dma_wait3A_87 = tpu.memref_slice %arg10[%mul3A_49, %dma_wait3A_86] : memref<10240x16xf32, #tpu.memory_space<vmem_shared>> -> memref<640x16xf32, #tpu.memory_space<vmem_shared>>
    %dma_wait3A_88 = arith.constant 0 : i32
    %dma_wait3A_89 = tpu.memref_slice %arg2[%mul3A_49, %dma_wait3A_88] : memref<10240x16xf32, #tpu.memory_space<hbm>> -> memref<640x16xf32, #tpu.memory_space<hbm>>
    tpu.wait_dma2 semaphore(%dma_wait3A_85 : memref<!tpu.dma_semaphore, #tpu.memory_space<semaphore_mem>>) src(%dma_wait3A_89 : memref<640x16xf32, #tpu.memory_space<hbm>>) dst(%dma_wait3A_87 : memref<640x16xf32, #tpu.memory_space<vmem_shared>>)
    %dma_wait3A_90 = arith.constant 2 : i32
    %dma_wait3A_91 = arith.constant 0 : i32
    %dma_wait3A_92 = tpu.memref_slice %arg3[%select_n3A, %dma_wait3A_91] : memref<2500x128xi32, #tpu.memory_space<hbm>> -> memref<79x128xi32, #tpu.memory_space<hbm>>
    %dma_wait3A_93 = tpu.memref_slice %arg12[%dma_wait3A_90] : memref<8x!tpu.dma_semaphore, #tpu.memory_space<semaphore_mem>> -> memref<1x!tpu.dma_semaphore, #tpu.memory_space<semaphore_mem>>
    %dma_wait3A_94 = tpu.memref_squeeze %dma_wait3A_93 : memref<1x!tpu.dma_semaphore, #tpu.memory_space<semaphore_mem>> -> memref<!tpu.dma_semaphore, #tpu.memory_space<semaphore_mem>>
    %dma_wait3A_95 = arith.constant 0 : i32
    %dma_wait3A_96 = tpu.memref_slice %arg3[%select_n3A, %dma_wait3A_95] : memref<2500x128xi32, #tpu.memory_space<hbm>> -> memref<79x128xi32, #tpu.memory_space<hbm>>
    tpu.wait_dma2 semaphore(%dma_wait3A_94 : memref<!tpu.dma_semaphore, #tpu.memory_space<semaphore_mem>>) src(%dma_wait3A_96 : memref<79x128xi32, #tpu.memory_space<hbm>>) dst(%arg7 : memref<79x128xi32, #tpu.memory_space<vmem>>)
    %dma_wait3A_97 = arith.constant 3 : i32
    %dma_wait3A_98 = arith.constant 0 : i32
    %dma_wait3A_99 = tpu.memref_slice %arg4[%select_n3A, %dma_wait3A_98] : memref<2500x128xi32, #tpu.memory_space<hbm>> -> memref<79x128xi32, #tpu.memory_space<hbm>>
    %dma_wait3A_100 = tpu.memref_slice %arg12[%dma_wait3A_97] : memref<8x!tpu.dma_semaphore, #tpu.memory_space<semaphore_mem>> -> memref<1x!tpu.dma_semaphore, #tpu.memory_space<semaphore_mem>>
    %dma_wait3A_101 = tpu.memref_squeeze %dma_wait3A_100 : memref<1x!tpu.dma_semaphore, #tpu.memory_space<semaphore_mem>> -> memref<!tpu.dma_semaphore, #tpu.memory_space<semaphore_mem>>
    %dma_wait3A_102 = arith.constant 0 : i32
    %dma_wait3A_103 = tpu.memref_slice %arg4[%select_n3A, %dma_wait3A_102] : memref<2500x128xi32, #tpu.memory_space<hbm>> -> memref<79x128xi32, #tpu.memory_space<hbm>>
    tpu.wait_dma2 semaphore(%dma_wait3A_101 : memref<!tpu.dma_semaphore, #tpu.memory_space<semaphore_mem>>) src(%dma_wait3A_103 : memref<79x128xi32, #tpu.memory_space<hbm>>) dst(%arg8 : memref<79x128xi32, #tpu.memory_space<vmem>>)
    %barrier3A = arith.constant 0 : index
    tpu.barrier barrier_id(%barrier3A)
    %add3A_104 = arith.constant 4 : i32
    %add3A_105 = arith.addi %sub3A_47, %add3A_104 : i32
    %while3A = arith.constant 0 : i32
    %while3A_106 = arith.constant 0 : i32
    %while3A_107 = arith.subi %add3A_105, %while3A_106 : i32
    %while3A_108 = arith.addi %while3A_106, %while3A_107 : i32
    %while3A_109 = arith.constant 1 : i32
    %while3A_110 = arith.divsi %while3A_107, %while3A_109 : i32
    %while3A_111 = arith.muli %while3A_110, %while3A_109 : i32
    %while3A_112 = arith.addi %while3A_106, %while3A_111 : i32
    %while3A_113 = arith.constant 1 : i32
    scf.for %while3A_121 = %while3A_106 to %while3A_112 step %while3A_113  : i32 {
      %rem3A_122 = arith.constant 8 : i32
      %rem3A_123 = arith.remsi %while3A_121, %rem3A_122 : i32
      %sub3A_124 = arith.constant 4 : i32
      %sub3A_125 = arith.subi %while3A_121, %sub3A_124 : i32
      %add3A_126 = arith.constant 8 : i32
      %add3A_127 = arith.addi %sub3A_125, %add3A_126 : i32
      %rem3A_128 = arith.constant 8 : i32
      %rem3A_129 = arith.remsi %add3A_127, %rem3A_128 : i32
      %lt3A = arith.cmpi slt, %while3A_121, %sub3A_47 : i32
      %convert_element_type3A = arith.extui %lt3A : i1 to i32
      %cond3A = arith.constant 0 : i32
      %cond3A_130 = arith.cmpi ne, %convert_element_type3A, %cond3A : i32
      scf.if %cond3A_130 {
        %ge3A_135 = arith.constant 8 : i32
        %ge3A_136 = arith.cmpi sge, %while3A_121, %ge3A_135 : i32
        %convert_element_type3A_137 = arith.extui %ge3A_136 : i1 to i32
        %cond3A_138 = arith.constant 0 : i32
        %cond3A_139 = arith.cmpi ne, %convert_element_type3A_137, %cond3A_138 : i32
        scf.if %cond3A_139 {
          %dma_wait3A_152 = arith.constant 0 : i32
          %dma_wait3A_153 = arith.constant 0 : i32
          %dma_wait3A_154 = arith.constant 0 : i32
          %dma_wait3A_155 = tpu.memref_slice %arg9[%rem3A_123, %dma_wait3A_153, %dma_wait3A_154] : memref<8x128x16xf32, #tpu.memory_space<vmem>> -> memref<1x128x16xf32, #tpu.memory_space<vmem>>
          %dma_wait3A_156 = tpu.memref_squeeze %dma_wait3A_155 : memref<1x128x16xf32, #tpu.memory_space<vmem>> -> memref<128x16xf32, #tpu.memory_space<vmem>>
          %dma_wait3A_157 = arith.constant 0 : i32
          %dma_wait3A_158 = tpu.memref_slice %arg7[%dma_wait3A_152, %dma_wait3A_157] : memref<79x128xi32, #tpu.memory_space<vmem>> -> memref<1x128xi32, #tpu.memory_space<vmem>>
          %dma_wait3A_159 = tpu.memref_squeeze %dma_wait3A_158 : memref<1x128xi32, #tpu.memory_space<vmem>> -> memref<128xi32, #tpu.memory_space<vmem>>
          %dma_wait3A_160 = arith.constant 0 : i32
          %dma_wait3A_161 = arith.constant 0 : i32
          %dma_wait3A_162 = tpu.memref_slice %arg11[%dma_wait3A_160, %dma_wait3A_161] : memref<10240x16xf32, #tpu.memory_space<vmem_shared>> -> memref<10240x16xf32, #tpu.memory_space<vmem_shared>>
          %dma_wait3A_163 = tpu.memref_slice %arg13[%rem3A_123] : memref<8x!tpu.dma_semaphore, #tpu.memory_space<semaphore_mem>> -> memref<1x!tpu.dma_semaphore, #tpu.memory_space<semaphore_mem>>
          %dma_wait3A_164 = tpu.memref_squeeze %dma_wait3A_163 : memref<1x!tpu.dma_semaphore, #tpu.memory_space<semaphore_mem>> -> memref<!tpu.dma_semaphore, #tpu.memory_space<semaphore_mem>>
          tpu.wait_indirect_dma semaphore(%dma_wait3A_164 : memref<!tpu.dma_semaphore, #tpu.memory_space<semaphore_mem>>) src(%dma_wait3A_156 : memref<128x16xf32, #tpu.memory_space<vmem>>) dst(%dma_wait3A_162 : memref<10240x16xf32, #tpu.memory_space<vmem_shared>>)
        } else {
        }
        %dma_start3A_140 = arith.constant 0 : i32
        %dma_start3A_141 = arith.constant 0 : i32
        %dma_start3A_142 = tpu.memref_slice %arg9[%rem3A_123, %dma_start3A_140, %dma_start3A_141] : memref<8x128x16xf32, #tpu.memory_space<vmem>> -> memref<1x128x16xf32, #tpu.memory_space<vmem>>
        %dma_start3A_143 = tpu.memref_squeeze %dma_start3A_142 : memref<1x128x16xf32, #tpu.memory_space<vmem>> -> memref<128x16xf32, #tpu.memory_space<vmem>>
        %dma_start3A_144 = arith.constant 0 : i32
        %dma_start3A_145 = tpu.memref_slice %arg7[%while3A_121, %dma_start3A_144] : memref<79x128xi32, #tpu.memory_space<vmem>> -> memref<1x128xi32, #tpu.memory_space<vmem>>
        %dma_start3A_146 = tpu.memref_squeeze %dma_start3A_145 : memref<1x128xi32, #tpu.memory_space<vmem>> -> memref<128xi32, #tpu.memory_space<vmem>>
        %dma_start3A_147 = arith.constant 0 : i32
        %dma_start3A_148 = arith.constant 0 : i32
        %dma_start3A_149 = tpu.memref_slice %arg10[%dma_start3A_147, %dma_start3A_148] : memref<10240x16xf32, #tpu.memory_space<vmem_shared>> -> memref<10240x16xf32, #tpu.memory_space<vmem_shared>>
        %dma_start3A_150 = tpu.memref_slice %arg12[%rem3A_123] : memref<8x!tpu.dma_semaphore, #tpu.memory_space<semaphore_mem>> -> memref<1x!tpu.dma_semaphore, #tpu.memory_space<semaphore_mem>>
        %dma_start3A_151 = tpu.memref_squeeze %dma_start3A_150 : memref<1x!tpu.dma_semaphore, #tpu.memory_space<semaphore_mem>> -> memref<!tpu.dma_semaphore, #tpu.memory_space<semaphore_mem>>
        tpu.enqueue_indirect_dma source(%dma_start3A_149 : memref<10240x16xf32, #tpu.memory_space<vmem_shared>>) target(%dma_start3A_143 : memref<128x16xf32, #tpu.memory_space<vmem>>) offsets(%dma_start3A_146 : memref<128xi32, #tpu.memory_space<vmem>>) semaphore(%dma_start3A_151 : memref<!tpu.dma_semaphore, #tpu.memory_space<semaphore_mem>>)
      } else {
      }
      %ge3A = arith.constant 4 : i32
      %ge3A_131 = arith.cmpi sge, %while3A_121, %ge3A : i32
      %convert_element_type3A_132 = arith.extui %ge3A_131 : i1 to i32
      %cond3A_133 = arith.constant 0 : i32
      %cond3A_134 = arith.cmpi ne, %convert_element_type3A_132, %cond3A_133 : i32
      scf.if %cond3A_134 {
        %dma_wait3A_135 = arith.constant 0 : i32
        %dma_wait3A_136 = arith.constant 0 : i32
        %dma_wait3A_137 = arith.constant 0 : i32
        %dma_wait3A_138 = tpu.memref_slice %arg9[%rem3A_129, %dma_wait3A_136, %dma_wait3A_137] : memref<8x128x16xf32, #tpu.memory_space<vmem>> -> memref<1x128x16xf32, #tpu.memory_space<vmem>>
        %dma_wait3A_139 = tpu.memref_squeeze %dma_wait3A_138 : memref<1x128x16xf32, #tpu.memory_space<vmem>> -> memref<128x16xf32, #tpu.memory_space<vmem>>
        %dma_wait3A_140 = arith.constant 0 : i32
        %dma_wait3A_141 = tpu.memref_slice %arg7[%dma_wait3A_135, %dma_wait3A_140] : memref<79x128xi32, #tpu.memory_space<vmem>> -> memref<1x128xi32, #tpu.memory_space<vmem>>
        %dma_wait3A_142 = tpu.memref_squeeze %dma_wait3A_141 : memref<1x128xi32, #tpu.memory_space<vmem>> -> memref<128xi32, #tpu.memory_space<vmem>>
        %dma_wait3A_143 = arith.constant 0 : i32
        %dma_wait3A_144 = arith.constant 0 : i32
        %dma_wait3A_145 = tpu.memref_slice %arg10[%dma_wait3A_143, %dma_wait3A_144] : memref<10240x16xf32, #tpu.memory_space<vmem_shared>> -> memref<10240x16xf32, #tpu.memory_space<vmem_shared>>
        %dma_wait3A_146 = tpu.memref_slice %arg12[%rem3A_129] : memref<8x!tpu.dma_semaphore, #tpu.memory_space<semaphore_mem>> -> memref<1x!tpu.dma_semaphore, #tpu.memory_space<semaphore_mem>>
        %dma_wait3A_147 = tpu.memref_squeeze %dma_wait3A_146 : memref<1x!tpu.dma_semaphore, #tpu.memory_space<semaphore_mem>> -> memref<!tpu.dma_semaphore, #tpu.memory_space<semaphore_mem>>
        tpu.wait_indirect_dma semaphore(%dma_wait3A_147 : memref<!tpu.dma_semaphore, #tpu.memory_space<semaphore_mem>>) src(%dma_wait3A_145 : memref<10240x16xf32, #tpu.memory_space<vmem_shared>>) dst(%dma_wait3A_139 : memref<128x16xf32, #tpu.memory_space<vmem>>)
        %dma_start3A_148 = arith.constant 0 : i32
        %dma_start3A_149 = arith.constant 0 : i32
        %dma_start3A_150 = tpu.memref_slice %arg9[%rem3A_129, %dma_start3A_148, %dma_start3A_149] : memref<8x128x16xf32, #tpu.memory_space<vmem>> -> memref<1x128x16xf32, #tpu.memory_space<vmem>>
        %dma_start3A_151 = tpu.memref_squeeze %dma_start3A_150 : memref<1x128x16xf32, #tpu.memory_space<vmem>> -> memref<128x16xf32, #tpu.memory_space<vmem>>
        %dma_start3A_152 = arith.constant 0 : i32
        %dma_start3A_153 = tpu.memref_slice %arg8[%sub3A_125, %dma_start3A_152] : memref<79x128xi32, #tpu.memory_space<vmem>> -> memref<1x128xi32, #tpu.memory_space<vmem>>
        %dma_start3A_154 = tpu.memref_squeeze %dma_start3A_153 : memref<1x128xi32, #tpu.memory_space<vmem>> -> memref<128xi32, #tpu.memory_space<vmem>>
        %dma_start3A_155 = arith.constant 0 : i32
        %dma_start3A_156 = arith.constant 0 : i32
        %dma_start3A_157 = tpu.memref_slice %arg11[%dma_start3A_155, %dma_start3A_156] : memref<10240x16xf32, #tpu.memory_space<vmem_shared>> -> memref<10240x16xf32, #tpu.memory_space<vmem_shared>>
        %dma_start3A_158 = tpu.memref_slice %arg13[%rem3A_129] : memref<8x!tpu.dma_semaphore, #tpu.memory_space<semaphore_mem>> -> memref<1x!tpu.dma_semaphore, #tpu.memory_space<semaphore_mem>>
        %dma_start3A_159 = tpu.memref_squeeze %dma_start3A_158 : memref<1x!tpu.dma_semaphore, #tpu.memory_space<semaphore_mem>> -> memref<!tpu.dma_semaphore, #tpu.memory_space<semaphore_mem>>
        tpu.enqueue_indirect_dma source(%dma_start3A_151 : memref<128x16xf32, #tpu.memory_space<vmem>>) target(%dma_start3A_157 : memref<10240x16xf32, #tpu.memory_space<vmem_shared>>) offsets(%dma_start3A_154 : memref<128xi32, #tpu.memory_space<vmem>>) semaphore(%dma_start3A_159 : memref<!tpu.dma_semaphore, #tpu.memory_space<semaphore_mem>>) {add = true}
      } else {
      }
    }
    %while3A_114 = arith.constant 1 : i32
    scf.for %while3A_121 = %while3A_112 to %while3A_108 step %while3A_114  : i32 {
      %rem3A_122 = arith.constant 8 : i32
      %rem3A_123 = arith.remsi %while3A_121, %rem3A_122 : i32
      %sub3A_124 = arith.constant 4 : i32
      %sub3A_125 = arith.subi %while3A_121, %sub3A_124 : i32
      %add3A_126 = arith.constant 8 : i32
      %add3A_127 = arith.addi %sub3A_125, %add3A_126 : i32
      %rem3A_128 = arith.constant 8 : i32
      %rem3A_129 = arith.remsi %add3A_127, %rem3A_128 : i32
      %lt3A = arith.cmpi slt, %while3A_121, %sub3A_47 : i32
      %convert_element_type3A = arith.extui %lt3A : i1 to i32
      %cond3A = arith.constant 0 : i32
      %cond3A_130 = arith.cmpi ne, %convert_element_type3A, %cond3A : i32
      scf.if %cond3A_130 {
        %ge3A_135 = arith.constant 8 : i32
        %ge3A_136 = arith.cmpi sge, %while3A_121, %ge3A_135 : i32
        %convert_element_type3A_137 = arith.extui %ge3A_136 : i1 to i32
        %cond3A_138 = arith.constant 0 : i32
        %cond3A_139 = arith.cmpi ne, %convert_element_type3A_137, %cond3A_138 : i32
        scf.if %cond3A_139 {
          %dma_wait3A_152 = arith.constant 0 : i32
          %dma_wait3A_153 = arith.constant 0 : i32
          %dma_wait3A_154 = arith.constant 0 : i32
          %dma_wait3A_155 = tpu.memref_slice %arg9[%rem3A_123, %dma_wait3A_153, %dma_wait3A_154] : memref<8x128x16xf32, #tpu.memory_space<vmem>> -> memref<1x128x16xf32, #tpu.memory_space<vmem>>
          %dma_wait3A_156 = tpu.memref_squeeze %dma_wait3A_155 : memref<1x128x16xf32, #tpu.memory_space<vmem>> -> memref<128x16xf32, #tpu.memory_space<vmem>>
          %dma_wait3A_157 = arith.constant 0 : i32
          %dma_wait3A_158 = tpu.memref_slice %arg7[%dma_wait3A_152, %dma_wait3A_157] : memref<79x128xi32, #tpu.memory_space<vmem>> -> memref<1x128xi32, #tpu.memory_space<vmem>>
          %dma_wait3A_159 = tpu.memref_squeeze %dma_wait3A_158 : memref<1x128xi32, #tpu.memory_space<vmem>> -> memref<128xi32, #tpu.memory_space<vmem>>
          %dma_wait3A_160 = arith.constant 0 : i32
          %dma_wait3A_161 = arith.constant 0 : i32
          %dma_wait3A_162 = tpu.memref_slice %arg11[%dma_wait3A_160, %dma_wait3A_161] : memref<10240x16xf32, #tpu.memory_space<vmem_shared>> -> memref<10240x16xf32, #tpu.memory_space<vmem_shared>>
          %dma_wait3A_163 = tpu.memref_slice %arg13[%rem3A_123] : memref<8x!tpu.dma_semaphore, #tpu.memory_space<semaphore_mem>> -> memref<1x!tpu.dma_semaphore, #tpu.memory_space<semaphore_mem>>
          %dma_wait3A_164 = tpu.memref_squeeze %dma_wait3A_163 : memref<1x!tpu.dma_semaphore, #tpu.memory_space<semaphore_mem>> -> memref<!tpu.dma_semaphore, #tpu.memory_space<semaphore_mem>>
          tpu.wait_indirect_dma semaphore(%dma_wait3A_164 : memref<!tpu.dma_semaphore, #tpu.memory_space<semaphore_mem>>) src(%dma_wait3A_156 : memref<128x16xf32, #tpu.memory_space<vmem>>) dst(%dma_wait3A_162 : memref<10240x16xf32, #tpu.memory_space<vmem_shared>>)
        } else {
        }
        %dma_start3A_140 = arith.constant 0 : i32
        %dma_start3A_141 = arith.constant 0 : i32
        %dma_start3A_142 = tpu.memref_slice %arg9[%rem3A_123, %dma_start3A_140, %dma_start3A_141] : memref<8x128x16xf32, #tpu.memory_space<vmem>> -> memref<1x128x16xf32, #tpu.memory_space<vmem>>
        %dma_start3A_143 = tpu.memref_squeeze %dma_start3A_142 : memref<1x128x16xf32, #tpu.memory_space<vmem>> -> memref<128x16xf32, #tpu.memory_space<vmem>>
        %dma_start3A_144 = arith.constant 0 : i32
        %dma_start3A_145 = tpu.memref_slice %arg7[%while3A_121, %dma_start3A_144] : memref<79x128xi32, #tpu.memory_space<vmem>> -> memref<1x128xi32, #tpu.memory_space<vmem>>
        %dma_start3A_146 = tpu.memref_squeeze %dma_start3A_145 : memref<1x128xi32, #tpu.memory_space<vmem>> -> memref<128xi32, #tpu.memory_space<vmem>>
        %dma_start3A_147 = arith.constant 0 : i32
        %dma_start3A_148 = arith.constant 0 : i32
        %dma_start3A_149 = tpu.memref_slice %arg10[%dma_start3A_147, %dma_start3A_148] : memref<10240x16xf32, #tpu.memory_space<vmem_shared>> -> memref<10240x16xf32, #tpu.memory_space<vmem_shared>>
        %dma_start3A_150 = tpu.memref_slice %arg12[%rem3A_123] : memref<8x!tpu.dma_semaphore, #tpu.memory_space<semaphore_mem>> -> memref<1x!tpu.dma_semaphore, #tpu.memory_space<semaphore_mem>>
        %dma_start3A_151 = tpu.memref_squeeze %dma_start3A_150 : memref<1x!tpu.dma_semaphore, #tpu.memory_space<semaphore_mem>> -> memref<!tpu.dma_semaphore, #tpu.memory_space<semaphore_mem>>
        tpu.enqueue_indirect_dma source(%dma_start3A_149 : memref<10240x16xf32, #tpu.memory_space<vmem_shared>>) target(%dma_start3A_143 : memref<128x16xf32, #tpu.memory_space<vmem>>) offsets(%dma_start3A_146 : memref<128xi32, #tpu.memory_space<vmem>>) semaphore(%dma_start3A_151 : memref<!tpu.dma_semaphore, #tpu.memory_space<semaphore_mem>>)
      } else {
      }
      %ge3A = arith.constant 4 : i32
      %ge3A_131 = arith.cmpi sge, %while3A_121, %ge3A : i32
      %convert_element_type3A_132 = arith.extui %ge3A_131 : i1 to i32
      %cond3A_133 = arith.constant 0 : i32
      %cond3A_134 = arith.cmpi ne, %convert_element_type3A_132, %cond3A_133 : i32
      scf.if %cond3A_134 {
        %dma_wait3A_135 = arith.constant 0 : i32
        %dma_wait3A_136 = arith.constant 0 : i32
        %dma_wait3A_137 = arith.constant 0 : i32
        %dma_wait3A_138 = tpu.memref_slice %arg9[%rem3A_129, %dma_wait3A_136, %dma_wait3A_137] : memref<8x128x16xf32, #tpu.memory_space<vmem>> -> memref<1x128x16xf32, #tpu.memory_space<vmem>>
        %dma_wait3A_139 = tpu.memref_squeeze %dma_wait3A_138 : memref<1x128x16xf32, #tpu.memory_space<vmem>> -> memref<128x16xf32, #tpu.memory_space<vmem>>
        %dma_wait3A_140 = arith.constant 0 : i32
        %dma_wait3A_141 = tpu.memref_slice %arg7[%dma_wait3A_135, %dma_wait3A_140] : memref<79x128xi32, #tpu.memory_space<vmem>> -> memref<1x128xi32, #tpu.memory_space<vmem>>
        %dma_wait3A_142 = tpu.memref_squeeze %dma_wait3A_141 : memref<1x128xi32, #tpu.memory_space<vmem>> -> memref<128xi32, #tpu.memory_space<vmem>>
        %dma_wait3A_143 = arith.constant 0 : i32
        %dma_wait3A_144 = arith.constant 0 : i32
        %dma_wait3A_145 = tpu.memref_slice %arg10[%dma_wait3A_143, %dma_wait3A_144] : memref<10240x16xf32, #tpu.memory_space<vmem_shared>> -> memref<10240x16xf32, #tpu.memory_space<vmem_shared>>
        %dma_wait3A_146 = tpu.memref_slice %arg12[%rem3A_129] : memref<8x!tpu.dma_semaphore, #tpu.memory_space<semaphore_mem>> -> memref<1x!tpu.dma_semaphore, #tpu.memory_space<semaphore_mem>>
        %dma_wait3A_147 = tpu.memref_squeeze %dma_wait3A_146 : memref<1x!tpu.dma_semaphore, #tpu.memory_space<semaphore_mem>> -> memref<!tpu.dma_semaphore, #tpu.memory_space<semaphore_mem>>
        tpu.wait_indirect_dma semaphore(%dma_wait3A_147 : memref<!tpu.dma_semaphore, #tpu.memory_space<semaphore_mem>>) src(%dma_wait3A_145 : memref<10240x16xf32, #tpu.memory_space<vmem_shared>>) dst(%dma_wait3A_139 : memref<128x16xf32, #tpu.memory_space<vmem>>)
        %dma_start3A_148 = arith.constant 0 : i32
        %dma_start3A_149 = arith.constant 0 : i32
        %dma_start3A_150 = tpu.memref_slice %arg9[%rem3A_129, %dma_start3A_148, %dma_start3A_149] : memref<8x128x16xf32, #tpu.memory_space<vmem>> -> memref<1x128x16xf32, #tpu.memory_space<vmem>>
        %dma_start3A_151 = tpu.memref_squeeze %dma_start3A_150 : memref<1x128x16xf32, #tpu.memory_space<vmem>> -> memref<128x16xf32, #tpu.memory_space<vmem>>
        %dma_start3A_152 = arith.constant 0 : i32
        %dma_start3A_153 = tpu.memref_slice %arg8[%sub3A_125, %dma_start3A_152] : memref<79x128xi32, #tpu.memory_space<vmem>> -> memref<1x128xi32, #tpu.memory_space<vmem>>
        %dma_start3A_154 = tpu.memref_squeeze %dma_start3A_153 : memref<1x128xi32, #tpu.memory_space<vmem>> -> memref<128xi32, #tpu.memory_space<vmem>>
        %dma_start3A_155 = arith.constant 0 : i32
        %dma_start3A_156 = arith.constant 0 : i32
        %dma_start3A_157 = tpu.memref_slice %arg11[%dma_start3A_155, %dma_start3A_156] : memref<10240x16xf32, #tpu.memory_space<vmem_shared>> -> memref<10240x16xf32, #tpu.memory_space<vmem_shared>>
        %dma_start3A_158 = tpu.memref_slice %arg13[%rem3A_129] : memref<8x!tpu.dma_semaphore, #tpu.memory_space<semaphore_mem>> -> memref<1x!tpu.dma_semaphore, #tpu.memory_space<semaphore_mem>>
        %dma_start3A_159 = tpu.memref_squeeze %dma_start3A_158 : memref<1x!tpu.dma_semaphore, #tpu.memory_space<semaphore_mem>> -> memref<!tpu.dma_semaphore, #tpu.memory_space<semaphore_mem>>
        tpu.enqueue_indirect_dma source(%dma_start3A_151 : memref<128x16xf32, #tpu.memory_space<vmem>>) target(%dma_start3A_157 : memref<10240x16xf32, #tpu.memory_space<vmem_shared>>) offsets(%dma_start3A_154 : memref<128xi32, #tpu.memory_space<vmem>>) semaphore(%dma_start3A_159 : memref<!tpu.dma_semaphore, #tpu.memory_space<semaphore_mem>>) {add = true}
      } else {
      }
    }
    %scan3A = arith.constant 0 : i32
    %scan3A_115 = arith.constant 0 : i32
    %scan3A_116 = arith.constant 8 : i32
    %scan3A_117 = arith.addi %scan3A_115, %scan3A_116 : i32
    %scan3A_118 = arith.constant 1 : i32
    scf.for %scan3A_121 = %scan3A_115 to %scan3A_117 step %scan3A_118  : i32 {
      %lt3A = arith.cmpi slt, %scan3A_121, %sub3A_47 : i32
      %convert_element_type3A = arith.extui %lt3A : i1 to i32
      %cond3A = arith.constant 0 : i32
      %cond3A_122 = arith.cmpi ne, %convert_element_type3A, %cond3A : i32
      scf.if %cond3A_122 {
        %dma_wait3A_123 = arith.constant 0 : i32
        %dma_wait3A_124 = arith.constant 0 : i32
        %dma_wait3A_125 = arith.constant 0 : i32
        %dma_wait3A_126 = tpu.memref_slice %arg9[%scan3A_121, %dma_wait3A_124, %dma_wait3A_125] : memref<8x128x16xf32, #tpu.memory_space<vmem>> -> memref<1x128x16xf32, #tpu.memory_space<vmem>>
        %dma_wait3A_127 = tpu.memref_squeeze %dma_wait3A_126 : memref<1x128x16xf32, #tpu.memory_space<vmem>> -> memref<128x16xf32, #tpu.memory_space<vmem>>
        %dma_wait3A_128 = arith.constant 0 : i32
        %dma_wait3A_129 = tpu.memref_slice %arg7[%dma_wait3A_123, %dma_wait3A_128] : memref<79x128xi32, #tpu.memory_space<vmem>> -> memref<1x128xi32, #tpu.memory_space<vmem>>
        %dma_wait3A_130 = tpu.memref_squeeze %dma_wait3A_129 : memref<1x128xi32, #tpu.memory_space<vmem>> -> memref<128xi32, #tpu.memory_space<vmem>>
        %dma_wait3A_131 = arith.constant 0 : i32
        %dma_wait3A_132 = arith.constant 0 : i32
        %dma_wait3A_133 = tpu.memref_slice %arg11[%dma_wait3A_131, %dma_wait3A_132] : memref<10240x16xf32, #tpu.memory_space<vmem_shared>> -> memref<10240x16xf32, #tpu.memory_space<vmem_shared>>
        %dma_wait3A_134 = tpu.memref_slice %arg13[%scan3A_121] : memref<8x!tpu.dma_semaphore, #tpu.memory_space<semaphore_mem>> -> memref<1x!tpu.dma_semaphore, #tpu.memory_space<semaphore_mem>>
        %dma_wait3A_135 = tpu.memref_squeeze %dma_wait3A_134 : memref<1x!tpu.dma_semaphore, #tpu.memory_space<semaphore_mem>> -> memref<!tpu.dma_semaphore, #tpu.memory_space<semaphore_mem>>
        tpu.wait_indirect_dma semaphore(%dma_wait3A_135 : memref<!tpu.dma_semaphore, #tpu.memory_space<semaphore_mem>>) src(%dma_wait3A_127 : memref<128x16xf32, #tpu.memory_space<vmem>>) dst(%dma_wait3A_133 : memref<10240x16xf32, #tpu.memory_space<vmem_shared>>)
      } else {
      }
    }
    %scan3A_119 = arith.constant 8 : i32
    %barrier3A_120 = arith.constant 0 : index
    tpu.barrier barrier_id(%barrier3A_120)
    "tpu.region"() ({
      %run_scoped3A = tpu.sem_alloc : memref<!tpu.dma_semaphore, #tpu.memory_space<semaphore_mem>>
      %dma_start3A_121 = arith.constant 0 : i32
      %dma_start3A_122 = tpu.memref_slice %arg6[%arg0, %mul3A_49, %dma_start3A_121] : memref<2x10240x16xf32, #tpu.memory_space<hbm>> -> memref<1x640x16xf32, #tpu.memory_space<hbm>>
      %dma_start3A_123 = tpu.memref_squeeze %dma_start3A_122 : memref<1x640x16xf32, #tpu.memory_space<hbm>> -> memref<640x16xf32, #tpu.memory_space<hbm>>
      %dma_start3A_124 = arith.constant 0 : i32
      %dma_start3A_125 = tpu.memref_slice %arg11[%mul3A_49, %dma_start3A_124] : memref<10240x16xf32, #tpu.memory_space<vmem_shared>> -> memref<640x16xf32, #tpu.memory_space<vmem_shared>>
      tpu.enqueue_dma source(%dma_start3A_125 : memref<640x16xf32, #tpu.memory_space<vmem_shared>>) target(%dma_start3A_123 : memref<640x16xf32, #tpu.memory_space<hbm>>) target_semaphore(%run_scoped3A : memref<!tpu.dma_semaphore, #tpu.memory_space<semaphore_mem>>)
      %dma_wait3A_126 = arith.constant 0 : i32
      %dma_wait3A_127 = tpu.memref_slice %arg6[%arg0, %mul3A_49, %dma_wait3A_126] : memref<2x10240x16xf32, #tpu.memory_space<hbm>> -> memref<1x640x16xf32, #tpu.memory_space<hbm>>
      %dma_wait3A_128 = tpu.memref_squeeze %dma_wait3A_127 : memref<1x640x16xf32, #tpu.memory_space<hbm>> -> memref<640x16xf32, #tpu.memory_space<hbm>>
      %dma_wait3A_129 = arith.constant 0 : i32
      %dma_wait3A_130 = tpu.memref_slice %arg11[%mul3A_49, %dma_wait3A_129] : memref<10240x16xf32, #tpu.memory_space<vmem_shared>> -> memref<640x16xf32, #tpu.memory_space<vmem_shared>>
      tpu.wait_dma2 semaphore(%run_scoped3A : memref<!tpu.dma_semaphore, #tpu.memory_space<semaphore_mem>>) src(%dma_wait3A_130 : memref<640x16xf32, #tpu.memory_space<vmem_shared>>) dst(%dma_wait3A_128 : memref<640x16xf32, #tpu.memory_space<hbm>>)
      tpu.yield
    }) : () -> ()
    return
  }
}

#map = affine_map<(d0, d1) -> (0, 0)>
#map1 = affine_map<(d0, d1) -> (0, 0, 0)>
module attributes {stable_mosaic.version = 14 : i64} {
  func.func @_agg_body(%arg0: i32, %arg1: i32, %arg2: memref<10240x16xf32, #tpu.memory_space<hbm>>, %arg3: memref<2500x128xi32, #tpu.memory_space<hbm>>, %arg4: memref<2500x128xi32, #tpu.memory_space<hbm>>, %arg5: memref<10240x16xf32, #tpu.memory_space<hbm>>, %arg6: memref<2x10240x16xf32, #tpu.memory_space<hbm>>, %arg7: memref<79x128xi32, #tpu.memory_space<vmem>>, %arg8: memref<79x128xi32, #tpu.memory_space<vmem>>, %arg9: memref<8x128x16xf32, #tpu.memory_space<vmem>>, %arg10: memref<10240x16xf32, #tpu.memory_space<vmem_shared>>, %arg11: memref<10240x16xf32, #tpu.memory_space<vmem_shared>>, %arg12: memref<8x!tpu.dma_semaphore, #tpu.memory_space<semaphore_mem>>, %arg13: memref<8x!tpu.dma_semaphore, #tpu.memory_space<semaphore_mem>>) attributes {dimension_semantics = [#tpu.dimension_semantics<core_parallel>, #tpu.dimension_semantics<subcore_parallel>], iteration_bounds = array<i64: 2, 16>, scalar_prefetch = 0 : i64, scratch_operands = 7 : i64, tpu.core_type = #tpu.core_type<sc_vector_subcore>, window_params = [{transform_indices = #map}, {transform_indices = #map}, {transform_indices = #map}, {transform_indices = #map}, {transform_indices = #map1}]} {
    %mul3A = arith.constant 2 : i32
    %mul3A_0 = arith.muli %arg1, %mul3A : i32
    %add3A = arith.addi %mul3A_0, %arg0 : i32
    %mul3A_1 = arith.constant 2500 : i32
    %mul3A_2 = arith.muli %add3A, %mul3A_1 : i32
    %jit3A = arith.constant 32 : i32
    %div3A = arith.divsi %mul3A_2, %jit3A : i32
    %sign3A = arith.constant 0 : i32
    %sign3A_3 = arith.cmpi sgt, %mul3A_2, %sign3A : i32
    %sign3A_4 = arith.extui %sign3A_3 : i1 to i32
    %sign3A_5 = arith.constant 0 : i32
    %sign3A_6 = arith.cmpi slt, %mul3A_2, %sign3A_5 : i32
    %sign3A_7 = arith.extui %sign3A_6 : i1 to i32
    %sign3A_8 = arith.subi %sign3A_4, %sign3A_7 : i32
    %sign3A_9 = arith.constant 0 : i32
    %sign3A_10 = arith.cmpi sgt, %jit3A, %sign3A_9 : i32
    %sign3A_11 = arith.extui %sign3A_10 : i1 to i32
    %sign3A_12 = arith.constant 0 : i32
    %sign3A_13 = arith.cmpi slt, %jit3A, %sign3A_12 : i32
    %sign3A_14 = arith.extui %sign3A_13 : i1 to i32
    %sign3A_15 = arith.subi %sign3A_11, %sign3A_14 : i32
    %ne3A = arith.cmpi ne, %sign3A_8, %sign3A_15 : i32
    %rem3A = arith.remsi %mul3A_2, %jit3A : i32
    %ne3A_16 = arith.constant 0 : i32
    %ne3A_17 = arith.cmpi ne, %rem3A, %ne3A_16 : i32
    %and3A = arith.andi %ne3A, %ne3A_17 : i1
    %sub3A = arith.constant 1 : i32
    %sub3A_18 = arith.subi %div3A, %sub3A : i32
    %select_n3A = arith.select %and3A, %sub3A_18, %div3A : i32
    %add3A_19 = arith.constant 1 : i32
    %add3A_20 = arith.addi %add3A, %add3A_19 : i32
    %mul3A_21 = arith.constant 2500 : i32
    %mul3A_22 = arith.muli %add3A_20, %mul3A_21 : i32
    %jit3A_23 = arith.constant 32 : i32
    %div3A_24 = arith.divsi %mul3A_22, %jit3A_23 : i32
    %sign3A_25 = arith.constant 0 : i32
    %sign3A_26 = arith.cmpi sgt, %mul3A_22, %sign3A_25 : i32
    %sign3A_27 = arith.extui %sign3A_26 : i1 to i32
    %sign3A_28 = arith.constant 0 : i32
    %sign3A_29 = arith.cmpi slt, %mul3A_22, %sign3A_28 : i32
    %sign3A_30 = arith.extui %sign3A_29 : i1 to i32
    %sign3A_31 = arith.subi %sign3A_27, %sign3A_30 : i32
    %sign3A_32 = arith.constant 0 : i32
    %sign3A_33 = arith.cmpi sgt, %jit3A_23, %sign3A_32 : i32
    %sign3A_34 = arith.extui %sign3A_33 : i1 to i32
    %sign3A_35 = arith.constant 0 : i32
    %sign3A_36 = arith.cmpi slt, %jit3A_23, %sign3A_35 : i32
    %sign3A_37 = arith.extui %sign3A_36 : i1 to i32
    %sign3A_38 = arith.subi %sign3A_34, %sign3A_37 : i32
    %ne3A_39 = arith.cmpi ne, %sign3A_31, %sign3A_38 : i32
    %rem3A_40 = arith.remsi %mul3A_22, %jit3A_23 : i32
    %ne3A_41 = arith.constant 0 : i32
    %ne3A_42 = arith.cmpi ne, %rem3A_40, %ne3A_41 : i32
    %and3A_43 = arith.andi %ne3A_39, %ne3A_42 : i1
    %sub3A_44 = arith.constant 1 : i32
    %sub3A_45 = arith.subi %div3A_24, %sub3A_44 : i32
    %select_n3A_46 = arith.select %and3A_43, %sub3A_45, %div3A_24 : i32
    %sub3A_47 = arith.subi %select_n3A_46, %select_n3A : i32
    %mul3A_48 = arith.constant 640 : i32
    %mul3A_49 = arith.muli %arg1, %mul3A_48 : i32
    %dma_start3A = arith.constant 0 : i32
    %dma_start3A_50 = tpu.memref_slice %arg12[%dma_start3A] : memref<8x!tpu.dma_semaphore, #tpu.memory_space<semaphore_mem>> -> memref<1x!tpu.dma_semaphore, #tpu.memory_space<semaphore_mem>>
    %dma_start3A_51 = tpu.memref_squeeze %dma_start3A_50 : memref<1x!tpu.dma_semaphore, #tpu.memory_space<semaphore_mem>> -> memref<!tpu.dma_semaphore, #tpu.memory_space<semaphore_mem>>
    %dma_start3A_52 = arith.constant 0 : i32
    %dma_start3A_53 = tpu.memref_slice %arg11[%mul3A_49, %dma_start3A_52] : memref<10240x16xf32, #tpu.memory_space<vmem_shared>> -> memref<640x16xf32, #tpu.memory_space<vmem_shared>>
    %dma_start3A_54 = arith.constant 0 : i32
    %dma_start3A_55 = tpu.memref_slice %arg5[%mul3A_49, %dma_start3A_54] : memref<10240x16xf32, #tpu.memory_space<hbm>> -> memref<640x16xf32, #tpu.memory_space<hbm>>
    tpu.enqueue_dma source(%dma_start3A_55 : memref<640x16xf32, #tpu.memory_space<hbm>>) target(%dma_start3A_53 : memref<640x16xf32, #tpu.memory_space<vmem_shared>>) target_semaphore(%dma_start3A_51 : memref<!tpu.dma_semaphore, #tpu.memory_space<semaphore_mem>>)
    %dma_start3A_56 = arith.constant 1 : i32
    %dma_start3A_57 = tpu.memref_slice %arg12[%dma_start3A_56] : memref<8x!tpu.dma_semaphore, #tpu.memory_space<semaphore_mem>> -> memref<1x!tpu.dma_semaphore, #tpu.memory_space<semaphore_mem>>
    %dma_start3A_58 = tpu.memref_squeeze %dma_start3A_57 : memref<1x!tpu.dma_semaphore, #tpu.memory_space<semaphore_mem>> -> memref<!tpu.dma_semaphore, #tpu.memory_space<semaphore_mem>>
    %dma_start3A_59 = arith.constant 0 : i32
    %dma_start3A_60 = tpu.memref_slice %arg10[%mul3A_49, %dma_start3A_59] : memref<10240x16xf32, #tpu.memory_space<vmem_shared>> -> memref<640x16xf32, #tpu.memory_space<vmem_shared>>
    %dma_start3A_61 = arith.constant 0 : i32
    %dma_start3A_62 = tpu.memref_slice %arg2[%mul3A_49, %dma_start3A_61] : memref<10240x16xf32, #tpu.memory_space<hbm>> -> memref<640x16xf32, #tpu.memory_space<hbm>>
    tpu.enqueue_dma source(%dma_start3A_62 : memref<640x16xf32, #tpu.memory_space<hbm>>) target(%dma_start3A_60 : memref<640x16xf32, #tpu.memory_space<vmem_shared>>) target_semaphore(%dma_start3A_58 : memref<!tpu.dma_semaphore, #tpu.memory_space<semaphore_mem>>)
    %dma_start3A_63 = arith.constant 2 : i32
    %dma_start3A_64 = arith.constant 0 : i32
    %dma_start3A_65 = tpu.memref_slice %arg3[%select_n3A, %dma_start3A_64] : memref<2500x128xi32, #tpu.memory_space<hbm>> -> memref<79x128xi32, #tpu.memory_space<hbm>>
    %dma_start3A_66 = tpu.memref_slice %arg12[%dma_start3A_63] : memref<8x!tpu.dma_semaphore, #tpu.memory_space<semaphore_mem>> -> memref<1x!tpu.dma_semaphore, #tpu.memory_space<semaphore_mem>>
    %dma_start3A_67 = tpu.memref_squeeze %dma_start3A_66 : memref<1x!tpu.dma_semaphore, #tpu.memory_space<semaphore_mem>> -> memref<!tpu.dma_semaphore, #tpu.memory_space<semaphore_mem>>
    %dma_start3A_68 = arith.constant 0 : i32
    %dma_start3A_69 = tpu.memref_slice %arg3[%select_n3A, %dma_start3A_68] : memref<2500x128xi32, #tpu.memory_space<hbm>> -> memref<79x128xi32, #tpu.memory_space<hbm>>
    tpu.enqueue_dma source(%dma_start3A_69 : memref<79x128xi32, #tpu.memory_space<hbm>>) target(%arg7 : memref<79x128xi32, #tpu.memory_space<vmem>>) target_semaphore(%dma_start3A_67 : memref<!tpu.dma_semaphore, #tpu.memory_space<semaphore_mem>>)
    %dma_start3A_70 = arith.constant 3 : i32
    %dma_start3A_71 = arith.constant 0 : i32
    %dma_start3A_72 = tpu.memref_slice %arg4[%select_n3A, %dma_start3A_71] : memref<2500x128xi32, #tpu.memory_space<hbm>> -> memref<79x128xi32, #tpu.memory_space<hbm>>
    %dma_start3A_73 = tpu.memref_slice %arg12[%dma_start3A_70] : memref<8x!tpu.dma_semaphore, #tpu.memory_space<semaphore_mem>> -> memref<1x!tpu.dma_semaphore, #tpu.memory_space<semaphore_mem>>
    %dma_start3A_74 = tpu.memref_squeeze %dma_start3A_73 : memref<1x!tpu.dma_semaphore, #tpu.memory_space<semaphore_mem>> -> memref<!tpu.dma_semaphore, #tpu.memory_space<semaphore_mem>>
    %dma_start3A_75 = arith.constant 0 : i32
    %dma_start3A_76 = tpu.memref_slice %arg4[%select_n3A, %dma_start3A_75] : memref<2500x128xi32, #tpu.memory_space<hbm>> -> memref<79x128xi32, #tpu.memory_space<hbm>>
    tpu.enqueue_dma source(%dma_start3A_76 : memref<79x128xi32, #tpu.memory_space<hbm>>) target(%arg8 : memref<79x128xi32, #tpu.memory_space<vmem>>) target_semaphore(%dma_start3A_74 : memref<!tpu.dma_semaphore, #tpu.memory_space<semaphore_mem>>)
    %dma_wait3A = arith.constant 0 : i32
    %dma_wait3A_77 = tpu.memref_slice %arg12[%dma_wait3A] : memref<8x!tpu.dma_semaphore, #tpu.memory_space<semaphore_mem>> -> memref<1x!tpu.dma_semaphore, #tpu.memory_space<semaphore_mem>>
    %dma_wait3A_78 = tpu.memref_squeeze %dma_wait3A_77 : memref<1x!tpu.dma_semaphore, #tpu.memory_space<semaphore_mem>> -> memref<!tpu.dma_semaphore, #tpu.memory_space<semaphore_mem>>
    %dma_wait3A_79 = arith.constant 0 : i32
    %dma_wait3A_80 = tpu.memref_slice %arg11[%mul3A_49, %dma_wait3A_79] : memref<10240x16xf32, #tpu.memory_space<vmem_shared>> -> memref<640x16xf32, #tpu.memory_space<vmem_shared>>
    %dma_wait3A_81 = arith.constant 0 : i32
    %dma_wait3A_82 = tpu.memref_slice %arg5[%mul3A_49, %dma_wait3A_81] : memref<10240x16xf32, #tpu.memory_space<hbm>> -> memref<640x16xf32, #tpu.memory_space<hbm>>
    tpu.wait_dma2 semaphore(%dma_wait3A_78 : memref<!tpu.dma_semaphore, #tpu.memory_space<semaphore_mem>>) src(%dma_wait3A_82 : memref<640x16xf32, #tpu.memory_space<hbm>>) dst(%dma_wait3A_80 : memref<640x16xf32, #tpu.memory_space<vmem_shared>>)
    %dma_wait3A_83 = arith.constant 1 : i32
    %dma_wait3A_84 = tpu.memref_slice %arg12[%dma_wait3A_83] : memref<8x!tpu.dma_semaphore, #tpu.memory_space<semaphore_mem>> -> memref<1x!tpu.dma_semaphore, #tpu.memory_space<semaphore_mem>>
    %dma_wait3A_85 = tpu.memref_squeeze %dma_wait3A_84 : memref<1x!tpu.dma_semaphore, #tpu.memory_space<semaphore_mem>> -> memref<!tpu.dma_semaphore, #tpu.memory_space<semaphore_mem>>
    %dma_wait3A_86 = arith.constant 0 : i32
    %dma_wait3A_87 = tpu.memref_slice %arg10[%mul3A_49, %dma_wait3A_86] : memref<10240x16xf32, #tpu.memory_space<vmem_shared>> -> memref<640x16xf32, #tpu.memory_space<vmem_shared>>
    %dma_wait3A_88 = arith.constant 0 : i32
    %dma_wait3A_89 = tpu.memref_slice %arg2[%mul3A_49, %dma_wait3A_88] : memref<10240x16xf32, #tpu.memory_space<hbm>> -> memref<640x16xf32, #tpu.memory_space<hbm>>
    tpu.wait_dma2 semaphore(%dma_wait3A_85 : memref<!tpu.dma_semaphore, #tpu.memory_space<semaphore_mem>>) src(%dma_wait3A_89 : memref<640x16xf32, #tpu.memory_space<hbm>>) dst(%dma_wait3A_87 : memref<640x16xf32, #tpu.memory_space<vmem_shared>>)
    %dma_wait3A_90 = arith.constant 2 : i32
    %dma_wait3A_91 = arith.constant 0 : i32
    %dma_wait3A_92 = tpu.memref_slice %arg3[%select_n3A, %dma_wait3A_91] : memref<2500x128xi32, #tpu.memory_space<hbm>> -> memref<79x128xi32, #tpu.memory_space<hbm>>
    %dma_wait3A_93 = tpu.memref_slice %arg12[%dma_wait3A_90] : memref<8x!tpu.dma_semaphore, #tpu.memory_space<semaphore_mem>> -> memref<1x!tpu.dma_semaphore, #tpu.memory_space<semaphore_mem>>
    %dma_wait3A_94 = tpu.memref_squeeze %dma_wait3A_93 : memref<1x!tpu.dma_semaphore, #tpu.memory_space<semaphore_mem>> -> memref<!tpu.dma_semaphore, #tpu.memory_space<semaphore_mem>>
    %dma_wait3A_95 = arith.constant 0 : i32
    %dma_wait3A_96 = tpu.memref_slice %arg3[%select_n3A, %dma_wait3A_95] : memref<2500x128xi32, #tpu.memory_space<hbm>> -> memref<79x128xi32, #tpu.memory_space<hbm>>
    tpu.wait_dma2 semaphore(%dma_wait3A_94 : memref<!tpu.dma_semaphore, #tpu.memory_space<semaphore_mem>>) src(%dma_wait3A_96 : memref<79x128xi32, #tpu.memory_space<hbm>>) dst(%arg7 : memref<79x128xi32, #tpu.memory_space<vmem>>)
    %dma_wait3A_97 = arith.constant 3 : i32
    %dma_wait3A_98 = arith.constant 0 : i32
    %dma_wait3A_99 = tpu.memref_slice %arg4[%select_n3A, %dma_wait3A_98] : memref<2500x128xi32, #tpu.memory_space<hbm>> -> memref<79x128xi32, #tpu.memory_space<hbm>>
    %dma_wait3A_100 = tpu.memref_slice %arg12[%dma_wait3A_97] : memref<8x!tpu.dma_semaphore, #tpu.memory_space<semaphore_mem>> -> memref<1x!tpu.dma_semaphore, #tpu.memory_space<semaphore_mem>>
    %dma_wait3A_101 = tpu.memref_squeeze %dma_wait3A_100 : memref<1x!tpu.dma_semaphore, #tpu.memory_space<semaphore_mem>> -> memref<!tpu.dma_semaphore, #tpu.memory_space<semaphore_mem>>
    %dma_wait3A_102 = arith.constant 0 : i32
    %dma_wait3A_103 = tpu.memref_slice %arg4[%select_n3A, %dma_wait3A_102] : memref<2500x128xi32, #tpu.memory_space<hbm>> -> memref<79x128xi32, #tpu.memory_space<hbm>>
    tpu.wait_dma2 semaphore(%dma_wait3A_101 : memref<!tpu.dma_semaphore, #tpu.memory_space<semaphore_mem>>) src(%dma_wait3A_103 : memref<79x128xi32, #tpu.memory_space<hbm>>) dst(%arg8 : memref<79x128xi32, #tpu.memory_space<vmem>>)
    %barrier3A = arith.constant 0 : index
    tpu.barrier barrier_id(%barrier3A)
    %add3A_104 = arith.constant 4 : i32
    %add3A_105 = arith.addi %sub3A_47, %add3A_104 : i32
    %while3A = arith.constant 0 : i32
    %while3A_106 = arith.constant 0 : i32
    %while3A_107 = arith.subi %add3A_105, %while3A_106 : i32
    %while3A_108 = arith.addi %while3A_106, %while3A_107 : i32
    %while3A_109 = arith.constant 1 : i32
    %while3A_110 = arith.divsi %while3A_107, %while3A_109 : i32
    %while3A_111 = arith.muli %while3A_110, %while3A_109 : i32
    %while3A_112 = arith.addi %while3A_106, %while3A_111 : i32
    %while3A_113 = arith.constant 1 : i32
    scf.for %while3A_121 = %while3A_106 to %while3A_112 step %while3A_113  : i32 {
      %rem3A_122 = arith.constant 8 : i32
      %rem3A_123 = arith.remsi %while3A_121, %rem3A_122 : i32
      %sub3A_124 = arith.constant 4 : i32
      %sub3A_125 = arith.subi %while3A_121, %sub3A_124 : i32
      %add3A_126 = arith.constant 8 : i32
      %add3A_127 = arith.addi %sub3A_125, %add3A_126 : i32
      %rem3A_128 = arith.constant 8 : i32
      %rem3A_129 = arith.remsi %add3A_127, %rem3A_128 : i32
      %lt3A = arith.cmpi slt, %while3A_121, %sub3A_47 : i32
      %convert_element_type3A = arith.extui %lt3A : i1 to i32
      %cond3A = arith.constant 0 : i32
      %cond3A_130 = arith.cmpi ne, %convert_element_type3A, %cond3A : i32
      scf.if %cond3A_130 {
        %ge3A_135 = arith.constant 8 : i32
        %ge3A_136 = arith.cmpi sge, %while3A_121, %ge3A_135 : i32
        %convert_element_type3A_137 = arith.extui %ge3A_136 : i1 to i32
        %cond3A_138 = arith.constant 0 : i32
        %cond3A_139 = arith.cmpi ne, %convert_element_type3A_137, %cond3A_138 : i32
        scf.if %cond3A_139 {
          %dma_wait3A_152 = arith.constant 0 : i32
          %dma_wait3A_153 = arith.constant 0 : i32
          %dma_wait3A_154 = arith.constant 0 : i32
          %dma_wait3A_155 = tpu.memref_slice %arg9[%rem3A_123, %dma_wait3A_153, %dma_wait3A_154] : memref<8x128x16xf32, #tpu.memory_space<vmem>> -> memref<1x128x16xf32, #tpu.memory_space<vmem>>
          %dma_wait3A_156 = tpu.memref_squeeze %dma_wait3A_155 : memref<1x128x16xf32, #tpu.memory_space<vmem>> -> memref<128x16xf32, #tpu.memory_space<vmem>>
          %dma_wait3A_157 = arith.constant 0 : i32
          %dma_wait3A_158 = tpu.memref_slice %arg7[%dma_wait3A_152, %dma_wait3A_157] : memref<79x128xi32, #tpu.memory_space<vmem>> -> memref<1x128xi32, #tpu.memory_space<vmem>>
          %dma_wait3A_159 = tpu.memref_squeeze %dma_wait3A_158 : memref<1x128xi32, #tpu.memory_space<vmem>> -> memref<128xi32, #tpu.memory_space<vmem>>
          %dma_wait3A_160 = arith.constant 0 : i32
          %dma_wait3A_161 = arith.constant 0 : i32
          %dma_wait3A_162 = tpu.memref_slice %arg11[%dma_wait3A_160, %dma_wait3A_161] : memref<10240x16xf32, #tpu.memory_space<vmem_shared>> -> memref<10240x16xf32, #tpu.memory_space<vmem_shared>>
          %dma_wait3A_163 = tpu.memref_slice %arg13[%rem3A_123] : memref<8x!tpu.dma_semaphore, #tpu.memory_space<semaphore_mem>> -> memref<1x!tpu.dma_semaphore, #tpu.memory_space<semaphore_mem>>
          %dma_wait3A_164 = tpu.memref_squeeze %dma_wait3A_163 : memref<1x!tpu.dma_semaphore, #tpu.memory_space<semaphore_mem>> -> memref<!tpu.dma_semaphore, #tpu.memory_space<semaphore_mem>>
          tpu.wait_indirect_dma semaphore(%dma_wait3A_164 : memref<!tpu.dma_semaphore, #tpu.memory_space<semaphore_mem>>) src(%dma_wait3A_156 : memref<128x16xf32, #tpu.memory_space<vmem>>) dst(%dma_wait3A_162 : memref<10240x16xf32, #tpu.memory_space<vmem_shared>>)
        } else {
        }
        %dma_start3A_140 = arith.constant 0 : i32
        %dma_start3A_141 = arith.constant 0 : i32
        %dma_start3A_142 = tpu.memref_slice %arg9[%rem3A_123, %dma_start3A_140, %dma_start3A_141] : memref<8x128x16xf32, #tpu.memory_space<vmem>> -> memref<1x128x16xf32, #tpu.memory_space<vmem>>
        %dma_start3A_143 = tpu.memref_squeeze %dma_start3A_142 : memref<1x128x16xf32, #tpu.memory_space<vmem>> -> memref<128x16xf32, #tpu.memory_space<vmem>>
        %dma_start3A_144 = arith.constant 0 : i32
        %dma_start3A_145 = tpu.memref_slice %arg7[%while3A_121, %dma_start3A_144] : memref<79x128xi32, #tpu.memory_space<vmem>> -> memref<1x128xi32, #tpu.memory_space<vmem>>
        %dma_start3A_146 = tpu.memref_squeeze %dma_start3A_145 : memref<1x128xi32, #tpu.memory_space<vmem>> -> memref<128xi32, #tpu.memory_space<vmem>>
        %dma_start3A_147 = arith.constant 0 : i32
        %dma_start3A_148 = arith.constant 0 : i32
        %dma_start3A_149 = tpu.memref_slice %arg10[%dma_start3A_147, %dma_start3A_148] : memref<10240x16xf32, #tpu.memory_space<vmem_shared>> -> memref<10240x16xf32, #tpu.memory_space<vmem_shared>>
        %dma_start3A_150 = tpu.memref_slice %arg12[%rem3A_123] : memref<8x!tpu.dma_semaphore, #tpu.memory_space<semaphore_mem>> -> memref<1x!tpu.dma_semaphore, #tpu.memory_space<semaphore_mem>>
        %dma_start3A_151 = tpu.memref_squeeze %dma_start3A_150 : memref<1x!tpu.dma_semaphore, #tpu.memory_space<semaphore_mem>> -> memref<!tpu.dma_semaphore, #tpu.memory_space<semaphore_mem>>
        tpu.enqueue_indirect_dma source(%dma_start3A_149 : memref<10240x16xf32, #tpu.memory_space<vmem_shared>>) target(%dma_start3A_143 : memref<128x16xf32, #tpu.memory_space<vmem>>) offsets(%dma_start3A_146 : memref<128xi32, #tpu.memory_space<vmem>>) semaphore(%dma_start3A_151 : memref<!tpu.dma_semaphore, #tpu.memory_space<semaphore_mem>>)
      } else {
      }
      %ge3A = arith.constant 4 : i32
      %ge3A_131 = arith.cmpi sge, %while3A_121, %ge3A : i32
      %convert_element_type3A_132 = arith.extui %ge3A_131 : i1 to i32
      %cond3A_133 = arith.constant 0 : i32
      %cond3A_134 = arith.cmpi ne, %convert_element_type3A_132, %cond3A_133 : i32
      scf.if %cond3A_134 {
        %dma_wait3A_135 = arith.constant 0 : i32
        %dma_wait3A_136 = arith.constant 0 : i32
        %dma_wait3A_137 = arith.constant 0 : i32
        %dma_wait3A_138 = tpu.memref_slice %arg9[%rem3A_129, %dma_wait3A_136, %dma_wait3A_137] : memref<8x128x16xf32, #tpu.memory_space<vmem>> -> memref<1x128x16xf32, #tpu.memory_space<vmem>>
        %dma_wait3A_139 = tpu.memref_squeeze %dma_wait3A_138 : memref<1x128x16xf32, #tpu.memory_space<vmem>> -> memref<128x16xf32, #tpu.memory_space<vmem>>
        %dma_wait3A_140 = arith.constant 0 : i32
        %dma_wait3A_141 = tpu.memref_slice %arg7[%dma_wait3A_135, %dma_wait3A_140] : memref<79x128xi32, #tpu.memory_space<vmem>> -> memref<1x128xi32, #tpu.memory_space<vmem>>
        %dma_wait3A_142 = tpu.memref_squeeze %dma_wait3A_141 : memref<1x128xi32, #tpu.memory_space<vmem>> -> memref<128xi32, #tpu.memory_space<vmem>>
        %dma_wait3A_143 = arith.constant 0 : i32
        %dma_wait3A_144 = arith.constant 0 : i32
        %dma_wait3A_145 = tpu.memref_slice %arg10[%dma_wait3A_143, %dma_wait3A_144] : memref<10240x16xf32, #tpu.memory_space<vmem_shared>> -> memref<10240x16xf32, #tpu.memory_space<vmem_shared>>
        %dma_wait3A_146 = tpu.memref_slice %arg12[%rem3A_129] : memref<8x!tpu.dma_semaphore, #tpu.memory_space<semaphore_mem>> -> memref<1x!tpu.dma_semaphore, #tpu.memory_space<semaphore_mem>>
        %dma_wait3A_147 = tpu.memref_squeeze %dma_wait3A_146 : memref<1x!tpu.dma_semaphore, #tpu.memory_space<semaphore_mem>> -> memref<!tpu.dma_semaphore, #tpu.memory_space<semaphore_mem>>
        tpu.wait_indirect_dma semaphore(%dma_wait3A_147 : memref<!tpu.dma_semaphore, #tpu.memory_space<semaphore_mem>>) src(%dma_wait3A_145 : memref<10240x16xf32, #tpu.memory_space<vmem_shared>>) dst(%dma_wait3A_139 : memref<128x16xf32, #tpu.memory_space<vmem>>)
        %dma_start3A_148 = arith.constant 0 : i32
        %dma_start3A_149 = arith.constant 0 : i32
        %dma_start3A_150 = tpu.memref_slice %arg9[%rem3A_129, %dma_start3A_148, %dma_start3A_149] : memref<8x128x16xf32, #tpu.memory_space<vmem>> -> memref<1x128x16xf32, #tpu.memory_space<vmem>>
        %dma_start3A_151 = tpu.memref_squeeze %dma_start3A_150 : memref<1x128x16xf32, #tpu.memory_space<vmem>> -> memref<128x16xf32, #tpu.memory_space<vmem>>
        %dma_start3A_152 = arith.constant 0 : i32
        %dma_start3A_153 = tpu.memref_slice %arg8[%sub3A_125, %dma_start3A_152] : memref<79x128xi32, #tpu.memory_space<vmem>> -> memref<1x128xi32, #tpu.memory_space<vmem>>
        %dma_start3A_154 = tpu.memref_squeeze %dma_start3A_153 : memref<1x128xi32, #tpu.memory_space<vmem>> -> memref<128xi32, #tpu.memory_space<vmem>>
        %dma_start3A_155 = arith.constant 0 : i32
        %dma_start3A_156 = arith.constant 0 : i32
        %dma_start3A_157 = tpu.memref_slice %arg11[%dma_start3A_155, %dma_start3A_156] : memref<10240x16xf32, #tpu.memory_space<vmem_shared>> -> memref<10240x16xf32, #tpu.memory_space<vmem_shared>>
        %dma_start3A_158 = tpu.memref_slice %arg13[%rem3A_129] : memref<8x!tpu.dma_semaphore, #tpu.memory_space<semaphore_mem>> -> memref<1x!tpu.dma_semaphore, #tpu.memory_space<semaphore_mem>>
        %dma_start3A_159 = tpu.memref_squeeze %dma_start3A_158 : memref<1x!tpu.dma_semaphore, #tpu.memory_space<semaphore_mem>> -> memref<!tpu.dma_semaphore, #tpu.memory_space<semaphore_mem>>
        tpu.enqueue_indirect_dma source(%dma_start3A_151 : memref<128x16xf32, #tpu.memory_space<vmem>>) target(%dma_start3A_157 : memref<10240x16xf32, #tpu.memory_space<vmem_shared>>) offsets(%dma_start3A_154 : memref<128xi32, #tpu.memory_space<vmem>>) semaphore(%dma_start3A_159 : memref<!tpu.dma_semaphore, #tpu.memory_space<semaphore_mem>>) {add = true}
      } else {
      }
    }
    %while3A_114 = arith.constant 1 : i32
    scf.for %while3A_121 = %while3A_112 to %while3A_108 step %while3A_114  : i32 {
      %rem3A_122 = arith.constant 8 : i32
      %rem3A_123 = arith.remsi %while3A_121, %rem3A_122 : i32
      %sub3A_124 = arith.constant 4 : i32
      %sub3A_125 = arith.subi %while3A_121, %sub3A_124 : i32
      %add3A_126 = arith.constant 8 : i32
      %add3A_127 = arith.addi %sub3A_125, %add3A_126 : i32
      %rem3A_128 = arith.constant 8 : i32
      %rem3A_129 = arith.remsi %add3A_127, %rem3A_128 : i32
      %lt3A = arith.cmpi slt, %while3A_121, %sub3A_47 : i32
      %convert_element_type3A = arith.extui %lt3A : i1 to i32
      %cond3A = arith.constant 0 : i32
      %cond3A_130 = arith.cmpi ne, %convert_element_type3A, %cond3A : i32
      scf.if %cond3A_130 {
        %ge3A_135 = arith.constant 8 : i32
        %ge3A_136 = arith.cmpi sge, %while3A_121, %ge3A_135 : i32
        %convert_element_type3A_137 = arith.extui %ge3A_136 : i1 to i32
        %cond3A_138 = arith.constant 0 : i32
        %cond3A_139 = arith.cmpi ne, %convert_element_type3A_137, %cond3A_138 : i32
        scf.if %cond3A_139 {
          %dma_wait3A_152 = arith.constant 0 : i32
          %dma_wait3A_153 = arith.constant 0 : i32
          %dma_wait3A_154 = arith.constant 0 : i32
          %dma_wait3A_155 = tpu.memref_slice %arg9[%rem3A_123, %dma_wait3A_153, %dma_wait3A_154] : memref<8x128x16xf32, #tpu.memory_space<vmem>> -> memref<1x128x16xf32, #tpu.memory_space<vmem>>
          %dma_wait3A_156 = tpu.memref_squeeze %dma_wait3A_155 : memref<1x128x16xf32, #tpu.memory_space<vmem>> -> memref<128x16xf32, #tpu.memory_space<vmem>>
          %dma_wait3A_157 = arith.constant 0 : i32
          %dma_wait3A_158 = tpu.memref_slice %arg7[%dma_wait3A_152, %dma_wait3A_157] : memref<79x128xi32, #tpu.memory_space<vmem>> -> memref<1x128xi32, #tpu.memory_space<vmem>>
          %dma_wait3A_159 = tpu.memref_squeeze %dma_wait3A_158 : memref<1x128xi32, #tpu.memory_space<vmem>> -> memref<128xi32, #tpu.memory_space<vmem>>
          %dma_wait3A_160 = arith.constant 0 : i32
          %dma_wait3A_161 = arith.constant 0 : i32
          %dma_wait3A_162 = tpu.memref_slice %arg11[%dma_wait3A_160, %dma_wait3A_161] : memref<10240x16xf32, #tpu.memory_space<vmem_shared>> -> memref<10240x16xf32, #tpu.memory_space<vmem_shared>>
          %dma_wait3A_163 = tpu.memref_slice %arg13[%rem3A_123] : memref<8x!tpu.dma_semaphore, #tpu.memory_space<semaphore_mem>> -> memref<1x!tpu.dma_semaphore, #tpu.memory_space<semaphore_mem>>
          %dma_wait3A_164 = tpu.memref_squeeze %dma_wait3A_163 : memref<1x!tpu.dma_semaphore, #tpu.memory_space<semaphore_mem>> -> memref<!tpu.dma_semaphore, #tpu.memory_space<semaphore_mem>>
          tpu.wait_indirect_dma semaphore(%dma_wait3A_164 : memref<!tpu.dma_semaphore, #tpu.memory_space<semaphore_mem>>) src(%dma_wait3A_156 : memref<128x16xf32, #tpu.memory_space<vmem>>) dst(%dma_wait3A_162 : memref<10240x16xf32, #tpu.memory_space<vmem_shared>>)
        } else {
        }
        %dma_start3A_140 = arith.constant 0 : i32
        %dma_start3A_141 = arith.constant 0 : i32
        %dma_start3A_142 = tpu.memref_slice %arg9[%rem3A_123, %dma_start3A_140, %dma_start3A_141] : memref<8x128x16xf32, #tpu.memory_space<vmem>> -> memref<1x128x16xf32, #tpu.memory_space<vmem>>
        %dma_start3A_143 = tpu.memref_squeeze %dma_start3A_142 : memref<1x128x16xf32, #tpu.memory_space<vmem>> -> memref<128x16xf32, #tpu.memory_space<vmem>>
        %dma_start3A_144 = arith.constant 0 : i32
        %dma_start3A_145 = tpu.memref_slice %arg7[%while3A_121, %dma_start3A_144] : memref<79x128xi32, #tpu.memory_space<vmem>> -> memref<1x128xi32, #tpu.memory_space<vmem>>
        %dma_start3A_146 = tpu.memref_squeeze %dma_start3A_145 : memref<1x128xi32, #tpu.memory_space<vmem>> -> memref<128xi32, #tpu.memory_space<vmem>>
        %dma_start3A_147 = arith.constant 0 : i32
        %dma_start3A_148 = arith.constant 0 : i32
        %dma_start3A_149 = tpu.memref_slice %arg10[%dma_start3A_147, %dma_start3A_148] : memref<10240x16xf32, #tpu.memory_space<vmem_shared>> -> memref<10240x16xf32, #tpu.memory_space<vmem_shared>>
        %dma_start3A_150 = tpu.memref_slice %arg12[%rem3A_123] : memref<8x!tpu.dma_semaphore, #tpu.memory_space<semaphore_mem>> -> memref<1x!tpu.dma_semaphore, #tpu.memory_space<semaphore_mem>>
        %dma_start3A_151 = tpu.memref_squeeze %dma_start3A_150 : memref<1x!tpu.dma_semaphore, #tpu.memory_space<semaphore_mem>> -> memref<!tpu.dma_semaphore, #tpu.memory_space<semaphore_mem>>
        tpu.enqueue_indirect_dma source(%dma_start3A_149 : memref<10240x16xf32, #tpu.memory_space<vmem_shared>>) target(%dma_start3A_143 : memref<128x16xf32, #tpu.memory_space<vmem>>) offsets(%dma_start3A_146 : memref<128xi32, #tpu.memory_space<vmem>>) semaphore(%dma_start3A_151 : memref<!tpu.dma_semaphore, #tpu.memory_space<semaphore_mem>>)
      } else {
      }
      %ge3A = arith.constant 4 : i32
      %ge3A_131 = arith.cmpi sge, %while3A_121, %ge3A : i32
      %convert_element_type3A_132 = arith.extui %ge3A_131 : i1 to i32
      %cond3A_133 = arith.constant 0 : i32
      %cond3A_134 = arith.cmpi ne, %convert_element_type3A_132, %cond3A_133 : i32
      scf.if %cond3A_134 {
        %dma_wait3A_135 = arith.constant 0 : i32
        %dma_wait3A_136 = arith.constant 0 : i32
        %dma_wait3A_137 = arith.constant 0 : i32
        %dma_wait3A_138 = tpu.memref_slice %arg9[%rem3A_129, %dma_wait3A_136, %dma_wait3A_137] : memref<8x128x16xf32, #tpu.memory_space<vmem>> -> memref<1x128x16xf32, #tpu.memory_space<vmem>>
        %dma_wait3A_139 = tpu.memref_squeeze %dma_wait3A_138 : memref<1x128x16xf32, #tpu.memory_space<vmem>> -> memref<128x16xf32, #tpu.memory_space<vmem>>
        %dma_wait3A_140 = arith.constant 0 : i32
        %dma_wait3A_141 = tpu.memref_slice %arg7[%dma_wait3A_135, %dma_wait3A_140] : memref<79x128xi32, #tpu.memory_space<vmem>> -> memref<1x128xi32, #tpu.memory_space<vmem>>
        %dma_wait3A_142 = tpu.memref_squeeze %dma_wait3A_141 : memref<1x128xi32, #tpu.memory_space<vmem>> -> memref<128xi32, #tpu.memory_space<vmem>>
        %dma_wait3A_143 = arith.constant 0 : i32
        %dma_wait3A_144 = arith.constant 0 : i32
        %dma_wait3A_145 = tpu.memref_slice %arg10[%dma_wait3A_143, %dma_wait3A_144] : memref<10240x16xf32, #tpu.memory_space<vmem_shared>> -> memref<10240x16xf32, #tpu.memory_space<vmem_shared>>
        %dma_wait3A_146 = tpu.memref_slice %arg12[%rem3A_129] : memref<8x!tpu.dma_semaphore, #tpu.memory_space<semaphore_mem>> -> memref<1x!tpu.dma_semaphore, #tpu.memory_space<semaphore_mem>>
        %dma_wait3A_147 = tpu.memref_squeeze %dma_wait3A_146 : memref<1x!tpu.dma_semaphore, #tpu.memory_space<semaphore_mem>> -> memref<!tpu.dma_semaphore, #tpu.memory_space<semaphore_mem>>
        tpu.wait_indirect_dma semaphore(%dma_wait3A_147 : memref<!tpu.dma_semaphore, #tpu.memory_space<semaphore_mem>>) src(%dma_wait3A_145 : memref<10240x16xf32, #tpu.memory_space<vmem_shared>>) dst(%dma_wait3A_139 : memref<128x16xf32, #tpu.memory_space<vmem>>)
        %dma_start3A_148 = arith.constant 0 : i32
        %dma_start3A_149 = arith.constant 0 : i32
        %dma_start3A_150 = tpu.memref_slice %arg9[%rem3A_129, %dma_start3A_148, %dma_start3A_149] : memref<8x128x16xf32, #tpu.memory_space<vmem>> -> memref<1x128x16xf32, #tpu.memory_space<vmem>>
        %dma_start3A_151 = tpu.memref_squeeze %dma_start3A_150 : memref<1x128x16xf32, #tpu.memory_space<vmem>> -> memref<128x16xf32, #tpu.memory_space<vmem>>
        %dma_start3A_152 = arith.constant 0 : i32
        %dma_start3A_153 = tpu.memref_slice %arg8[%sub3A_125, %dma_start3A_152] : memref<79x128xi32, #tpu.memory_space<vmem>> -> memref<1x128xi32, #tpu.memory_space<vmem>>
        %dma_start3A_154 = tpu.memref_squeeze %dma_start3A_153 : memref<1x128xi32, #tpu.memory_space<vmem>> -> memref<128xi32, #tpu.memory_space<vmem>>
        %dma_start3A_155 = arith.constant 0 : i32
        %dma_start3A_156 = arith.constant 0 : i32
        %dma_start3A_157 = tpu.memref_slice %arg11[%dma_start3A_155, %dma_start3A_156] : memref<10240x16xf32, #tpu.memory_space<vmem_shared>> -> memref<10240x16xf32, #tpu.memory_space<vmem_shared>>
        %dma_start3A_158 = tpu.memref_slice %arg13[%rem3A_129] : memref<8x!tpu.dma_semaphore, #tpu.memory_space<semaphore_mem>> -> memref<1x!tpu.dma_semaphore, #tpu.memory_space<semaphore_mem>>
        %dma_start3A_159 = tpu.memref_squeeze %dma_start3A_158 : memref<1x!tpu.dma_semaphore, #tpu.memory_space<semaphore_mem>> -> memref<!tpu.dma_semaphore, #tpu.memory_space<semaphore_mem>>
        tpu.enqueue_indirect_dma source(%dma_start3A_151 : memref<128x16xf32, #tpu.memory_space<vmem>>) target(%dma_start3A_157 : memref<10240x16xf32, #tpu.memory_space<vmem_shared>>) offsets(%dma_start3A_154 : memref<128xi32, #tpu.memory_space<vmem>>) semaphore(%dma_start3A_159 : memref<!tpu.dma_semaphore, #tpu.memory_space<semaphore_mem>>) {add = true}
      } else {
      }
    }
    %scan3A = arith.constant 0 : i32
    %scan3A_115 = arith.constant 0 : i32
    %scan3A_116 = arith.constant 8 : i32
    %scan3A_117 = arith.addi %scan3A_115, %scan3A_116 : i32
    %scan3A_118 = arith.constant 1 : i32
    scf.for %scan3A_121 = %scan3A_115 to %scan3A_117 step %scan3A_118  : i32 {
      %lt3A = arith.cmpi slt, %scan3A_121, %sub3A_47 : i32
      %convert_element_type3A = arith.extui %lt3A : i1 to i32
      %cond3A = arith.constant 0 : i32
      %cond3A_122 = arith.cmpi ne, %convert_element_type3A, %cond3A : i32
      scf.if %cond3A_122 {
        %dma_wait3A_123 = arith.constant 0 : i32
        %dma_wait3A_124 = arith.constant 0 : i32
        %dma_wait3A_125 = arith.constant 0 : i32
        %dma_wait3A_126 = tpu.memref_slice %arg9[%scan3A_121, %dma_wait3A_124, %dma_wait3A_125] : memref<8x128x16xf32, #tpu.memory_space<vmem>> -> memref<1x128x16xf32, #tpu.memory_space<vmem>>
        %dma_wait3A_127 = tpu.memref_squeeze %dma_wait3A_126 : memref<1x128x16xf32, #tpu.memory_space<vmem>> -> memref<128x16xf32, #tpu.memory_space<vmem>>
        %dma_wait3A_128 = arith.constant 0 : i32
        %dma_wait3A_129 = tpu.memref_slice %arg7[%dma_wait3A_123, %dma_wait3A_128] : memref<79x128xi32, #tpu.memory_space<vmem>> -> memref<1x128xi32, #tpu.memory_space<vmem>>
        %dma_wait3A_130 = tpu.memref_squeeze %dma_wait3A_129 : memref<1x128xi32, #tpu.memory_space<vmem>> -> memref<128xi32, #tpu.memory_space<vmem>>
        %dma_wait3A_131 = arith.constant 0 : i32
        %dma_wait3A_132 = arith.constant 0 : i32
        %dma_wait3A_133 = tpu.memref_slice %arg11[%dma_wait3A_131, %dma_wait3A_132] : memref<10240x16xf32, #tpu.memory_space<vmem_shared>> -> memref<10240x16xf32, #tpu.memory_space<vmem_shared>>
        %dma_wait3A_134 = tpu.memref_slice %arg13[%scan3A_121] : memref<8x!tpu.dma_semaphore, #tpu.memory_space<semaphore_mem>> -> memref<1x!tpu.dma_semaphore, #tpu.memory_space<semaphore_mem>>
        %dma_wait3A_135 = tpu.memref_squeeze %dma_wait3A_134 : memref<1x!tpu.dma_semaphore, #tpu.memory_space<semaphore_mem>> -> memref<!tpu.dma_semaphore, #tpu.memory_space<semaphore_mem>>
        tpu.wait_indirect_dma semaphore(%dma_wait3A_135 : memref<!tpu.dma_semaphore, #tpu.memory_space<semaphore_mem>>) src(%dma_wait3A_127 : memref<128x16xf32, #tpu.memory_space<vmem>>) dst(%dma_wait3A_133 : memref<10240x16xf32, #tpu.memory_space<vmem_shared>>)
      } else {
      }
    }
    %scan3A_119 = arith.constant 8 : i32
    %barrier3A_120 = arith.constant 0 : index
    tpu.barrier barrier_id(%barrier3A_120)
    "tpu.region"() ({
      %run_scoped3A = tpu.sem_alloc : memref<!tpu.dma_semaphore, #tpu.memory_space<semaphore_mem>>
      %dma_start3A_121 = arith.constant 0 : i32
      %dma_start3A_122 = tpu.memref_slice %arg6[%arg0, %mul3A_49, %dma_start3A_121] : memref<2x10240x16xf32, #tpu.memory_space<hbm>> -> memref<1x640x16xf32, #tpu.memory_space<hbm>>
      %dma_start3A_123 = tpu.memref_squeeze %dma_start3A_122 : memref<1x640x16xf32, #tpu.memory_space<hbm>> -> memref<640x16xf32, #tpu.memory_space<hbm>>
      %dma_start3A_124 = arith.constant 0 : i32
      %dma_start3A_125 = tpu.memref_slice %arg11[%mul3A_49, %dma_start3A_124] : memref<10240x16xf32, #tpu.memory_space<vmem_shared>> -> memref<640x16xf32, #tpu.memory_space<vmem_shared>>
      tpu.enqueue_dma source(%dma_start3A_125 : memref<640x16xf32, #tpu.memory_space<vmem_shared>>) target(%dma_start3A_123 : memref<640x16xf32, #tpu.memory_space<hbm>>) target_semaphore(%run_scoped3A : memref<!tpu.dma_semaphore, #tpu.memory_space<semaphore_mem>>)
      %dma_wait3A_126 = arith.constant 0 : i32
      %dma_wait3A_127 = tpu.memref_slice %arg6[%arg0, %mul3A_49, %dma_wait3A_126] : memref<2x10240x16xf32, #tpu.memory_space<hbm>> -> memref<1x640x16xf32, #tpu.memory_space<hbm>>
      %dma_wait3A_128 = tpu.memref_squeeze %dma_wait3A_127 : memref<1x640x16xf32, #tpu.memory_space<hbm>> -> memref<640x16xf32, #tpu.memory_space<hbm>>
      %dma_wait3A_129 = arith.constant 0 : i32
      %dma_wait3A_130 = tpu.memref_slice %arg11[%mul3A_49, %dma_wait3A_129] : memref<10240x16xf32, #tpu.memory_space<vmem_shared>> -> memref<640x16xf32, #tpu.memory_space<vmem_shared>>
      tpu.wait_dma2 semaphore(%run_scoped3A : memref<!tpu.dma_semaphore, #tpu.memory_space<semaphore_mem>>) src(%dma_wait3A_130 : memref<640x16xf32, #tpu.memory_space<vmem_shared>>) dst(%dma_wait3A_128 : memref<640x16xf32, #tpu.memory_space<hbm>>)
      tpu.yield
    }) : () -> ()
    return
  }
}

#map = affine_map<(d0, d1) -> (0, 0)>
#map1 = affine_map<(d0, d1) -> (0, 0, 0, 0)>
module attributes {stable_mosaic.version = 14 : i64} {
  func.func @_deg_body(%arg0: i32, %arg1: i32, %arg2: memref<2500x128xi32, #tpu.memory_space<hbm>>, %arg3: memref<2500x128xi32, #tpu.memory_space<hbm>>, %arg4: memref<10240x16xf32, #tpu.memory_space<hbm>>, %arg5: memref<2x2x10240x16xf32, #tpu.memory_space<hbm>>, %arg6: memref<79x128xi32, #tpu.memory_space<vmem>>, %arg7: memref<79x128xi32, #tpu.memory_space<vmem>>, %arg8: memref<128x16xf32, #tpu.memory_space<vmem>>, %arg9: memref<10240x16xf32, #tpu.memory_space<vmem_shared>>, %arg10: memref<10240x16xf32, #tpu.memory_space<vmem_shared>>, %arg11: memref<!tpu.dma_semaphore, #tpu.memory_space<semaphore_mem>>) attributes {dimension_semantics = [#tpu.dimension_semantics<core_parallel>, #tpu.dimension_semantics<subcore_parallel>], iteration_bounds = array<i64: 2, 16>, scalar_prefetch = 0 : i64, scratch_operands = 6 : i64, tpu.core_type = #tpu.core_type<sc_vector_subcore>, window_params = [{transform_indices = #map}, {transform_indices = #map}, {transform_indices = #map}, {transform_indices = #map1}]} {
    %mul3A = arith.constant 2 : i32
    %mul3A_0 = arith.muli %arg1, %mul3A : i32
    %add3A = arith.addi %mul3A_0, %arg0 : i32
    %mul3A_1 = arith.constant 2500 : i32
    %mul3A_2 = arith.muli %add3A, %mul3A_1 : i32
    %jit3A = arith.constant 32 : i32
    %div3A = arith.divsi %mul3A_2, %jit3A : i32
    %sign3A = arith.constant 0 : i32
    %sign3A_3 = arith.cmpi sgt, %mul3A_2, %sign3A : i32
    %sign3A_4 = arith.extui %sign3A_3 : i1 to i32
    %sign3A_5 = arith.constant 0 : i32
    %sign3A_6 = arith.cmpi slt, %mul3A_2, %sign3A_5 : i32
    %sign3A_7 = arith.extui %sign3A_6 : i1 to i32
    %sign3A_8 = arith.subi %sign3A_4, %sign3A_7 : i32
    %sign3A_9 = arith.constant 0 : i32
    %sign3A_10 = arith.cmpi sgt, %jit3A, %sign3A_9 : i32
    %sign3A_11 = arith.extui %sign3A_10 : i1 to i32
    %sign3A_12 = arith.constant 0 : i32
    %sign3A_13 = arith.cmpi slt, %jit3A, %sign3A_12 : i32
    %sign3A_14 = arith.extui %sign3A_13 : i1 to i32
    %sign3A_15 = arith.subi %sign3A_11, %sign3A_14 : i32
    %ne3A = arith.cmpi ne, %sign3A_8, %sign3A_15 : i32
    %rem3A = arith.remsi %mul3A_2, %jit3A : i32
    %ne3A_16 = arith.constant 0 : i32
    %ne3A_17 = arith.cmpi ne, %rem3A, %ne3A_16 : i32
    %and3A = arith.andi %ne3A, %ne3A_17 : i1
    %sub3A = arith.constant 1 : i32
    %sub3A_18 = arith.subi %div3A, %sub3A : i32
    %select_n3A = arith.select %and3A, %sub3A_18, %div3A : i32
    %add3A_19 = arith.constant 1 : i32
    %add3A_20 = arith.addi %add3A, %add3A_19 : i32
    %mul3A_21 = arith.constant 2500 : i32
    %mul3A_22 = arith.muli %add3A_20, %mul3A_21 : i32
    %jit3A_23 = arith.constant 32 : i32
    %div3A_24 = arith.divsi %mul3A_22, %jit3A_23 : i32
    %sign3A_25 = arith.constant 0 : i32
    %sign3A_26 = arith.cmpi sgt, %mul3A_22, %sign3A_25 : i32
    %sign3A_27 = arith.extui %sign3A_26 : i1 to i32
    %sign3A_28 = arith.constant 0 : i32
    %sign3A_29 = arith.cmpi slt, %mul3A_22, %sign3A_28 : i32
    %sign3A_30 = arith.extui %sign3A_29 : i1 to i32
    %sign3A_31 = arith.subi %sign3A_27, %sign3A_30 : i32
    %sign3A_32 = arith.constant 0 : i32
    %sign3A_33 = arith.cmpi sgt, %jit3A_23, %sign3A_32 : i32
    %sign3A_34 = arith.extui %sign3A_33 : i1 to i32
    %sign3A_35 = arith.constant 0 : i32
    %sign3A_36 = arith.cmpi slt, %jit3A_23, %sign3A_35 : i32
    %sign3A_37 = arith.extui %sign3A_36 : i1 to i32
    %sign3A_38 = arith.subi %sign3A_34, %sign3A_37 : i32
    %ne3A_39 = arith.cmpi ne, %sign3A_31, %sign3A_38 : i32
    %rem3A_40 = arith.remsi %mul3A_22, %jit3A_23 : i32
    %ne3A_41 = arith.constant 0 : i32
    %ne3A_42 = arith.cmpi ne, %rem3A_40, %ne3A_41 : i32
    %and3A_43 = arith.andi %ne3A_39, %ne3A_42 : i1
    %sub3A_44 = arith.constant 1 : i32
    %sub3A_45 = arith.subi %div3A_24, %sub3A_44 : i32
    %select_n3A_46 = arith.select %and3A_43, %sub3A_45, %div3A_24 : i32
    %sub3A_47 = arith.subi %select_n3A_46, %select_n3A : i32
    %mul3A_48 = arith.constant 640 : i32
    %mul3A_49 = arith.muli %arg1, %mul3A_48 : i32
    %mul3A_50 = arith.constant 640 : i32
    %mul3A_51 = arith.muli %arg1, %mul3A_50 : i32
    %mul3A_52 = arith.constant 640 : i32
    %mul3A_53 = arith.muli %arg1, %mul3A_52 : i32
    %dma_start3A = arith.constant 0 : i32
    %dma_start3A_54 = tpu.memref_slice %arg9[%mul3A_51, %dma_start3A] : memref<10240x16xf32, #tpu.memory_space<vmem_shared>> -> memref<640x16xf32, #tpu.memory_space<vmem_shared>>
    %dma_start3A_55 = arith.constant 0 : i32
    %dma_start3A_56 = tpu.memref_slice %arg4[%mul3A_49, %dma_start3A_55] : memref<10240x16xf32, #tpu.memory_space<hbm>> -> memref<640x16xf32, #tpu.memory_space<hbm>>
    tpu.enqueue_dma source(%dma_start3A_56 : memref<640x16xf32, #tpu.memory_space<hbm>>) target(%dma_start3A_54 : memref<640x16xf32, #tpu.memory_space<vmem_shared>>) target_semaphore(%arg11 : memref<!tpu.dma_semaphore, #tpu.memory_space<semaphore_mem>>)
    %dma_start3A_57 = arith.constant 0 : i32
    %dma_start3A_58 = tpu.memref_slice %arg10[%mul3A_53, %dma_start3A_57] : memref<10240x16xf32, #tpu.memory_space<vmem_shared>> -> memref<640x16xf32, #tpu.memory_space<vmem_shared>>
    %dma_start3A_59 = arith.constant 0 : i32
    %dma_start3A_60 = tpu.memref_slice %arg4[%mul3A_49, %dma_start3A_59] : memref<10240x16xf32, #tpu.memory_space<hbm>> -> memref<640x16xf32, #tpu.memory_space<hbm>>
    tpu.enqueue_dma source(%dma_start3A_60 : memref<640x16xf32, #tpu.memory_space<hbm>>) target(%dma_start3A_58 : memref<640x16xf32, #tpu.memory_space<vmem_shared>>) target_semaphore(%arg11 : memref<!tpu.dma_semaphore, #tpu.memory_space<semaphore_mem>>)
    %dma_start3A_61 = arith.constant 0 : i32
    %dma_start3A_62 = tpu.memref_slice %arg2[%select_n3A, %dma_start3A_61] : memref<2500x128xi32, #tpu.memory_space<hbm>> -> memref<79x128xi32, #tpu.memory_space<hbm>>
    %dma_start3A_63 = arith.constant 0 : i32
    %dma_start3A_64 = tpu.memref_slice %arg2[%select_n3A, %dma_start3A_63] : memref<2500x128xi32, #tpu.memory_space<hbm>> -> memref<79x128xi32, #tpu.memory_space<hbm>>
    tpu.enqueue_dma source(%dma_start3A_64 : memref<79x128xi32, #tpu.memory_space<hbm>>) target(%arg6 : memref<79x128xi32, #tpu.memory_space<vmem>>) target_semaphore(%arg11 : memref<!tpu.dma_semaphore, #tpu.memory_space<semaphore_mem>>)
    %dma_start3A_65 = arith.constant 0 : i32
    %dma_start3A_66 = tpu.memref_slice %arg3[%select_n3A, %dma_start3A_65] : memref<2500x128xi32, #tpu.memory_space<hbm>> -> memref<79x128xi32, #tpu.memory_space<hbm>>
    %dma_start3A_67 = arith.constant 0 : i32
    %dma_start3A_68 = tpu.memref_slice %arg3[%select_n3A, %dma_start3A_67] : memref<2500x128xi32, #tpu.memory_space<hbm>> -> memref<79x128xi32, #tpu.memory_space<hbm>>
    tpu.enqueue_dma source(%dma_start3A_68 : memref<79x128xi32, #tpu.memory_space<hbm>>) target(%arg7 : memref<79x128xi32, #tpu.memory_space<vmem>>) target_semaphore(%arg11 : memref<!tpu.dma_semaphore, #tpu.memory_space<semaphore_mem>>)
    %dma_wait3A = arith.constant 0 : i32
    %dma_wait3A_69 = tpu.memref_slice %arg9[%mul3A_51, %dma_wait3A] : memref<10240x16xf32, #tpu.memory_space<vmem_shared>> -> memref<640x16xf32, #tpu.memory_space<vmem_shared>>
    %dma_wait3A_70 = arith.constant 0 : i32
    %dma_wait3A_71 = tpu.memref_slice %arg4[%mul3A_49, %dma_wait3A_70] : memref<10240x16xf32, #tpu.memory_space<hbm>> -> memref<640x16xf32, #tpu.memory_space<hbm>>
    tpu.wait_dma2 semaphore(%arg11 : memref<!tpu.dma_semaphore, #tpu.memory_space<semaphore_mem>>) src(%dma_wait3A_71 : memref<640x16xf32, #tpu.memory_space<hbm>>) dst(%dma_wait3A_69 : memref<640x16xf32, #tpu.memory_space<vmem_shared>>)
    %dma_wait3A_72 = arith.constant 0 : i32
    %dma_wait3A_73 = tpu.memref_slice %arg10[%mul3A_53, %dma_wait3A_72] : memref<10240x16xf32, #tpu.memory_space<vmem_shared>> -> memref<640x16xf32, #tpu.memory_space<vmem_shared>>
    %dma_wait3A_74 = arith.constant 0 : i32
    %dma_wait3A_75 = tpu.memref_slice %arg4[%mul3A_49, %dma_wait3A_74] : memref<10240x16xf32, #tpu.memory_space<hbm>> -> memref<640x16xf32, #tpu.memory_space<hbm>>
    tpu.wait_dma2 semaphore(%arg11 : memref<!tpu.dma_semaphore, #tpu.memory_space<semaphore_mem>>) src(%dma_wait3A_75 : memref<640x16xf32, #tpu.memory_space<hbm>>) dst(%dma_wait3A_73 : memref<640x16xf32, #tpu.memory_space<vmem_shared>>)
    %dma_wait3A_76 = arith.constant 0 : i32
    %dma_wait3A_77 = tpu.memref_slice %arg2[%select_n3A, %dma_wait3A_76] : memref<2500x128xi32, #tpu.memory_space<hbm>> -> memref<79x128xi32, #tpu.memory_space<hbm>>
    %dma_wait3A_78 = arith.constant 0 : i32
    %dma_wait3A_79 = tpu.memref_slice %arg2[%select_n3A, %dma_wait3A_78] : memref<2500x128xi32, #tpu.memory_space<hbm>> -> memref<79x128xi32, #tpu.memory_space<hbm>>
    tpu.wait_dma2 semaphore(%arg11 : memref<!tpu.dma_semaphore, #tpu.memory_space<semaphore_mem>>) src(%dma_wait3A_79 : memref<79x128xi32, #tpu.memory_space<hbm>>) dst(%arg6 : memref<79x128xi32, #tpu.memory_space<vmem>>)
    %dma_wait3A_80 = arith.constant 0 : i32
    %dma_wait3A_81 = tpu.memref_slice %arg3[%select_n3A, %dma_wait3A_80] : memref<2500x128xi32, #tpu.memory_space<hbm>> -> memref<79x128xi32, #tpu.memory_space<hbm>>
    %dma_wait3A_82 = arith.constant 0 : i32
    %dma_wait3A_83 = tpu.memref_slice %arg3[%select_n3A, %dma_wait3A_82] : memref<2500x128xi32, #tpu.memory_space<hbm>> -> memref<79x128xi32, #tpu.memory_space<hbm>>
    tpu.wait_dma2 semaphore(%arg11 : memref<!tpu.dma_semaphore, #tpu.memory_space<semaphore_mem>>) src(%dma_wait3A_83 : memref<79x128xi32, #tpu.memory_space<hbm>>) dst(%arg7 : memref<79x128xi32, #tpu.memory_space<vmem>>)
    %scan3A = arith.constant 0 : i32
    %scan3A_84 = arith.constant 0 : i32
    %scan3A_85 = arith.constant 128 : i32
    %scan3A_86 = arith.addi %scan3A_84, %scan3A_85 : i32
    %scan3A_87 = arith.constant 1 : i32
    scf.for %scan3A_112 = %scan3A_84 to %scan3A_86 step %scan3A_87  : i32 {
      %broadcast_in_dim3A = arith.constant 1.000000e+00 : f32
      %broadcast_in_dim3A_113 = vector.broadcast %broadcast_in_dim3A : f32 to vector<16xf32>
      %swap3A = arith.index_cast %scan3A_112 : i32 to index
      %swap3A_114 = arith.constant 0 : index
      %swap3A_115 = tpu.vector_load %arg8[%swap3A, %swap3A_114] {strides = array<i32>} : memref<128x16xf32, #tpu.memory_space<vmem>>, vector<1x16xf32>,
      %swap3A_116 = vector.shape_cast %swap3A_115 : vector<1x16xf32> to vector<16xf32>
      %swap3A_117 = vector.shape_cast %broadcast_in_dim3A_113 : vector<16xf32> to vector<1x16xf32>
      tpu.vector_store %arg8[%swap3A, %swap3A_114], %swap3A_117 {strides = array<i32>} : memref<128x16xf32, #tpu.memory_space<vmem>>, vector<1x16xf32>,
    }
    %scan3A_88 = arith.constant 128 : i32
    %barrier3A = arith.constant 0 : index
    tpu.barrier barrier_id(%barrier3A)
    %while3A = arith.constant 0 : i32
    %while3A_89 = arith.constant 0 : i32
    %while3A_90 = arith.subi %sub3A_47, %while3A_89 : i32
    %while3A_91 = arith.addi %while3A_89, %while3A_90 : i32
    %while3A_92 = arith.constant 1 : i32
    %while3A_93 = arith.divsi %while3A_90, %while3A_92 : i32
    %while3A_94 = arith.muli %while3A_93, %while3A_92 : i32
    %while3A_95 = arith.addi %while3A_89, %while3A_94 : i32
    %while3A_96 = arith.constant 1 : i32
    scf.for %while3A_112 = %while3A_89 to %while3A_95 step %while3A_96  : i32 {
      %dma_start3A_113 = arith.constant 0 : i32
      %dma_start3A_114 = tpu.memref_slice %arg6[%while3A_112, %dma_start3A_113] : memref<79x128xi32, #tpu.memory_space<vmem>> -> memref<1x128xi32, #tpu.memory_space<vmem>>
      %dma_start3A_115 = tpu.memref_squeeze %dma_start3A_114 : memref<1x128xi32, #tpu.memory_space<vmem>> -> memref<128xi32, #tpu.memory_space<vmem>>
      %dma_start3A_116 = arith.constant 0 : i32
      %dma_start3A_117 = arith.constant 0 : i32
      %dma_start3A_118 = tpu.memref_slice %arg9[%dma_start3A_116, %dma_start3A_117] : memref<10240x16xf32, #tpu.memory_space<vmem_shared>> -> memref<10240x16xf32, #tpu.memory_space<vmem_shared>>
      tpu.enqueue_indirect_dma source(%arg8 : memref<128x16xf32, #tpu.memory_space<vmem>>) target(%dma_start3A_118 : memref<10240x16xf32, #tpu.memory_space<vmem_shared>>) offsets(%dma_start3A_115 : memref<128xi32, #tpu.memory_space<vmem>>) semaphore(%arg11 : memref<!tpu.dma_semaphore, #tpu.memory_space<semaphore_mem>>) {add = true}
      %dma_start3A_119 = arith.constant 0 : i32
      %dma_start3A_120 = tpu.memref_slice %arg7[%while3A_112, %dma_start3A_119] : memref<79x128xi32, #tpu.memory_space<vmem>> -> memref<1x128xi32, #tpu.memory_space<vmem>>
      %dma_start3A_121 = tpu.memref_squeeze %dma_start3A_120 : memref<1x128xi32, #tpu.memory_space<vmem>> -> memref<128xi32, #tpu.memory_space<vmem>>
      %dma_start3A_122 = arith.constant 0 : i32
      %dma_start3A_123 = arith.constant 0 : i32
      %dma_start3A_124 = tpu.memref_slice %arg10[%dma_start3A_122, %dma_start3A_123] : memref<10240x16xf32, #tpu.memory_space<vmem_shared>> -> memref<10240x16xf32, #tpu.memory_space<vmem_shared>>
      tpu.enqueue_indirect_dma source(%arg8 : memref<128x16xf32, #tpu.memory_space<vmem>>) target(%dma_start3A_124 : memref<10240x16xf32, #tpu.memory_space<vmem_shared>>) offsets(%dma_start3A_121 : memref<128xi32, #tpu.memory_space<vmem>>) semaphore(%arg11 : memref<!tpu.dma_semaphore, #tpu.memory_space<semaphore_mem>>) {add = true}
    }
    %while3A_97 = arith.constant 1 : i32
    scf.for %while3A_112 = %while3A_95 to %while3A_91 step %while3A_97  : i32 {
      %dma_start3A_113 = arith.constant 0 : i32
      %dma_start3A_114 = tpu.memref_slice %arg6[%while3A_112, %dma_start3A_113] : memref<79x128xi32, #tpu.memory_space<vmem>> -> memref<1x128xi32, #tpu.memory_space<vmem>>
      %dma_start3A_115 = tpu.memref_squeeze %dma_start3A_114 : memref<1x128xi32, #tpu.memory_space<vmem>> -> memref<128xi32, #tpu.memory_space<vmem>>
      %dma_start3A_116 = arith.constant 0 : i32
      %dma_start3A_117 = arith.constant 0 : i32
      %dma_start3A_118 = tpu.memref_slice %arg9[%dma_start3A_116, %dma_start3A_117] : memref<10240x16xf32, #tpu.memory_space<vmem_shared>> -> memref<10240x16xf32, #tpu.memory_space<vmem_shared>>
      tpu.enqueue_indirect_dma source(%arg8 : memref<128x16xf32, #tpu.memory_space<vmem>>) target(%dma_start3A_118 : memref<10240x16xf32, #tpu.memory_space<vmem_shared>>) offsets(%dma_start3A_115 : memref<128xi32, #tpu.memory_space<vmem>>) semaphore(%arg11 : memref<!tpu.dma_semaphore, #tpu.memory_space<semaphore_mem>>) {add = true}
      %dma_start3A_119 = arith.constant 0 : i32
      %dma_start3A_120 = tpu.memref_slice %arg7[%while3A_112, %dma_start3A_119] : memref<79x128xi32, #tpu.memory_space<vmem>> -> memref<1x128xi32, #tpu.memory_space<vmem>>
      %dma_start3A_121 = tpu.memref_squeeze %dma_start3A_120 : memref<1x128xi32, #tpu.memory_space<vmem>> -> memref<128xi32, #tpu.memory_space<vmem>>
      %dma_start3A_122 = arith.constant 0 : i32
      %dma_start3A_123 = arith.constant 0 : i32
      %dma_start3A_124 = tpu.memref_slice %arg10[%dma_start3A_122, %dma_start3A_123] : memref<10240x16xf32, #tpu.memory_space<vmem_shared>> -> memref<10240x16xf32, #tpu.memory_space<vmem_shared>>
      tpu.enqueue_indirect_dma source(%arg8 : memref<128x16xf32, #tpu.memory_space<vmem>>) target(%dma_start3A_124 : memref<10240x16xf32, #tpu.memory_space<vmem_shared>>) offsets(%dma_start3A_121 : memref<128xi32, #tpu.memory_space<vmem>>) semaphore(%arg11 : memref<!tpu.dma_semaphore, #tpu.memory_space<semaphore_mem>>) {add = true}
    }
    %while3A_98 = arith.constant 0 : i32
    %while3A_99 = arith.constant 0 : i32
    %while3A_100 = arith.subi %sub3A_47, %while3A_99 : i32
    %while3A_101 = arith.addi %while3A_99, %while3A_100 : i32
    %while3A_102 = arith.constant 1 : i32
    %while3A_103 = arith.divsi %while3A_100, %while3A_102 : i32
    %while3A_104 = arith.muli %while3A_103, %while3A_102 : i32
    %while3A_105 = arith.addi %while3A_99, %while3A_104 : i32
    %while3A_106 = arith.constant 1 : i32
    scf.for %while3A_112 = %while3A_99 to %while3A_105 step %while3A_106  : i32 {
      %dma_wait3A_113 = arith.constant 0 : i32
      %dma_wait3A_114 = arith.constant 0 : i32
      %dma_wait3A_115 = tpu.memref_slice %arg6[%dma_wait3A_113, %dma_wait3A_114] : memref<79x128xi32, #tpu.memory_space<vmem>> -> memref<1x128xi32, #tpu.memory_space<vmem>>
      %dma_wait3A_116 = tpu.memref_squeeze %dma_wait3A_115 : memref<1x128xi32, #tpu.memory_space<vmem>> -> memref<128xi32, #tpu.memory_space<vmem>>
      %dma_wait3A_117 = arith.constant 0 : i32
      %dma_wait3A_118 = arith.constant 0 : i32
      %dma_wait3A_119 = tpu.memref_slice %arg9[%dma_wait3A_117, %dma_wait3A_118] : memref<10240x16xf32, #tpu.memory_space<vmem_shared>> -> memref<10240x16xf32, #tpu.memory_space<vmem_shared>>
      tpu.wait_indirect_dma semaphore(%arg11 : memref<!tpu.dma_semaphore, #tpu.memory_space<semaphore_mem>>) src(%arg8 : memref<128x16xf32, #tpu.memory_space<vmem>>) dst(%dma_wait3A_119 : memref<10240x16xf32, #tpu.memory_space<vmem_shared>>)
      %dma_wait3A_120 = arith.constant 0 : i32
      %dma_wait3A_121 = arith.constant 0 : i32
      %dma_wait3A_122 = tpu.memref_slice %arg7[%dma_wait3A_120, %dma_wait3A_121] : memref<79x128xi32, #tpu.memory_space<vmem>> -> memref<1x128xi32, #tpu.memory_space<vmem>>
      %dma_wait3A_123 = tpu.memref_squeeze %dma_wait3A_122 : memref<1x128xi32, #tpu.memory_space<vmem>> -> memref<128xi32, #tpu.memory_space<vmem>>
      %dma_wait3A_124 = arith.constant 0 : i32
      %dma_wait3A_125 = arith.constant 0 : i32
      %dma_wait3A_126 = tpu.memref_slice %arg10[%dma_wait3A_124, %dma_wait3A_125] : memref<10240x16xf32, #tpu.memory_space<vmem_shared>> -> memref<10240x16xf32, #tpu.memory_space<vmem_shared>>
      tpu.wait_indirect_dma semaphore(%arg11 : memref<!tpu.dma_semaphore, #tpu.memory_space<semaphore_mem>>) src(%arg8 : memref<128x16xf32, #tpu.memory_space<vmem>>) dst(%dma_wait3A_126 : memref<10240x16xf32, #tpu.memory_space<vmem_shared>>)
    }
    %while3A_107 = arith.constant 1 : i32
    scf.for %while3A_112 = %while3A_105 to %while3A_101 step %while3A_107  : i32 {
      %dma_wait3A_113 = arith.constant 0 : i32
      %dma_wait3A_114 = arith.constant 0 : i32
      %dma_wait3A_115 = tpu.memref_slice %arg6[%dma_wait3A_113, %dma_wait3A_114] : memref<79x128xi32, #tpu.memory_space<vmem>> -> memref<1x128xi32, #tpu.memory_space<vmem>>
      %dma_wait3A_116 = tpu.memref_squeeze %dma_wait3A_115 : memref<1x128xi32, #tpu.memory_space<vmem>> -> memref<128xi32, #tpu.memory_space<vmem>>
      %dma_wait3A_117 = arith.constant 0 : i32
      %dma_wait3A_118 = arith.constant 0 : i32
      %dma_wait3A_119 = tpu.memref_slice %arg9[%dma_wait3A_117, %dma_wait3A_118] : memref<10240x16xf32, #tpu.memory_space<vmem_shared>> -> memref<10240x16xf32, #tpu.memory_space<vmem_shared>>
      tpu.wait_indirect_dma semaphore(%arg11 : memref<!tpu.dma_semaphore, #tpu.memory_space<semaphore_mem>>) src(%arg8 : memref<128x16xf32, #tpu.memory_space<vmem>>) dst(%dma_wait3A_119 : memref<10240x16xf32, #tpu.memory_space<vmem_shared>>)
      %dma_wait3A_120 = arith.constant 0 : i32
      %dma_wait3A_121 = arith.constant 0 : i32
      %dma_wait3A_122 = tpu.memref_slice %arg7[%dma_wait3A_120, %dma_wait3A_121] : memref<79x128xi32, #tpu.memory_space<vmem>> -> memref<1x128xi32, #tpu.memory_space<vmem>>
      %dma_wait3A_123 = tpu.memref_squeeze %dma_wait3A_122 : memref<1x128xi32, #tpu.memory_space<vmem>> -> memref<128xi32, #tpu.memory_space<vmem>>
      %dma_wait3A_124 = arith.constant 0 : i32
      %dma_wait3A_125 = arith.constant 0 : i32
      %dma_wait3A_126 = tpu.memref_slice %arg10[%dma_wait3A_124, %dma_wait3A_125] : memref<10240x16xf32, #tpu.memory_space<vmem_shared>> -> memref<10240x16xf32, #tpu.memory_space<vmem_shared>>
      tpu.wait_indirect_dma semaphore(%arg11 : memref<!tpu.dma_semaphore, #tpu.memory_space<semaphore_mem>>) src(%arg8 : memref<128x16xf32, #tpu.memory_space<vmem>>) dst(%dma_wait3A_126 : memref<10240x16xf32, #tpu.memory_space<vmem_shared>>)
    }
    %barrier3A_108 = arith.constant 0 : index
    tpu.barrier barrier_id(%barrier3A_108)
    %mul3A_109 = arith.constant 640 : i32
    %mul3A_110 = arith.muli %arg1, %mul3A_109 : i32
    %run_scoped3A = arith.constant 0 : i32
    "tpu.region"() ({
      %run_scoped3A_112 = tpu.sem_alloc : memref<!tpu.dma_semaphore, #tpu.memory_space<semaphore_mem>>
      %dma_start3A_113 = arith.constant 0 : i32
      %dma_start3A_114 = tpu.memref_slice %arg5[%arg0, %run_scoped3A, %mul3A_110, %dma_start3A_113] : memref<2x2x10240x16xf32, #tpu.memory_space<hbm>> -> memref<1x1x640x16xf32, #tpu.memory_space<hbm>>
      %dma_start3A_115 = tpu.memref_squeeze %dma_start3A_114 : memref<1x1x640x16xf32, #tpu.memory_space<hbm>> -> memref<640x16xf32, #tpu.memory_space<hbm>>
      %dma_start3A_116 = arith.constant 0 : i32
      %dma_start3A_117 = tpu.memref_slice %arg9[%mul3A_110, %dma_start3A_116] : memref<10240x16xf32, #tpu.memory_space<vmem_shared>> -> memref<640x16xf32, #tpu.memory_space<vmem_shared>>
      tpu.enqueue_dma source(%dma_start3A_117 : memref<640x16xf32, #tpu.memory_space<vmem_shared>>) target(%dma_start3A_115 : memref<640x16xf32, #tpu.memory_space<hbm>>) target_semaphore(%run_scoped3A_112 : memref<!tpu.dma_semaphore, #tpu.memory_space<semaphore_mem>>)
      %dma_wait3A_118 = arith.constant 0 : i32
      %dma_wait3A_119 = tpu.memref_slice %arg5[%arg0, %run_scoped3A, %mul3A_110, %dma_wait3A_118] : memref<2x2x10240x16xf32, #tpu.memory_space<hbm>> -> memref<1x1x640x16xf32, #tpu.memory_space<hbm>>
      %dma_wait3A_120 = tpu.memref_squeeze %dma_wait3A_119 : memref<1x1x640x16xf32, #tpu.memory_space<hbm>> -> memref<640x16xf32, #tpu.memory_space<hbm>>
      %dma_wait3A_121 = arith.constant 0 : i32
      %dma_wait3A_122 = tpu.memref_slice %arg9[%mul3A_110, %dma_wait3A_121] : memref<10240x16xf32, #tpu.memory_space<vmem_shared>> -> memref<640x16xf32, #tpu.memory_space<vmem_shared>>
      tpu.wait_dma2 semaphore(%run_scoped3A_112 : memref<!tpu.dma_semaphore, #tpu.memory_space<semaphore_mem>>) src(%dma_wait3A_122 : memref<640x16xf32, #tpu.memory_space<vmem_shared>>) dst(%dma_wait3A_120 : memref<640x16xf32, #tpu.memory_space<hbm>>)
      tpu.yield
    }) : () -> ()
    %run_scoped3A_111 = arith.constant 1 : i32
    "tpu.region"() ({
      %run_scoped3A_112 = tpu.sem_alloc : memref<!tpu.dma_semaphore, #tpu.memory_space<semaphore_mem>>
      %dma_start3A_113 = arith.constant 0 : i32
      %dma_start3A_114 = tpu.memref_slice %arg5[%arg0, %run_scoped3A_111, %mul3A_110, %dma_start3A_113] : memref<2x2x10240x16xf32, #tpu.memory_space<hbm>> -> memref<1x1x640x16xf32, #tpu.memory_space<hbm>>
      %dma_start3A_115 = tpu.memref_squeeze %dma_start3A_114 : memref<1x1x640x16xf32, #tpu.memory_space<hbm>> -> memref<640x16xf32, #tpu.memory_space<hbm>>
      %dma_start3A_116 = arith.constant 0 : i32
      %dma_start3A_117 = tpu.memref_slice %arg10[%mul3A_110, %dma_start3A_116] : memref<10240x16xf32, #tpu.memory_space<vmem_shared>> -> memref<640x16xf32, #tpu.memory_space<vmem_shared>>
      tpu.enqueue_dma source(%dma_start3A_117 : memref<640x16xf32, #tpu.memory_space<vmem_shared>>) target(%dma_start3A_115 : memref<640x16xf32, #tpu.memory_space<hbm>>) target_semaphore(%run_scoped3A_112 : memref<!tpu.dma_semaphore, #tpu.memory_space<semaphore_mem>>)
      %dma_wait3A_118 = arith.constant 0 : i32
      %dma_wait3A_119 = tpu.memref_slice %arg5[%arg0, %run_scoped3A_111, %mul3A_110, %dma_wait3A_118] : memref<2x2x10240x16xf32, #tpu.memory_space<hbm>> -> memref<1x1x640x16xf32, #tpu.memory_space<hbm>>
      %dma_wait3A_120 = tpu.memref_squeeze %dma_wait3A_119 : memref<1x1x640x16xf32, #tpu.memory_space<hbm>> -> memref<640x16xf32, #tpu.memory_space<hbm>>
      %dma_wait3A_121 = arith.constant 0 : i32
      %dma_wait3A_122 = tpu.memref_slice %arg10[%mul3A_110, %dma_wait3A_121] : memref<10240x16xf32, #tpu.memory_space<vmem_shared>> -> memref<640x16xf32, #tpu.memory_space<vmem_shared>>
      tpu.wait_dma2 semaphore(%run_scoped3A_112 : memref<!tpu.dma_semaphore, #tpu.memory_space<semaphore_mem>>) src(%dma_wait3A_122 : memref<640x16xf32, #tpu.memory_space<vmem_shared>>) dst(%dma_wait3A_120 : memref<640x16xf32, #tpu.memory_space<hbm>>)
      tpu.yield
    }) : () -> ()
    return
  }
}

#map = affine_map<(d0, d1) -> (0, 0)>
#map1 = affine_map<(d0, d1) -> (0, 0, 0)>
module attributes {stable_mosaic.version = 14 : i64} {
  func.func @_agg_body(%arg0: i32, %arg1: i32, %arg2: memref<10240x16xf32, #tpu.memory_space<hbm>>, %arg3: memref<2500x128xi32, #tpu.memory_space<hbm>>, %arg4: memref<2500x128xi32, #tpu.memory_space<hbm>>, %arg5: memref<10240x16xf32, #tpu.memory_space<hbm>>, %arg6: memref<2x10240x16xf32, #tpu.memory_space<hbm>>, %arg7: memref<79x128xi32, #tpu.memory_space<vmem>>, %arg8: memref<79x128xi32, #tpu.memory_space<vmem>>, %arg9: memref<8x128x16xf32, #tpu.memory_space<vmem>>, %arg10: memref<10240x16xf32, #tpu.memory_space<vmem_shared>>, %arg11: memref<10240x16xf32, #tpu.memory_space<vmem_shared>>, %arg12: memref<8x!tpu.dma_semaphore, #tpu.memory_space<semaphore_mem>>, %arg13: memref<8x!tpu.dma_semaphore, #tpu.memory_space<semaphore_mem>>) attributes {dimension_semantics = [#tpu.dimension_semantics<core_parallel>, #tpu.dimension_semantics<subcore_parallel>], iteration_bounds = array<i64: 2, 16>, scalar_prefetch = 0 : i64, scratch_operands = 7 : i64, tpu.core_type = #tpu.core_type<sc_vector_subcore>, window_params = [{transform_indices = #map}, {transform_indices = #map}, {transform_indices = #map}, {transform_indices = #map}, {transform_indices = #map1}]} {
    %mul3A = arith.constant 2 : i32
    %mul3A_0 = arith.muli %arg1, %mul3A : i32
    %add3A = arith.addi %mul3A_0, %arg0 : i32
    %mul3A_1 = arith.constant 2500 : i32
    %mul3A_2 = arith.muli %add3A, %mul3A_1 : i32
    %jit3A = arith.constant 32 : i32
    %div3A = arith.divsi %mul3A_2, %jit3A : i32
    %sign3A = arith.constant 0 : i32
    %sign3A_3 = arith.cmpi sgt, %mul3A_2, %sign3A : i32
    %sign3A_4 = arith.extui %sign3A_3 : i1 to i32
    %sign3A_5 = arith.constant 0 : i32
    %sign3A_6 = arith.cmpi slt, %mul3A_2, %sign3A_5 : i32
    %sign3A_7 = arith.extui %sign3A_6 : i1 to i32
    %sign3A_8 = arith.subi %sign3A_4, %sign3A_7 : i32
    %sign3A_9 = arith.constant 0 : i32
    %sign3A_10 = arith.cmpi sgt, %jit3A, %sign3A_9 : i32
    %sign3A_11 = arith.extui %sign3A_10 : i1 to i32
    %sign3A_12 = arith.constant 0 : i32
    %sign3A_13 = arith.cmpi slt, %jit3A, %sign3A_12 : i32
    %sign3A_14 = arith.extui %sign3A_13 : i1 to i32
    %sign3A_15 = arith.subi %sign3A_11, %sign3A_14 : i32
    %ne3A = arith.cmpi ne, %sign3A_8, %sign3A_15 : i32
    %rem3A = arith.remsi %mul3A_2, %jit3A : i32
    %ne3A_16 = arith.constant 0 : i32
    %ne3A_17 = arith.cmpi ne, %rem3A, %ne3A_16 : i32
    %and3A = arith.andi %ne3A, %ne3A_17 : i1
    %sub3A = arith.constant 1 : i32
    %sub3A_18 = arith.subi %div3A, %sub3A : i32
    %select_n3A = arith.select %and3A, %sub3A_18, %div3A : i32
    %add3A_19 = arith.constant 1 : i32
    %add3A_20 = arith.addi %add3A, %add3A_19 : i32
    %mul3A_21 = arith.constant 2500 : i32
    %mul3A_22 = arith.muli %add3A_20, %mul3A_21 : i32
    %jit3A_23 = arith.constant 32 : i32
    %div3A_24 = arith.divsi %mul3A_22, %jit3A_23 : i32
    %sign3A_25 = arith.constant 0 : i32
    %sign3A_26 = arith.cmpi sgt, %mul3A_22, %sign3A_25 : i32
    %sign3A_27 = arith.extui %sign3A_26 : i1 to i32
    %sign3A_28 = arith.constant 0 : i32
    %sign3A_29 = arith.cmpi slt, %mul3A_22, %sign3A_28 : i32
    %sign3A_30 = arith.extui %sign3A_29 : i1 to i32
    %sign3A_31 = arith.subi %sign3A_27, %sign3A_30 : i32
    %sign3A_32 = arith.constant 0 : i32
    %sign3A_33 = arith.cmpi sgt, %jit3A_23, %sign3A_32 : i32
    %sign3A_34 = arith.extui %sign3A_33 : i1 to i32
    %sign3A_35 = arith.constant 0 : i32
    %sign3A_36 = arith.cmpi slt, %jit3A_23, %sign3A_35 : i32
    %sign3A_37 = arith.extui %sign3A_36 : i1 to i32
    %sign3A_38 = arith.subi %sign3A_34, %sign3A_37 : i32
    %ne3A_39 = arith.cmpi ne, %sign3A_31, %sign3A_38 : i32
    %rem3A_40 = arith.remsi %mul3A_22, %jit3A_23 : i32
    %ne3A_41 = arith.constant 0 : i32
    %ne3A_42 = arith.cmpi ne, %rem3A_40, %ne3A_41 : i32
    %and3A_43 = arith.andi %ne3A_39, %ne3A_42 : i1
    %sub3A_44 = arith.constant 1 : i32
    %sub3A_45 = arith.subi %div3A_24, %sub3A_44 : i32
    %select_n3A_46 = arith.select %and3A_43, %sub3A_45, %div3A_24 : i32
    %sub3A_47 = arith.subi %select_n3A_46, %select_n3A : i32
    %mul3A_48 = arith.constant 640 : i32
    %mul3A_49 = arith.muli %arg1, %mul3A_48 : i32
    %dma_start3A = arith.constant 0 : i32
    %dma_start3A_50 = tpu.memref_slice %arg12[%dma_start3A] : memref<8x!tpu.dma_semaphore, #tpu.memory_space<semaphore_mem>> -> memref<1x!tpu.dma_semaphore, #tpu.memory_space<semaphore_mem>>
    %dma_start3A_51 = tpu.memref_squeeze %dma_start3A_50 : memref<1x!tpu.dma_semaphore, #tpu.memory_space<semaphore_mem>> -> memref<!tpu.dma_semaphore, #tpu.memory_space<semaphore_mem>>
    %dma_start3A_52 = arith.constant 0 : i32
    %dma_start3A_53 = tpu.memref_slice %arg11[%mul3A_49, %dma_start3A_52] : memref<10240x16xf32, #tpu.memory_space<vmem_shared>> -> memref<640x16xf32, #tpu.memory_space<vmem_shared>>
    %dma_start3A_54 = arith.constant 0 : i32
    %dma_start3A_55 = tpu.memref_slice %arg5[%mul3A_49, %dma_start3A_54] : memref<10240x16xf32, #tpu.memory_space<hbm>> -> memref<640x16xf32, #tpu.memory_space<hbm>>
    tpu.enqueue_dma source(%dma_start3A_55 : memref<640x16xf32, #tpu.memory_space<hbm>>) target(%dma_start3A_53 : memref<640x16xf32, #tpu.memory_space<vmem_shared>>) target_semaphore(%dma_start3A_51 : memref<!tpu.dma_semaphore, #tpu.memory_space<semaphore_mem>>)
    %dma_start3A_56 = arith.constant 1 : i32
    %dma_start3A_57 = tpu.memref_slice %arg12[%dma_start3A_56] : memref<8x!tpu.dma_semaphore, #tpu.memory_space<semaphore_mem>> -> memref<1x!tpu.dma_semaphore, #tpu.memory_space<semaphore_mem>>
    %dma_start3A_58 = tpu.memref_squeeze %dma_start3A_57 : memref<1x!tpu.dma_semaphore, #tpu.memory_space<semaphore_mem>> -> memref<!tpu.dma_semaphore, #tpu.memory_space<semaphore_mem>>
    %dma_start3A_59 = arith.constant 0 : i32
    %dma_start3A_60 = tpu.memref_slice %arg10[%mul3A_49, %dma_start3A_59] : memref<10240x16xf32, #tpu.memory_space<vmem_shared>> -> memref<640x16xf32, #tpu.memory_space<vmem_shared>>
    %dma_start3A_61 = arith.constant 0 : i32
    %dma_start3A_62 = tpu.memref_slice %arg2[%mul3A_49, %dma_start3A_61] : memref<10240x16xf32, #tpu.memory_space<hbm>> -> memref<640x16xf32, #tpu.memory_space<hbm>>
    tpu.enqueue_dma source(%dma_start3A_62 : memref<640x16xf32, #tpu.memory_space<hbm>>) target(%dma_start3A_60 : memref<640x16xf32, #tpu.memory_space<vmem_shared>>) target_semaphore(%dma_start3A_58 : memref<!tpu.dma_semaphore, #tpu.memory_space<semaphore_mem>>)
    %dma_start3A_63 = arith.constant 2 : i32
    %dma_start3A_64 = arith.constant 0 : i32
    %dma_start3A_65 = tpu.memref_slice %arg3[%select_n3A, %dma_start3A_64] : memref<2500x128xi32, #tpu.memory_space<hbm>> -> memref<79x128xi32, #tpu.memory_space<hbm>>
    %dma_start3A_66 = tpu.memref_slice %arg12[%dma_start3A_63] : memref<8x!tpu.dma_semaphore, #tpu.memory_space<semaphore_mem>> -> memref<1x!tpu.dma_semaphore, #tpu.memory_space<semaphore_mem>>
    %dma_start3A_67 = tpu.memref_squeeze %dma_start3A_66 : memref<1x!tpu.dma_semaphore, #tpu.memory_space<semaphore_mem>> -> memref<!tpu.dma_semaphore, #tpu.memory_space<semaphore_mem>>
    %dma_start3A_68 = arith.constant 0 : i32
    %dma_start3A_69 = tpu.memref_slice %arg3[%select_n3A, %dma_start3A_68] : memref<2500x128xi32, #tpu.memory_space<hbm>> -> memref<79x128xi32, #tpu.memory_space<hbm>>
    tpu.enqueue_dma source(%dma_start3A_69 : memref<79x128xi32, #tpu.memory_space<hbm>>) target(%arg7 : memref<79x128xi32, #tpu.memory_space<vmem>>) target_semaphore(%dma_start3A_67 : memref<!tpu.dma_semaphore, #tpu.memory_space<semaphore_mem>>)
    %dma_start3A_70 = arith.constant 3 : i32
    %dma_start3A_71 = arith.constant 0 : i32
    %dma_start3A_72 = tpu.memref_slice %arg4[%select_n3A, %dma_start3A_71] : memref<2500x128xi32, #tpu.memory_space<hbm>> -> memref<79x128xi32, #tpu.memory_space<hbm>>
    %dma_start3A_73 = tpu.memref_slice %arg12[%dma_start3A_70] : memref<8x!tpu.dma_semaphore, #tpu.memory_space<semaphore_mem>> -> memref<1x!tpu.dma_semaphore, #tpu.memory_space<semaphore_mem>>
    %dma_start3A_74 = tpu.memref_squeeze %dma_start3A_73 : memref<1x!tpu.dma_semaphore, #tpu.memory_space<semaphore_mem>> -> memref<!tpu.dma_semaphore, #tpu.memory_space<semaphore_mem>>
    %dma_start3A_75 = arith.constant 0 : i32
    %dma_start3A_76 = tpu.memref_slice %arg4[%select_n3A, %dma_start3A_75] : memref<2500x128xi32, #tpu.memory_space<hbm>> -> memref<79x128xi32, #tpu.memory_space<hbm>>
    tpu.enqueue_dma source(%dma_start3A_76 : memref<79x128xi32, #tpu.memory_space<hbm>>) target(%arg8 : memref<79x128xi32, #tpu.memory_space<vmem>>) target_semaphore(%dma_start3A_74 : memref<!tpu.dma_semaphore, #tpu.memory_space<semaphore_mem>>)
    %dma_wait3A = arith.constant 0 : i32
    %dma_wait3A_77 = tpu.memref_slice %arg12[%dma_wait3A] : memref<8x!tpu.dma_semaphore, #tpu.memory_space<semaphore_mem>> -> memref<1x!tpu.dma_semaphore, #tpu.memory_space<semaphore_mem>>
    %dma_wait3A_78 = tpu.memref_squeeze %dma_wait3A_77 : memref<1x!tpu.dma_semaphore, #tpu.memory_space<semaphore_mem>> -> memref<!tpu.dma_semaphore, #tpu.memory_space<semaphore_mem>>
    %dma_wait3A_79 = arith.constant 0 : i32
    %dma_wait3A_80 = tpu.memref_slice %arg11[%mul3A_49, %dma_wait3A_79] : memref<10240x16xf32, #tpu.memory_space<vmem_shared>> -> memref<640x16xf32, #tpu.memory_space<vmem_shared>>
    %dma_wait3A_81 = arith.constant 0 : i32
    %dma_wait3A_82 = tpu.memref_slice %arg5[%mul3A_49, %dma_wait3A_81] : memref<10240x16xf32, #tpu.memory_space<hbm>> -> memref<640x16xf32, #tpu.memory_space<hbm>>
    tpu.wait_dma2 semaphore(%dma_wait3A_78 : memref<!tpu.dma_semaphore, #tpu.memory_space<semaphore_mem>>) src(%dma_wait3A_82 : memref<640x16xf32, #tpu.memory_space<hbm>>) dst(%dma_wait3A_80 : memref<640x16xf32, #tpu.memory_space<vmem_shared>>)
    %dma_wait3A_83 = arith.constant 1 : i32
    %dma_wait3A_84 = tpu.memref_slice %arg12[%dma_wait3A_83] : memref<8x!tpu.dma_semaphore, #tpu.memory_space<semaphore_mem>> -> memref<1x!tpu.dma_semaphore, #tpu.memory_space<semaphore_mem>>
    %dma_wait3A_85 = tpu.memref_squeeze %dma_wait3A_84 : memref<1x!tpu.dma_semaphore, #tpu.memory_space<semaphore_mem>> -> memref<!tpu.dma_semaphore, #tpu.memory_space<semaphore_mem>>
    %dma_wait3A_86 = arith.constant 0 : i32
    %dma_wait3A_87 = tpu.memref_slice %arg10[%mul3A_49, %dma_wait3A_86] : memref<10240x16xf32, #tpu.memory_space<vmem_shared>> -> memref<640x16xf32, #tpu.memory_space<vmem_shared>>
    %dma_wait3A_88 = arith.constant 0 : i32
    %dma_wait3A_89 = tpu.memref_slice %arg2[%mul3A_49, %dma_wait3A_88] : memref<10240x16xf32, #tpu.memory_space<hbm>> -> memref<640x16xf32, #tpu.memory_space<hbm>>
    tpu.wait_dma2 semaphore(%dma_wait3A_85 : memref<!tpu.dma_semaphore, #tpu.memory_space<semaphore_mem>>) src(%dma_wait3A_89 : memref<640x16xf32, #tpu.memory_space<hbm>>) dst(%dma_wait3A_87 : memref<640x16xf32, #tpu.memory_space<vmem_shared>>)
    %dma_wait3A_90 = arith.constant 2 : i32
    %dma_wait3A_91 = arith.constant 0 : i32
    %dma_wait3A_92 = tpu.memref_slice %arg3[%select_n3A, %dma_wait3A_91] : memref<2500x128xi32, #tpu.memory_space<hbm>> -> memref<79x128xi32, #tpu.memory_space<hbm>>
    %dma_wait3A_93 = tpu.memref_slice %arg12[%dma_wait3A_90] : memref<8x!tpu.dma_semaphore, #tpu.memory_space<semaphore_mem>> -> memref<1x!tpu.dma_semaphore, #tpu.memory_space<semaphore_mem>>
    %dma_wait3A_94 = tpu.memref_squeeze %dma_wait3A_93 : memref<1x!tpu.dma_semaphore, #tpu.memory_space<semaphore_mem>> -> memref<!tpu.dma_semaphore, #tpu.memory_space<semaphore_mem>>
    %dma_wait3A_95 = arith.constant 0 : i32
    %dma_wait3A_96 = tpu.memref_slice %arg3[%select_n3A, %dma_wait3A_95] : memref<2500x128xi32, #tpu.memory_space<hbm>> -> memref<79x128xi32, #tpu.memory_space<hbm>>
    tpu.wait_dma2 semaphore(%dma_wait3A_94 : memref<!tpu.dma_semaphore, #tpu.memory_space<semaphore_mem>>) src(%dma_wait3A_96 : memref<79x128xi32, #tpu.memory_space<hbm>>) dst(%arg7 : memref<79x128xi32, #tpu.memory_space<vmem>>)
    %dma_wait3A_97 = arith.constant 3 : i32
    %dma_wait3A_98 = arith.constant 0 : i32
    %dma_wait3A_99 = tpu.memref_slice %arg4[%select_n3A, %dma_wait3A_98] : memref<2500x128xi32, #tpu.memory_space<hbm>> -> memref<79x128xi32, #tpu.memory_space<hbm>>
    %dma_wait3A_100 = tpu.memref_slice %arg12[%dma_wait3A_97] : memref<8x!tpu.dma_semaphore, #tpu.memory_space<semaphore_mem>> -> memref<1x!tpu.dma_semaphore, #tpu.memory_space<semaphore_mem>>
    %dma_wait3A_101 = tpu.memref_squeeze %dma_wait3A_100 : memref<1x!tpu.dma_semaphore, #tpu.memory_space<semaphore_mem>> -> memref<!tpu.dma_semaphore, #tpu.memory_space<semaphore_mem>>
    %dma_wait3A_102 = arith.constant 0 : i32
    %dma_wait3A_103 = tpu.memref_slice %arg4[%select_n3A, %dma_wait3A_102] : memref<2500x128xi32, #tpu.memory_space<hbm>> -> memref<79x128xi32, #tpu.memory_space<hbm>>
    tpu.wait_dma2 semaphore(%dma_wait3A_101 : memref<!tpu.dma_semaphore, #tpu.memory_space<semaphore_mem>>) src(%dma_wait3A_103 : memref<79x128xi32, #tpu.memory_space<hbm>>) dst(%arg8 : memref<79x128xi32, #tpu.memory_space<vmem>>)
    %barrier3A = arith.constant 0 : index
    tpu.barrier barrier_id(%barrier3A)
    %add3A_104 = arith.constant 4 : i32
    %add3A_105 = arith.addi %sub3A_47, %add3A_104 : i32
    %while3A = arith.constant 0 : i32
    %while3A_106 = arith.constant 0 : i32
    %while3A_107 = arith.subi %add3A_105, %while3A_106 : i32
    %while3A_108 = arith.addi %while3A_106, %while3A_107 : i32
    %while3A_109 = arith.constant 1 : i32
    %while3A_110 = arith.divsi %while3A_107, %while3A_109 : i32
    %while3A_111 = arith.muli %while3A_110, %while3A_109 : i32
    %while3A_112 = arith.addi %while3A_106, %while3A_111 : i32
    %while3A_113 = arith.constant 1 : i32
    scf.for %while3A_121 = %while3A_106 to %while3A_112 step %while3A_113  : i32 {
      %rem3A_122 = arith.constant 8 : i32
      %rem3A_123 = arith.remsi %while3A_121, %rem3A_122 : i32
      %sub3A_124 = arith.constant 4 : i32
      %sub3A_125 = arith.subi %while3A_121, %sub3A_124 : i32
      %add3A_126 = arith.constant 8 : i32
      %add3A_127 = arith.addi %sub3A_125, %add3A_126 : i32
      %rem3A_128 = arith.constant 8 : i32
      %rem3A_129 = arith.remsi %add3A_127, %rem3A_128 : i32
      %lt3A = arith.cmpi slt, %while3A_121, %sub3A_47 : i32
      %convert_element_type3A = arith.extui %lt3A : i1 to i32
      %cond3A = arith.constant 0 : i32
      %cond3A_130 = arith.cmpi ne, %convert_element_type3A, %cond3A : i32
      scf.if %cond3A_130 {
        %ge3A_135 = arith.constant 8 : i32
        %ge3A_136 = arith.cmpi sge, %while3A_121, %ge3A_135 : i32
        %convert_element_type3A_137 = arith.extui %ge3A_136 : i1 to i32
        %cond3A_138 = arith.constant 0 : i32
        %cond3A_139 = arith.cmpi ne, %convert_element_type3A_137, %cond3A_138 : i32
        scf.if %cond3A_139 {
          %dma_wait3A_152 = arith.constant 0 : i32
          %dma_wait3A_153 = arith.constant 0 : i32
          %dma_wait3A_154 = arith.constant 0 : i32
          %dma_wait3A_155 = tpu.memref_slice %arg9[%rem3A_123, %dma_wait3A_153, %dma_wait3A_154] : memref<8x128x16xf32, #tpu.memory_space<vmem>> -> memref<1x128x16xf32, #tpu.memory_space<vmem>>
          %dma_wait3A_156 = tpu.memref_squeeze %dma_wait3A_155 : memref<1x128x16xf32, #tpu.memory_space<vmem>> -> memref<128x16xf32, #tpu.memory_space<vmem>>
          %dma_wait3A_157 = arith.constant 0 : i32
          %dma_wait3A_158 = tpu.memref_slice %arg7[%dma_wait3A_152, %dma_wait3A_157] : memref<79x128xi32, #tpu.memory_space<vmem>> -> memref<1x128xi32, #tpu.memory_space<vmem>>
          %dma_wait3A_159 = tpu.memref_squeeze %dma_wait3A_158 : memref<1x128xi32, #tpu.memory_space<vmem>> -> memref<128xi32, #tpu.memory_space<vmem>>
          %dma_wait3A_160 = arith.constant 0 : i32
          %dma_wait3A_161 = arith.constant 0 : i32
          %dma_wait3A_162 = tpu.memref_slice %arg11[%dma_wait3A_160, %dma_wait3A_161] : memref<10240x16xf32, #tpu.memory_space<vmem_shared>> -> memref<10240x16xf32, #tpu.memory_space<vmem_shared>>
          %dma_wait3A_163 = tpu.memref_slice %arg13[%rem3A_123] : memref<8x!tpu.dma_semaphore, #tpu.memory_space<semaphore_mem>> -> memref<1x!tpu.dma_semaphore, #tpu.memory_space<semaphore_mem>>
          %dma_wait3A_164 = tpu.memref_squeeze %dma_wait3A_163 : memref<1x!tpu.dma_semaphore, #tpu.memory_space<semaphore_mem>> -> memref<!tpu.dma_semaphore, #tpu.memory_space<semaphore_mem>>
          tpu.wait_indirect_dma semaphore(%dma_wait3A_164 : memref<!tpu.dma_semaphore, #tpu.memory_space<semaphore_mem>>) src(%dma_wait3A_156 : memref<128x16xf32, #tpu.memory_space<vmem>>) dst(%dma_wait3A_162 : memref<10240x16xf32, #tpu.memory_space<vmem_shared>>)
        } else {
        }
        %dma_start3A_140 = arith.constant 0 : i32
        %dma_start3A_141 = arith.constant 0 : i32
        %dma_start3A_142 = tpu.memref_slice %arg9[%rem3A_123, %dma_start3A_140, %dma_start3A_141] : memref<8x128x16xf32, #tpu.memory_space<vmem>> -> memref<1x128x16xf32, #tpu.memory_space<vmem>>
        %dma_start3A_143 = tpu.memref_squeeze %dma_start3A_142 : memref<1x128x16xf32, #tpu.memory_space<vmem>> -> memref<128x16xf32, #tpu.memory_space<vmem>>
        %dma_start3A_144 = arith.constant 0 : i32
        %dma_start3A_145 = tpu.memref_slice %arg7[%while3A_121, %dma_start3A_144] : memref<79x128xi32, #tpu.memory_space<vmem>> -> memref<1x128xi32, #tpu.memory_space<vmem>>
        %dma_start3A_146 = tpu.memref_squeeze %dma_start3A_145 : memref<1x128xi32, #tpu.memory_space<vmem>> -> memref<128xi32, #tpu.memory_space<vmem>>
        %dma_start3A_147 = arith.constant 0 : i32
        %dma_start3A_148 = arith.constant 0 : i32
        %dma_start3A_149 = tpu.memref_slice %arg10[%dma_start3A_147, %dma_start3A_148] : memref<10240x16xf32, #tpu.memory_space<vmem_shared>> -> memref<10240x16xf32, #tpu.memory_space<vmem_shared>>
        %dma_start3A_150 = tpu.memref_slice %arg12[%rem3A_123] : memref<8x!tpu.dma_semaphore, #tpu.memory_space<semaphore_mem>> -> memref<1x!tpu.dma_semaphore, #tpu.memory_space<semaphore_mem>>
        %dma_start3A_151 = tpu.memref_squeeze %dma_start3A_150 : memref<1x!tpu.dma_semaphore, #tpu.memory_space<semaphore_mem>> -> memref<!tpu.dma_semaphore, #tpu.memory_space<semaphore_mem>>
        tpu.enqueue_indirect_dma source(%dma_start3A_149 : memref<10240x16xf32, #tpu.memory_space<vmem_shared>>) target(%dma_start3A_143 : memref<128x16xf32, #tpu.memory_space<vmem>>) offsets(%dma_start3A_146 : memref<128xi32, #tpu.memory_space<vmem>>) semaphore(%dma_start3A_151 : memref<!tpu.dma_semaphore, #tpu.memory_space<semaphore_mem>>)
      } else {
      }
      %ge3A = arith.constant 4 : i32
      %ge3A_131 = arith.cmpi sge, %while3A_121, %ge3A : i32
      %convert_element_type3A_132 = arith.extui %ge3A_131 : i1 to i32
      %cond3A_133 = arith.constant 0 : i32
      %cond3A_134 = arith.cmpi ne, %convert_element_type3A_132, %cond3A_133 : i32
      scf.if %cond3A_134 {
        %dma_wait3A_135 = arith.constant 0 : i32
        %dma_wait3A_136 = arith.constant 0 : i32
        %dma_wait3A_137 = arith.constant 0 : i32
        %dma_wait3A_138 = tpu.memref_slice %arg9[%rem3A_129, %dma_wait3A_136, %dma_wait3A_137] : memref<8x128x16xf32, #tpu.memory_space<vmem>> -> memref<1x128x16xf32, #tpu.memory_space<vmem>>
        %dma_wait3A_139 = tpu.memref_squeeze %dma_wait3A_138 : memref<1x128x16xf32, #tpu.memory_space<vmem>> -> memref<128x16xf32, #tpu.memory_space<vmem>>
        %dma_wait3A_140 = arith.constant 0 : i32
        %dma_wait3A_141 = tpu.memref_slice %arg7[%dma_wait3A_135, %dma_wait3A_140] : memref<79x128xi32, #tpu.memory_space<vmem>> -> memref<1x128xi32, #tpu.memory_space<vmem>>
        %dma_wait3A_142 = tpu.memref_squeeze %dma_wait3A_141 : memref<1x128xi32, #tpu.memory_space<vmem>> -> memref<128xi32, #tpu.memory_space<vmem>>
        %dma_wait3A_143 = arith.constant 0 : i32
        %dma_wait3A_144 = arith.constant 0 : i32
        %dma_wait3A_145 = tpu.memref_slice %arg10[%dma_wait3A_143, %dma_wait3A_144] : memref<10240x16xf32, #tpu.memory_space<vmem_shared>> -> memref<10240x16xf32, #tpu.memory_space<vmem_shared>>
        %dma_wait3A_146 = tpu.memref_slice %arg12[%rem3A_129] : memref<8x!tpu.dma_semaphore, #tpu.memory_space<semaphore_mem>> -> memref<1x!tpu.dma_semaphore, #tpu.memory_space<semaphore_mem>>
        %dma_wait3A_147 = tpu.memref_squeeze %dma_wait3A_146 : memref<1x!tpu.dma_semaphore, #tpu.memory_space<semaphore_mem>> -> memref<!tpu.dma_semaphore, #tpu.memory_space<semaphore_mem>>
        tpu.wait_indirect_dma semaphore(%dma_wait3A_147 : memref<!tpu.dma_semaphore, #tpu.memory_space<semaphore_mem>>) src(%dma_wait3A_145 : memref<10240x16xf32, #tpu.memory_space<vmem_shared>>) dst(%dma_wait3A_139 : memref<128x16xf32, #tpu.memory_space<vmem>>)
        %dma_start3A_148 = arith.constant 0 : i32
        %dma_start3A_149 = arith.constant 0 : i32
        %dma_start3A_150 = tpu.memref_slice %arg9[%rem3A_129, %dma_start3A_148, %dma_start3A_149] : memref<8x128x16xf32, #tpu.memory_space<vmem>> -> memref<1x128x16xf32, #tpu.memory_space<vmem>>
        %dma_start3A_151 = tpu.memref_squeeze %dma_start3A_150 : memref<1x128x16xf32, #tpu.memory_space<vmem>> -> memref<128x16xf32, #tpu.memory_space<vmem>>
        %dma_start3A_152 = arith.constant 0 : i32
        %dma_start3A_153 = tpu.memref_slice %arg8[%sub3A_125, %dma_start3A_152] : memref<79x128xi32, #tpu.memory_space<vmem>> -> memref<1x128xi32, #tpu.memory_space<vmem>>
        %dma_start3A_154 = tpu.memref_squeeze %dma_start3A_153 : memref<1x128xi32, #tpu.memory_space<vmem>> -> memref<128xi32, #tpu.memory_space<vmem>>
        %dma_start3A_155 = arith.constant 0 : i32
        %dma_start3A_156 = arith.constant 0 : i32
        %dma_start3A_157 = tpu.memref_slice %arg11[%dma_start3A_155, %dma_start3A_156] : memref<10240x16xf32, #tpu.memory_space<vmem_shared>> -> memref<10240x16xf32, #tpu.memory_space<vmem_shared>>
        %dma_start3A_158 = tpu.memref_slice %arg13[%rem3A_129] : memref<8x!tpu.dma_semaphore, #tpu.memory_space<semaphore_mem>> -> memref<1x!tpu.dma_semaphore, #tpu.memory_space<semaphore_mem>>
        %dma_start3A_159 = tpu.memref_squeeze %dma_start3A_158 : memref<1x!tpu.dma_semaphore, #tpu.memory_space<semaphore_mem>> -> memref<!tpu.dma_semaphore, #tpu.memory_space<semaphore_mem>>
        tpu.enqueue_indirect_dma source(%dma_start3A_151 : memref<128x16xf32, #tpu.memory_space<vmem>>) target(%dma_start3A_157 : memref<10240x16xf32, #tpu.memory_space<vmem_shared>>) offsets(%dma_start3A_154 : memref<128xi32, #tpu.memory_space<vmem>>) semaphore(%dma_start3A_159 : memref<!tpu.dma_semaphore, #tpu.memory_space<semaphore_mem>>) {add = true}
      } else {
      }
    }
    %while3A_114 = arith.constant 1 : i32
    scf.for %while3A_121 = %while3A_112 to %while3A_108 step %while3A_114  : i32 {
      %rem3A_122 = arith.constant 8 : i32
      %rem3A_123 = arith.remsi %while3A_121, %rem3A_122 : i32
      %sub3A_124 = arith.constant 4 : i32
      %sub3A_125 = arith.subi %while3A_121, %sub3A_124 : i32
      %add3A_126 = arith.constant 8 : i32
      %add3A_127 = arith.addi %sub3A_125, %add3A_126 : i32
      %rem3A_128 = arith.constant 8 : i32
      %rem3A_129 = arith.remsi %add3A_127, %rem3A_128 : i32
      %lt3A = arith.cmpi slt, %while3A_121, %sub3A_47 : i32
      %convert_element_type3A = arith.extui %lt3A : i1 to i32
      %cond3A = arith.constant 0 : i32
      %cond3A_130 = arith.cmpi ne, %convert_element_type3A, %cond3A : i32
      scf.if %cond3A_130 {
        %ge3A_135 = arith.constant 8 : i32
        %ge3A_136 = arith.cmpi sge, %while3A_121, %ge3A_135 : i32
        %convert_element_type3A_137 = arith.extui %ge3A_136 : i1 to i32
        %cond3A_138 = arith.constant 0 : i32
        %cond3A_139 = arith.cmpi ne, %convert_element_type3A_137, %cond3A_138 : i32
        scf.if %cond3A_139 {
          %dma_wait3A_152 = arith.constant 0 : i32
          %dma_wait3A_153 = arith.constant 0 : i32
          %dma_wait3A_154 = arith.constant 0 : i32
          %dma_wait3A_155 = tpu.memref_slice %arg9[%rem3A_123, %dma_wait3A_153, %dma_wait3A_154] : memref<8x128x16xf32, #tpu.memory_space<vmem>> -> memref<1x128x16xf32, #tpu.memory_space<vmem>>
          %dma_wait3A_156 = tpu.memref_squeeze %dma_wait3A_155 : memref<1x128x16xf32, #tpu.memory_space<vmem>> -> memref<128x16xf32, #tpu.memory_space<vmem>>
          %dma_wait3A_157 = arith.constant 0 : i32
          %dma_wait3A_158 = tpu.memref_slice %arg7[%dma_wait3A_152, %dma_wait3A_157] : memref<79x128xi32, #tpu.memory_space<vmem>> -> memref<1x128xi32, #tpu.memory_space<vmem>>
          %dma_wait3A_159 = tpu.memref_squeeze %dma_wait3A_158 : memref<1x128xi32, #tpu.memory_space<vmem>> -> memref<128xi32, #tpu.memory_space<vmem>>
          %dma_wait3A_160 = arith.constant 0 : i32
          %dma_wait3A_161 = arith.constant 0 : i32
          %dma_wait3A_162 = tpu.memref_slice %arg11[%dma_wait3A_160, %dma_wait3A_161] : memref<10240x16xf32, #tpu.memory_space<vmem_shared>> -> memref<10240x16xf32, #tpu.memory_space<vmem_shared>>
          %dma_wait3A_163 = tpu.memref_slice %arg13[%rem3A_123] : memref<8x!tpu.dma_semaphore, #tpu.memory_space<semaphore_mem>> -> memref<1x!tpu.dma_semaphore, #tpu.memory_space<semaphore_mem>>
          %dma_wait3A_164 = tpu.memref_squeeze %dma_wait3A_163 : memref<1x!tpu.dma_semaphore, #tpu.memory_space<semaphore_mem>> -> memref<!tpu.dma_semaphore, #tpu.memory_space<semaphore_mem>>
          tpu.wait_indirect_dma semaphore(%dma_wait3A_164 : memref<!tpu.dma_semaphore, #tpu.memory_space<semaphore_mem>>) src(%dma_wait3A_156 : memref<128x16xf32, #tpu.memory_space<vmem>>) dst(%dma_wait3A_162 : memref<10240x16xf32, #tpu.memory_space<vmem_shared>>)
        } else {
        }
        %dma_start3A_140 = arith.constant 0 : i32
        %dma_start3A_141 = arith.constant 0 : i32
        %dma_start3A_142 = tpu.memref_slice %arg9[%rem3A_123, %dma_start3A_140, %dma_start3A_141] : memref<8x128x16xf32, #tpu.memory_space<vmem>> -> memref<1x128x16xf32, #tpu.memory_space<vmem>>
        %dma_start3A_143 = tpu.memref_squeeze %dma_start3A_142 : memref<1x128x16xf32, #tpu.memory_space<vmem>> -> memref<128x16xf32, #tpu.memory_space<vmem>>
        %dma_start3A_144 = arith.constant 0 : i32
        %dma_start3A_145 = tpu.memref_slice %arg7[%while3A_121, %dma_start3A_144] : memref<79x128xi32, #tpu.memory_space<vmem>> -> memref<1x128xi32, #tpu.memory_space<vmem>>
        %dma_start3A_146 = tpu.memref_squeeze %dma_start3A_145 : memref<1x128xi32, #tpu.memory_space<vmem>> -> memref<128xi32, #tpu.memory_space<vmem>>
        %dma_start3A_147 = arith.constant 0 : i32
        %dma_start3A_148 = arith.constant 0 : i32
        %dma_start3A_149 = tpu.memref_slice %arg10[%dma_start3A_147, %dma_start3A_148] : memref<10240x16xf32, #tpu.memory_space<vmem_shared>> -> memref<10240x16xf32, #tpu.memory_space<vmem_shared>>
        %dma_start3A_150 = tpu.memref_slice %arg12[%rem3A_123] : memref<8x!tpu.dma_semaphore, #tpu.memory_space<semaphore_mem>> -> memref<1x!tpu.dma_semaphore, #tpu.memory_space<semaphore_mem>>
        %dma_start3A_151 = tpu.memref_squeeze %dma_start3A_150 : memref<1x!tpu.dma_semaphore, #tpu.memory_space<semaphore_mem>> -> memref<!tpu.dma_semaphore, #tpu.memory_space<semaphore_mem>>
        tpu.enqueue_indirect_dma source(%dma_start3A_149 : memref<10240x16xf32, #tpu.memory_space<vmem_shared>>) target(%dma_start3A_143 : memref<128x16xf32, #tpu.memory_space<vmem>>) offsets(%dma_start3A_146 : memref<128xi32, #tpu.memory_space<vmem>>) semaphore(%dma_start3A_151 : memref<!tpu.dma_semaphore, #tpu.memory_space<semaphore_mem>>)
      } else {
      }
      %ge3A = arith.constant 4 : i32
      %ge3A_131 = arith.cmpi sge, %while3A_121, %ge3A : i32
      %convert_element_type3A_132 = arith.extui %ge3A_131 : i1 to i32
      %cond3A_133 = arith.constant 0 : i32
      %cond3A_134 = arith.cmpi ne, %convert_element_type3A_132, %cond3A_133 : i32
      scf.if %cond3A_134 {
        %dma_wait3A_135 = arith.constant 0 : i32
        %dma_wait3A_136 = arith.constant 0 : i32
        %dma_wait3A_137 = arith.constant 0 : i32
        %dma_wait3A_138 = tpu.memref_slice %arg9[%rem3A_129, %dma_wait3A_136, %dma_wait3A_137] : memref<8x128x16xf32, #tpu.memory_space<vmem>> -> memref<1x128x16xf32, #tpu.memory_space<vmem>>
        %dma_wait3A_139 = tpu.memref_squeeze %dma_wait3A_138 : memref<1x128x16xf32, #tpu.memory_space<vmem>> -> memref<128x16xf32, #tpu.memory_space<vmem>>
        %dma_wait3A_140 = arith.constant 0 : i32
        %dma_wait3A_141 = tpu.memref_slice %arg7[%dma_wait3A_135, %dma_wait3A_140] : memref<79x128xi32, #tpu.memory_space<vmem>> -> memref<1x128xi32, #tpu.memory_space<vmem>>
        %dma_wait3A_142 = tpu.memref_squeeze %dma_wait3A_141 : memref<1x128xi32, #tpu.memory_space<vmem>> -> memref<128xi32, #tpu.memory_space<vmem>>
        %dma_wait3A_143 = arith.constant 0 : i32
        %dma_wait3A_144 = arith.constant 0 : i32
        %dma_wait3A_145 = tpu.memref_slice %arg10[%dma_wait3A_143, %dma_wait3A_144] : memref<10240x16xf32, #tpu.memory_space<vmem_shared>> -> memref<10240x16xf32, #tpu.memory_space<vmem_shared>>
        %dma_wait3A_146 = tpu.memref_slice %arg12[%rem3A_129] : memref<8x!tpu.dma_semaphore, #tpu.memory_space<semaphore_mem>> -> memref<1x!tpu.dma_semaphore, #tpu.memory_space<semaphore_mem>>
        %dma_wait3A_147 = tpu.memref_squeeze %dma_wait3A_146 : memref<1x!tpu.dma_semaphore, #tpu.memory_space<semaphore_mem>> -> memref<!tpu.dma_semaphore, #tpu.memory_space<semaphore_mem>>
        tpu.wait_indirect_dma semaphore(%dma_wait3A_147 : memref<!tpu.dma_semaphore, #tpu.memory_space<semaphore_mem>>) src(%dma_wait3A_145 : memref<10240x16xf32, #tpu.memory_space<vmem_shared>>) dst(%dma_wait3A_139 : memref<128x16xf32, #tpu.memory_space<vmem>>)
        %dma_start3A_148 = arith.constant 0 : i32
        %dma_start3A_149 = arith.constant 0 : i32
        %dma_start3A_150 = tpu.memref_slice %arg9[%rem3A_129, %dma_start3A_148, %dma_start3A_149] : memref<8x128x16xf32, #tpu.memory_space<vmem>> -> memref<1x128x16xf32, #tpu.memory_space<vmem>>
        %dma_start3A_151 = tpu.memref_squeeze %dma_start3A_150 : memref<1x128x16xf32, #tpu.memory_space<vmem>> -> memref<128x16xf32, #tpu.memory_space<vmem>>
        %dma_start3A_152 = arith.constant 0 : i32
        %dma_start3A_153 = tpu.memref_slice %arg8[%sub3A_125, %dma_start3A_152] : memref<79x128xi32, #tpu.memory_space<vmem>> -> memref<1x128xi32, #tpu.memory_space<vmem>>
        %dma_start3A_154 = tpu.memref_squeeze %dma_start3A_153 : memref<1x128xi32, #tpu.memory_space<vmem>> -> memref<128xi32, #tpu.memory_space<vmem>>
        %dma_start3A_155 = arith.constant 0 : i32
        %dma_start3A_156 = arith.constant 0 : i32
        %dma_start3A_157 = tpu.memref_slice %arg11[%dma_start3A_155, %dma_start3A_156] : memref<10240x16xf32, #tpu.memory_space<vmem_shared>> -> memref<10240x16xf32, #tpu.memory_space<vmem_shared>>
        %dma_start3A_158 = tpu.memref_slice %arg13[%rem3A_129] : memref<8x!tpu.dma_semaphore, #tpu.memory_space<semaphore_mem>> -> memref<1x!tpu.dma_semaphore, #tpu.memory_space<semaphore_mem>>
        %dma_start3A_159 = tpu.memref_squeeze %dma_start3A_158 : memref<1x!tpu.dma_semaphore, #tpu.memory_space<semaphore_mem>> -> memref<!tpu.dma_semaphore, #tpu.memory_space<semaphore_mem>>
        tpu.enqueue_indirect_dma source(%dma_start3A_151 : memref<128x16xf32, #tpu.memory_space<vmem>>) target(%dma_start3A_157 : memref<10240x16xf32, #tpu.memory_space<vmem_shared>>) offsets(%dma_start3A_154 : memref<128xi32, #tpu.memory_space<vmem>>) semaphore(%dma_start3A_159 : memref<!tpu.dma_semaphore, #tpu.memory_space<semaphore_mem>>) {add = true}
      } else {
      }
    }
    %scan3A = arith.constant 0 : i32
    %scan3A_115 = arith.constant 0 : i32
    %scan3A_116 = arith.constant 8 : i32
    %scan3A_117 = arith.addi %scan3A_115, %scan3A_116 : i32
    %scan3A_118 = arith.constant 1 : i32
    scf.for %scan3A_121 = %scan3A_115 to %scan3A_117 step %scan3A_118  : i32 {
      %lt3A = arith.cmpi slt, %scan3A_121, %sub3A_47 : i32
      %convert_element_type3A = arith.extui %lt3A : i1 to i32
      %cond3A = arith.constant 0 : i32
      %cond3A_122 = arith.cmpi ne, %convert_element_type3A, %cond3A : i32
      scf.if %cond3A_122 {
        %dma_wait3A_123 = arith.constant 0 : i32
        %dma_wait3A_124 = arith.constant 0 : i32
        %dma_wait3A_125 = arith.constant 0 : i32
        %dma_wait3A_126 = tpu.memref_slice %arg9[%scan3A_121, %dma_wait3A_124, %dma_wait3A_125] : memref<8x128x16xf32, #tpu.memory_space<vmem>> -> memref<1x128x16xf32, #tpu.memory_space<vmem>>
        %dma_wait3A_127 = tpu.memref_squeeze %dma_wait3A_126 : memref<1x128x16xf32, #tpu.memory_space<vmem>> -> memref<128x16xf32, #tpu.memory_space<vmem>>
        %dma_wait3A_128 = arith.constant 0 : i32
        %dma_wait3A_129 = tpu.memref_slice %arg7[%dma_wait3A_123, %dma_wait3A_128] : memref<79x128xi32, #tpu.memory_space<vmem>> -> memref<1x128xi32, #tpu.memory_space<vmem>>
        %dma_wait3A_130 = tpu.memref_squeeze %dma_wait3A_129 : memref<1x128xi32, #tpu.memory_space<vmem>> -> memref<128xi32, #tpu.memory_space<vmem>>
        %dma_wait3A_131 = arith.constant 0 : i32
        %dma_wait3A_132 = arith.constant 0 : i32
        %dma_wait3A_133 = tpu.memref_slice %arg11[%dma_wait3A_131, %dma_wait3A_132] : memref<10240x16xf32, #tpu.memory_space<vmem_shared>> -> memref<10240x16xf32, #tpu.memory_space<vmem_shared>>
        %dma_wait3A_134 = tpu.memref_slice %arg13[%scan3A_121] : memref<8x!tpu.dma_semaphore, #tpu.memory_space<semaphore_mem>> -> memref<1x!tpu.dma_semaphore, #tpu.memory_space<semaphore_mem>>
        %dma_wait3A_135 = tpu.memref_squeeze %dma_wait3A_134 : memref<1x!tpu.dma_semaphore, #tpu.memory_space<semaphore_mem>> -> memref<!tpu.dma_semaphore, #tpu.memory_space<semaphore_mem>>
        tpu.wait_indirect_dma semaphore(%dma_wait3A_135 : memref<!tpu.dma_semaphore, #tpu.memory_space<semaphore_mem>>) src(%dma_wait3A_127 : memref<128x16xf32, #tpu.memory_space<vmem>>) dst(%dma_wait3A_133 : memref<10240x16xf32, #tpu.memory_space<vmem_shared>>)
      } else {
      }
    }
    %scan3A_119 = arith.constant 8 : i32
    %barrier3A_120 = arith.constant 0 : index
    tpu.barrier barrier_id(%barrier3A_120)
    "tpu.region"() ({
      %run_scoped3A = tpu.sem_alloc : memref<!tpu.dma_semaphore, #tpu.memory_space<semaphore_mem>>
      %dma_start3A_121 = arith.constant 0 : i32
      %dma_start3A_122 = tpu.memref_slice %arg6[%arg0, %mul3A_49, %dma_start3A_121] : memref<2x10240x16xf32, #tpu.memory_space<hbm>> -> memref<1x640x16xf32, #tpu.memory_space<hbm>>
      %dma_start3A_123 = tpu.memref_squeeze %dma_start3A_122 : memref<1x640x16xf32, #tpu.memory_space<hbm>> -> memref<640x16xf32, #tpu.memory_space<hbm>>
      %dma_start3A_124 = arith.constant 0 : i32
      %dma_start3A_125 = tpu.memref_slice %arg11[%mul3A_49, %dma_start3A_124] : memref<10240x16xf32, #tpu.memory_space<vmem_shared>> -> memref<640x16xf32, #tpu.memory_space<vmem_shared>>
      tpu.enqueue_dma source(%dma_start3A_125 : memref<640x16xf32, #tpu.memory_space<vmem_shared>>) target(%dma_start3A_123 : memref<640x16xf32, #tpu.memory_space<hbm>>) target_semaphore(%run_scoped3A : memref<!tpu.dma_semaphore, #tpu.memory_space<semaphore_mem>>)
      %dma_wait3A_126 = arith.constant 0 : i32
      %dma_wait3A_127 = tpu.memref_slice %arg6[%arg0, %mul3A_49, %dma_wait3A_126] : memref<2x10240x16xf32, #tpu.memory_space<hbm>> -> memref<1x640x16xf32, #tpu.memory_space<hbm>>
      %dma_wait3A_128 = tpu.memref_squeeze %dma_wait3A_127 : memref<1x640x16xf32, #tpu.memory_space<hbm>> -> memref<640x16xf32, #tpu.memory_space<hbm>>
      %dma_wait3A_129 = arith.constant 0 : i32
      %dma_wait3A_130 = tpu.memref_slice %arg11[%mul3A_49, %dma_wait3A_129] : memref<10240x16xf32, #tpu.memory_space<vmem_shared>> -> memref<640x16xf32, #tpu.memory_space<vmem_shared>>
      tpu.wait_dma2 semaphore(%run_scoped3A : memref<!tpu.dma_semaphore, #tpu.memory_space<semaphore_mem>>) src(%dma_wait3A_130 : memref<640x16xf32, #tpu.memory_space<vmem_shared>>) dst(%dma_wait3A_128 : memref<640x16xf32, #tpu.memory_space<hbm>>)
      tpu.yield
    }) : () -> ()
    return
  }
}

module attributes {stable_mosaic.version = 14 : i64} {
  func.func @_prep1_body(%arg0: memref<10000x128xf32, #tpu.memory_space<vmem>>, %arg1: memref<128x16xf32, #tpu.memory_space<vmem>>, %arg2: memref<2x2x1280x128xf32, #tpu.memory_space<vmem>>, %arg3: memref<1280x128xf32, #tpu.memory_space<vmem>>, %arg4: memref<1280x128xf32, #tpu.memory_space<vmem>>, %arg5: memref<1280x128xf32, #tpu.memory_space<vmem>>) attributes {dimension_semantics = [], scalar_prefetch = 0 : i64, scratch_operands = 0 : i64, tpu.core_type = #tpu.core_type<tc>} {
    %get3A = arith.constant 0 : index
    %get3A_0 = arith.constant 0 : index
    %get3A_1 = arith.constant 0 : index
    %get3A_2 = arith.constant 0 : index
    %get3A_3 = vector.load %arg2[%get3A, %get3A_0, %get3A_1, %get3A_2] : memref<2x2x1280x128xf32, #tpu.memory_space<vmem>>, vector<1x1x1280x128xf32>
    %get3A_4 = vector.shape_cast %get3A_3 : vector<1x1x1280x128xf32> to vector<1280x128xf32>
    %get3A_5 = arith.constant 1 : index
    %get3A_6 = arith.constant 0 : index
    %get3A_7 = arith.constant 0 : index
    %get3A_8 = arith.constant 0 : index
    %get3A_9 = vector.load %arg2[%get3A_5, %get3A_6, %get3A_7, %get3A_8] : memref<2x2x1280x128xf32, #tpu.memory_space<vmem>>, vector<1x1x1280x128xf32>
    %get3A_10 = vector.shape_cast %get3A_9 : vector<1x1x1280x128xf32> to vector<1280x128xf32>
    %add3A = arith.addf %get3A_4, %get3A_10 : vector<1280x128xf32>
    %get3A_11 = arith.constant 0 : index
    %get3A_12 = arith.constant 1 : index
    %get3A_13 = arith.constant 0 : index
    %get3A_14 = arith.constant 0 : index
    %get3A_15 = vector.load %arg2[%get3A_11, %get3A_12, %get3A_13, %get3A_14] : memref<2x2x1280x128xf32, #tpu.memory_space<vmem>>, vector<1x1x1280x128xf32>
    %get3A_16 = vector.shape_cast %get3A_15 : vector<1x1x1280x128xf32> to vector<1280x128xf32>
    %get3A_17 = arith.constant 1 : index
    %get3A_18 = arith.constant 1 : index
    %get3A_19 = arith.constant 0 : index
    %get3A_20 = arith.constant 0 : index
    %get3A_21 = vector.load %arg2[%get3A_17, %get3A_18, %get3A_19, %get3A_20] : memref<2x2x1280x128xf32, #tpu.memory_space<vmem>>, vector<1x1x1280x128xf32>
    %get3A_22 = vector.shape_cast %get3A_21 : vector<1x1x1280x128xf32> to vector<1280x128xf32>
    %add3A_23 = arith.addf %get3A_16, %get3A_22 : vector<1280x128xf32>
    %max3A = arith.constant 1.000000e+00 : f32
    %max3A_24 = vector.broadcast %max3A : f32 to vector<1280x128xf32>
    %max3A_25 = arith.maximumf %add3A, %max3A_24 : vector<1280x128xf32>
    %rsqrt3A = math.rsqrt %max3A_25 : vector<1280x128xf32>
    %max3A_26 = arith.constant 1.000000e+00 : f32
    %max3A_27 = vector.broadcast %max3A_26 : f32 to vector<1280x128xf32>
    %max3A_28 = arith.maximumf %add3A_23, %max3A_27 : vector<1280x128xf32>
    %rsqrt3A_29 = math.rsqrt %max3A_28 : vector<1280x128xf32>
    %swap3A = arith.constant 0 : index
    %swap3A_30 = arith.constant 0 : index
    %swap3A_31 = vector.load %arg5[%swap3A, %swap3A_30] : memref<1280x128xf32, #tpu.memory_space<vmem>>, vector<1280x128xf32>
    tpu.vector_store %arg5[%swap3A, %swap3A_30], %rsqrt3A {strides = array<i32>} : memref<1280x128xf32, #tpu.memory_space<vmem>>, vector<1280x128xf32>,
    %swap3A_32 = arith.constant 0 : index
    %swap3A_33 = arith.constant 0 : index
    %swap3A_34 = vector.load %arg4[%swap3A_32, %swap3A_33] : memref<1280x128xf32, #tpu.memory_space<vmem>>, vector<1280x128xf32>
    tpu.vector_store %arg4[%swap3A_32, %swap3A_33], %rsqrt3A_29 {strides = array<i32>} : memref<1280x128xf32, #tpu.memory_space<vmem>>, vector<1280x128xf32>,
    %get3A_35 = arith.constant 0 : index
    %get3A_36 = arith.constant 0 : index
    %get3A_37 = vector.load %arg0[%get3A_35, %get3A_36] : memref<10000x128xf32, #tpu.memory_space<vmem>>, vector<10000x128xf32>
    %reshape3A = vector.shape_cast %get3A_37 : vector<10000x128xf32> to vector<1250x8x128xf32>
    %get3A_38 = arith.constant 0 : index
    %get3A_39 = arith.constant 0 : index
    %get3A_40 = vector.load %arg1[%get3A_38, %get3A_39] : memref<128x16xf32, #tpu.memory_space<vmem>>, vector<128x16xf32>
    %slice3A = vector.extract_strided_slice %reshape3A {offsets = [0, 0, 0], sizes = [1250, 1, 128], strides = [1, 1, 1]} : vector<1250x8x128xf32> to vector<1250x1x128xf32>
    %squeeze3A = vector.shape_cast %slice3A : vector<1250x1x128xf32> to vector<1250x128xf32>
    %dot_general3A = arith.constant dense<0.000000e+00> : vector<1250x16xf32>
    %dot_general3A_41 = tpu.matmul %squeeze3A, %get3A_40, %dot_general3A {dimension_numbers = #tpu.dot_dimension_numbers<[1], [0], [0], [1], [0, 0, 1, 1], [], []>, transpose_lhs_hint = false} : vector<1250x128xf32>, vector<128x16xf32>, vector<1250x16xf32> -> vector<1250x16xf32>
    %slice3A_42 = vector.extract_strided_slice %rsqrt3A {offsets = [0, 0], sizes = [1250, 16], strides = [1, 1]} : vector<1280x128xf32> to vector<1250x16xf32>
    %mul3A = arith.mulf %dot_general3A_41, %slice3A_42 : vector<1250x16xf32>
    %swap3A_43 = arith.constant 0 : index
    %swap3A_44 = arith.constant 0 : index
    %swap3A_45 = vector.load %arg3[%swap3A_43, %swap3A_44] : memref<1280x128xf32, #tpu.memory_space<vmem>>, vector<1250x16xf32>
    tpu.vector_store %arg3[%swap3A_43, %swap3A_44], %mul3A {strides = array<i32>} : memref<1280x128xf32, #tpu.memory_space<vmem>>, vector<1250x16xf32>,
    %slice3A_46 = vector.extract_strided_slice %reshape3A {offsets = [0, 1, 0], sizes = [1250, 1, 128], strides = [1, 1, 1]} : vector<1250x8x128xf32> to vector<1250x1x128xf32>
    %squeeze3A_47 = vector.shape_cast %slice3A_46 : vector<1250x1x128xf32> to vector<1250x128xf32>
    %dot_general3A_48 = arith.constant dense<0.000000e+00> : vector<1250x16xf32>
    %dot_general3A_49 = tpu.matmul %squeeze3A_47, %get3A_40, %dot_general3A_48 {dimension_numbers = #tpu.dot_dimension_numbers<[1], [0], [0], [1], [0, 0, 1, 1], [], []>, transpose_lhs_hint = false} : vector<1250x128xf32>, vector<128x16xf32>, vector<1250x16xf32> -> vector<1250x16xf32>
    %slice3A_50 = vector.extract_strided_slice %rsqrt3A {offsets = [0, 16], sizes = [1250, 16], strides = [1, 1]} : vector<1280x128xf32> to vector<1250x16xf32>
    %mul3A_51 = arith.mulf %dot_general3A_49, %slice3A_50 : vector<1250x16xf32>
    %swap3A_52 = arith.constant 0 : index
    %swap3A_53 = arith.constant 16 : index
    %swap3A_54 = vector.load %arg3[%swap3A_52, %swap3A_53] : memref<1280x128xf32, #tpu.memory_space<vmem>>, vector<1250x16xf32>
    tpu.vector_store %arg3[%swap3A_52, %swap3A_53], %mul3A_51 {strides = array<i32>} : memref<1280x128xf32, #tpu.memory_space<vmem>>, vector<1250x16xf32>,
    %slice3A_55 = vector.extract_strided_slice %reshape3A {offsets = [0, 2, 0], sizes = [1250, 1, 128], strides = [1, 1, 1]} : vector<1250x8x128xf32> to vector<1250x1x128xf32>
    %squeeze3A_56 = vector.shape_cast %slice3A_55 : vector<1250x1x128xf32> to vector<1250x128xf32>
    %dot_general3A_57 = arith.constant dense<0.000000e+00> : vector<1250x16xf32>
    %dot_general3A_58 = tpu.matmul %squeeze3A_56, %get3A_40, %dot_general3A_57 {dimension_numbers = #tpu.dot_dimension_numbers<[1], [0], [0], [1], [0, 0, 1, 1], [], []>, transpose_lhs_hint = false} : vector<1250x128xf32>, vector<128x16xf32>, vector<1250x16xf32> -> vector<1250x16xf32>
    %slice3A_59 = vector.extract_strided_slice %rsqrt3A {offsets = [0, 32], sizes = [1250, 16], strides = [1, 1]} : vector<1280x128xf32> to vector<1250x16xf32>
    %mul3A_60 = arith.mulf %dot_general3A_58, %slice3A_59 : vector<1250x16xf32>
    %swap3A_61 = arith.constant 0 : index
    %swap3A_62 = arith.constant 32 : index
    %swap3A_63 = vector.load %arg3[%swap3A_61, %swap3A_62] : memref<1280x128xf32, #tpu.memory_space<vmem>>, vector<1250x16xf32>
    tpu.vector_store %arg3[%swap3A_61, %swap3A_62], %mul3A_60 {strides = array<i32>} : memref<1280x128xf32, #tpu.memory_space<vmem>>, vector<1250x16xf32>,
    %slice3A_64 = vector.extract_strided_slice %reshape3A {offsets = [0, 3, 0], sizes = [1250, 1, 128], strides = [1, 1, 1]} : vector<1250x8x128xf32> to vector<1250x1x128xf32>
    %squeeze3A_65 = vector.shape_cast %slice3A_64 : vector<1250x1x128xf32> to vector<1250x128xf32>
    %dot_general3A_66 = arith.constant dense<0.000000e+00> : vector<1250x16xf32>
    %dot_general3A_67 = tpu.matmul %squeeze3A_65, %get3A_40, %dot_general3A_66 {dimension_numbers = #tpu.dot_dimension_numbers<[1], [0], [0], [1], [0, 0, 1, 1], [], []>, transpose_lhs_hint = false} : vector<1250x128xf32>, vector<128x16xf32>, vector<1250x16xf32> -> vector<1250x16xf32>
    %slice3A_68 = vector.extract_strided_slice %rsqrt3A {offsets = [0, 48], sizes = [1250, 16], strides = [1, 1]} : vector<1280x128xf32> to vector<1250x16xf32>
    %mul3A_69 = arith.mulf %dot_general3A_67, %slice3A_68 : vector<1250x16xf32>
    %swap3A_70 = arith.constant 0 : index
    %swap3A_71 = arith.constant 48 : index
    %swap3A_72 = vector.load %arg3[%swap3A_70, %swap3A_71] : memref<1280x128xf32, #tpu.memory_space<vmem>>, vector<1250x16xf32>
    tpu.vector_store %arg3[%swap3A_70, %swap3A_71], %mul3A_69 {strides = array<i32>} : memref<1280x128xf32, #tpu.memory_space<vmem>>, vector<1250x16xf32>,
    %slice3A_73 = vector.extract_strided_slice %reshape3A {offsets = [0, 4, 0], sizes = [1250, 1, 128], strides = [1, 1, 1]} : vector<1250x8x128xf32> to vector<1250x1x128xf32>
    %squeeze3A_74 = vector.shape_cast %slice3A_73 : vector<1250x1x128xf32> to vector<1250x128xf32>
    %dot_general3A_75 = arith.constant dense<0.000000e+00> : vector<1250x16xf32>
    %dot_general3A_76 = tpu.matmul %squeeze3A_74, %get3A_40, %dot_general3A_75 {dimension_numbers = #tpu.dot_dimension_numbers<[1], [0], [0], [1], [0, 0, 1, 1], [], []>, transpose_lhs_hint = false} : vector<1250x128xf32>, vector<128x16xf32>, vector<1250x16xf32> -> vector<1250x16xf32>
    %slice3A_77 = vector.extract_strided_slice %rsqrt3A {offsets = [0, 64], sizes = [1250, 16], strides = [1, 1]} : vector<1280x128xf32> to vector<1250x16xf32>
    %mul3A_78 = arith.mulf %dot_general3A_76, %slice3A_77 : vector<1250x16xf32>
    %swap3A_79 = arith.constant 0 : index
    %swap3A_80 = arith.constant 64 : index
    %swap3A_81 = vector.load %arg3[%swap3A_79, %swap3A_80] : memref<1280x128xf32, #tpu.memory_space<vmem>>, vector<1250x16xf32>
    tpu.vector_store %arg3[%swap3A_79, %swap3A_80], %mul3A_78 {strides = array<i32>} : memref<1280x128xf32, #tpu.memory_space<vmem>>, vector<1250x16xf32>,
    %slice3A_82 = vector.extract_strided_slice %reshape3A {offsets = [0, 5, 0], sizes = [1250, 1, 128], strides = [1, 1, 1]} : vector<1250x8x128xf32> to vector<1250x1x128xf32>
    %squeeze3A_83 = vector.shape_cast %slice3A_82 : vector<1250x1x128xf32> to vector<1250x128xf32>
    %dot_general3A_84 = arith.constant dense<0.000000e+00> : vector<1250x16xf32>
    %dot_general3A_85 = tpu.matmul %squeeze3A_83, %get3A_40, %dot_general3A_84 {dimension_numbers = #tpu.dot_dimension_numbers<[1], [0], [0], [1], [0, 0, 1, 1], [], []>, transpose_lhs_hint = false} : vector<1250x128xf32>, vector<128x16xf32>, vector<1250x16xf32> -> vector<1250x16xf32>
    %slice3A_86 = vector.extract_strided_slice %rsqrt3A {offsets = [0, 80], sizes = [1250, 16], strides = [1, 1]} : vector<1280x128xf32> to vector<1250x16xf32>
    %mul3A_87 = arith.mulf %dot_general3A_85, %slice3A_86 : vector<1250x16xf32>
    %swap3A_88 = arith.constant 0 : index
    %swap3A_89 = arith.constant 80 : index
    %swap3A_90 = vector.load %arg3[%swap3A_88, %swap3A_89] : memref<1280x128xf32, #tpu.memory_space<vmem>>, vector<1250x16xf32>
    tpu.vector_store %arg3[%swap3A_88, %swap3A_89], %mul3A_87 {strides = array<i32>} : memref<1280x128xf32, #tpu.memory_space<vmem>>, vector<1250x16xf32>,
    %slice3A_91 = vector.extract_strided_slice %reshape3A {offsets = [0, 6, 0], sizes = [1250, 1, 128], strides = [1, 1, 1]} : vector<1250x8x128xf32> to vector<1250x1x128xf32>
    %squeeze3A_92 = vector.shape_cast %slice3A_91 : vector<1250x1x128xf32> to vector<1250x128xf32>
    %dot_general3A_93 = arith.constant dense<0.000000e+00> : vector<1250x16xf32>
    %dot_general3A_94 = tpu.matmul %squeeze3A_92, %get3A_40, %dot_general3A_93 {dimension_numbers = #tpu.dot_dimension_numbers<[1], [0], [0], [1], [0, 0, 1, 1], [], []>, transpose_lhs_hint = false} : vector<1250x128xf32>, vector<128x16xf32>, vector<1250x16xf32> -> vector<1250x16xf32>
    %slice3A_95 = vector.extract_strided_slice %rsqrt3A {offsets = [0, 96], sizes = [1250, 16], strides = [1, 1]} : vector<1280x128xf32> to vector<1250x16xf32>
    %mul3A_96 = arith.mulf %dot_general3A_94, %slice3A_95 : vector<1250x16xf32>
    %swap3A_97 = arith.constant 0 : index
    %swap3A_98 = arith.constant 96 : index
    %swap3A_99 = vector.load %arg3[%swap3A_97, %swap3A_98] : memref<1280x128xf32, #tpu.memory_space<vmem>>, vector<1250x16xf32>
    tpu.vector_store %arg3[%swap3A_97, %swap3A_98], %mul3A_96 {strides = array<i32>} : memref<1280x128xf32, #tpu.memory_space<vmem>>, vector<1250x16xf32>,
    %slice3A_100 = vector.extract_strided_slice %reshape3A {offsets = [0, 7, 0], sizes = [1250, 1, 128], strides = [1, 1, 1]} : vector<1250x8x128xf32> to vector<1250x1x128xf32>
    %squeeze3A_101 = vector.shape_cast %slice3A_100 : vector<1250x1x128xf32> to vector<1250x128xf32>
    %dot_general3A_102 = arith.constant dense<0.000000e+00> : vector<1250x16xf32>
    %dot_general3A_103 = tpu.matmul %squeeze3A_101, %get3A_40, %dot_general3A_102 {dimension_numbers = #tpu.dot_dimension_numbers<[1], [0], [0], [1], [0, 0, 1, 1], [], []>, transpose_lhs_hint = false} : vector<1250x128xf32>, vector<128x16xf32>, vector<1250x16xf32> -> vector<1250x16xf32>
    %slice3A_104 = vector.extract_strided_slice %rsqrt3A {offsets = [0, 112], sizes = [1250, 16], strides = [1, 1]} : vector<1280x128xf32> to vector<1250x16xf32>
    %mul3A_105 = arith.mulf %dot_general3A_103, %slice3A_104 : vector<1250x16xf32>
    %swap3A_106 = arith.constant 0 : index
    %swap3A_107 = arith.constant 112 : index
    %swap3A_108 = vector.load %arg3[%swap3A_106, %swap3A_107] : memref<1280x128xf32, #tpu.memory_space<vmem>>, vector<1250x16xf32>
    tpu.vector_store %arg3[%swap3A_106, %swap3A_107], %mul3A_105 {strides = array<i32>} : memref<1280x128xf32, #tpu.memory_space<vmem>>, vector<1250x16xf32>,
    return
  }
}

module attributes {stable_mosaic.version = 14 : i64} {
  func.func @_final_body(%arg0: memref<2x1280x128xf32, #tpu.memory_space<vmem>>, %arg1: memref<1280x128xf32, #tpu.memory_space<vmem>>, %arg2: memref<1x128xf32, #tpu.memory_space<vmem>>, %arg3: memref<12x12xf32, #tpu.memory_space<vmem>>, %arg4: memref<1x12xf32, #tpu.memory_space<vmem>>, %arg5: memref<12x12xf32, #tpu.memory_space<vmem>>, %arg6: memref<1x12xf32, #tpu.memory_space<vmem>>, %arg7: memref<12x1xf32, #tpu.memory_space<vmem>>, %arg8: memref<1x1xf32, #tpu.memory_space<vmem>>, %arg9: memref<1x1xf32, #tpu.memory_space<vmem>>) attributes {dimension_semantics = [], scalar_prefetch = 0 : i64, scratch_operands = 0 : i64, tpu.core_type = #tpu.core_type<tc>} {
    %get3A = arith.constant 0 : index
    %get3A_0 = arith.constant 0 : index
    %get3A_1 = arith.constant 0 : index
    %get3A_2 = vector.load %arg0[%get3A, %get3A_0, %get3A_1] : memref<2x1280x128xf32, #tpu.memory_space<vmem>>, vector<1x1280x128xf32>
    %get3A_3 = vector.shape_cast %get3A_2 : vector<1x1280x128xf32> to vector<1280x128xf32>
    %get3A_4 = arith.constant 1 : index
    %get3A_5 = arith.constant 0 : index
    %get3A_6 = arith.constant 0 : index
    %get3A_7 = vector.load %arg0[%get3A_4, %get3A_5, %get3A_6] : memref<2x1280x128xf32, #tpu.memory_space<vmem>>, vector<1x1280x128xf32>
    %get3A_8 = vector.shape_cast %get3A_7 : vector<1x1280x128xf32> to vector<1280x128xf32>
    %add3A = arith.addf %get3A_3, %get3A_8 : vector<1280x128xf32>
    %get3A_9 = arith.constant 0 : index
    %get3A_10 = arith.constant 0 : index
    %get3A_11 = vector.load %arg1[%get3A_9, %get3A_10] : memref<1280x128xf32, #tpu.memory_space<vmem>>, vector<1280x128xf32>
    %mul3A = arith.mulf %add3A, %get3A_11 : vector<1280x128xf32>
    %get3A_12 = arith.constant 0 : index
    %get3A_13 = arith.constant 0 : index
    %get3A_14 = vector.load %arg2[%get3A_12, %get3A_13] : memref<1x128xf32, #tpu.memory_space<vmem>>, vector<1x128xf32>
    %add3A_15 = vector.broadcast %get3A_14 : vector<1x128xf32> to vector<1280x128xf32>
    %add3A_16 = arith.addf %mul3A, %add3A_15 : vector<1280x128xf32>
    %max3A = arith.constant 0.000000e+00 : f32
    %max3A_17 = vector.broadcast %max3A : f32 to vector<1280x128xf32>
    %max3A_18 = arith.maximumf %add3A_16, %max3A_17 : vector<1280x128xf32>
    %iota3A = tpu.iota {dimensions = array<i32: 0>} : vector<1280x128xi32>
    %lt3A = arith.constant 1250 : i32
    %lt3A_19 = vector.broadcast %lt3A : i32 to vector<1280x128xi32>
    %lt3A_20 = arith.cmpi slt, %iota3A, %lt3A_19 : vector<1280x128xi32>
    %jit3A = arith.constant 0.000000e+00 : f32
    %broadcast_in_dim3A = vector.broadcast %jit3A : f32 to vector<1280x128xf32>
    %select_n3A = arith.select %lt3A_20, %max3A_18, %broadcast_in_dim3A : vector<1280x128xi1>, vector<1280x128xf32>
    %reduce_sum3A = arith.constant dense<0.000000e+00> : vector<128xf32>
    %reduce_sum3A_21 = vector.multi_reduction <add>, %select_n3A, %reduce_sum3A [0] : vector<1280x128xf32> to vector<128xf32>
    %broadcast_in_dim3A_22 = vector.shape_cast %reduce_sum3A_21 : vector<128xf32> to vector<1x128xf32>
    %iota3A_23 = tpu.iota {dimensions = array<i32: 0>} : vector<128x16xi32>
    %jit3A_24 = arith.constant 16 : i32
    %eq3A = arith.constant 0 : i32
    %eq3A_25 = arith.cmpi eq, %jit3A_24, %eq3A : i32
    %jit3A_26 = arith.constant 1 : i32
    %select_n3A_27 = arith.select %eq3A_25, %jit3A_26, %jit3A_24 : i32
    %rem3A = vector.broadcast %select_n3A_27 : i32 to vector<128x16xi32>
    %rem3A_28 = arith.remsi %iota3A_23, %rem3A : vector<128x16xi32>
    %ne3A = arith.constant 0 : i32
    %ne3A_29 = vector.broadcast %ne3A : i32 to vector<128x16xi32>
    %ne3A_30 = arith.cmpi ne, %rem3A_28, %ne3A_29 : vector<128x16xi32>
    %lt3A_31 = arith.constant 0 : i32
    %lt3A_32 = vector.broadcast %lt3A_31 : i32 to vector<128x16xi32>
    %lt3A_33 = arith.cmpi slt, %rem3A_28, %lt3A_32 : vector<128x16xi32>
    %lt3A_34 = arith.constant 0 : i32
    %lt3A_35 = arith.cmpi slt, %select_n3A_27, %lt3A_34 : i32
    %ne3A_36 = vector.broadcast %lt3A_35 : i1 to vector<128x16xi1>
    %ne3A_37 = vector.broadcast %ne3A_36 : vector<128x16xi1> to vector<128x16xi1>
    %ne3A_38 = arith.xori %lt3A_33, %ne3A_37 : vector<128x16xi1>
    %and3A = arith.andi %ne3A_38, %ne3A_30 : vector<128x16xi1>
    %add3A_39 = vector.broadcast %select_n3A_27 : i32 to vector<128x16xi32>
    %add3A_40 = arith.addi %rem3A_28, %add3A_39 : vector<128x16xi32>
    %select_n3A_41 = arith.select %and3A, %add3A_40, %rem3A_28 : vector<128x16xi1>, vector<128x16xi32>
    %iota3A_42 = tpu.iota {dimensions = array<i32: 1>} : vector<128x16xi32>
    %eq3A_43 = arith.cmpi eq, %select_n3A_41, %iota3A_42 : vector<128x16xi32>
    %jit3A_44 = arith.constant 1.000000e+00 : f32
    %jit3A_45 = arith.constant 0.000000e+00 : f32
    %broadcast_in_dim3A_46 = vector.broadcast %jit3A_44 : f32 to vector<128x16xf32>
    %broadcast_in_dim3A_47 = vector.broadcast %jit3A_45 : f32 to vector<128x16xf32>
    %select_n3A_48 = arith.select %eq3A_43, %broadcast_in_dim3A_46, %broadcast_in_dim3A_47 : vector<128x16xi1>, vector<128x16xf32>
    %dot_general3A = arith.constant dense<0.000000e+00> : vector<1x16xf32>
    %dot_general3A_49 = tpu.matmul %broadcast_in_dim3A_22, %select_n3A_48, %dot_general3A {dimension_numbers = #tpu.dot_dimension_numbers<[1], [0], [0], [1], [0, 0, 1, 1], [], []>, transpose_lhs_hint = false} : vector<1x128xf32>, vector<128x16xf32>, vector<1x16xf32> -> vector<1x16xf32>
    %slice3A = vector.extract_strided_slice %dot_general3A_49 {offsets = [0, 0], sizes = [1, 12], strides = [1, 1]} : vector<1x16xf32> to vector<1x12xf32>
    %div3A = arith.constant 1.000000e+04 : f32
    %div3A_50 = vector.broadcast %div3A : f32 to vector<1x12xf32>
    %div3A_51 = arith.divf %slice3A, %div3A_50 : vector<1x12xf32>
    %get3A_52 = arith.constant 0 : index
    %get3A_53 = arith.constant 0 : index
    %get3A_54 = vector.load %arg3[%get3A_52, %get3A_53] : memref<12x12xf32, #tpu.memory_space<vmem>>, vector<12x12xf32>
    %dot_general3A_55 = arith.constant dense<0.000000e+00> : vector<1x12xf32>
    %dot_general3A_56 = tpu.matmul %div3A_51, %get3A_54, %dot_general3A_55 {dimension_numbers = #tpu.dot_dimension_numbers<[1], [0], [0], [1], [0, 0, 1, 1], [], []>, transpose_lhs_hint = false} : vector<1x12xf32>, vector<12x12xf32>, vector<1x12xf32> -> vector<1x12xf32>
    %get3A_57 = arith.constant 0 : index
    %get3A_58 = arith.constant 0 : index
    %get3A_59 = vector.load %arg4[%get3A_57, %get3A_58] : memref<1x12xf32, #tpu.memory_space<vmem>>, vector<1x12xf32>
    %add3A_60 = arith.addf %dot_general3A_56, %get3A_59 : vector<1x12xf32>
    %max3A_61 = arith.constant 0.000000e+00 : f32
    %max3A_62 = vector.broadcast %max3A_61 : f32 to vector<1x12xf32>
    %max3A_63 = arith.maximumf %add3A_60, %max3A_62 : vector<1x12xf32>
    %get3A_64 = arith.constant 0 : index
    %get3A_65 = arith.constant 0 : index
    %get3A_66 = vector.load %arg5[%get3A_64, %get3A_65] : memref<12x12xf32, #tpu.memory_space<vmem>>, vector<12x12xf32>
    %dot_general3A_67 = arith.constant dense<0.000000e+00> : vector<1x12xf32>
    %dot_general3A_68 = tpu.matmul %max3A_63, %get3A_66, %dot_general3A_67 {dimension_numbers = #tpu.dot_dimension_numbers<[1], [0], [0], [1], [0, 0, 1, 1], [], []>, transpose_lhs_hint = false} : vector<1x12xf32>, vector<12x12xf32>, vector<1x12xf32> -> vector<1x12xf32>
    %get3A_69 = arith.constant 0 : index
    %get3A_70 = arith.constant 0 : index
    %get3A_71 = vector.load %arg6[%get3A_69, %get3A_70] : memref<1x12xf32, #tpu.memory_space<vmem>>, vector<1x12xf32>
    %add3A_72 = arith.addf %dot_general3A_68, %get3A_71 : vector<1x12xf32>
    %max3A_73 = arith.constant 0.000000e+00 : f32
    %max3A_74 = vector.broadcast %max3A_73 : f32 to vector<1x12xf32>
    %max3A_75 = arith.maximumf %add3A_72, %max3A_74 : vector<1x12xf32>
    %get3A_76 = arith.constant 0 : index
    %get3A_77 = arith.constant 0 : index
    %get3A_78 = vector.load %arg7[%get3A_76, %get3A_77] : memref<12x1xf32, #tpu.memory_space<vmem>>, vector<12x1xf32>
    %dot_general3A_79 = arith.constant dense<0.000000e+00> : vector<1x1xf32>
    %dot_general3A_80 = tpu.matmul %max3A_75, %get3A_78, %dot_general3A_79 {dimension_numbers = #tpu.dot_dimension_numbers<[1], [0], [0], [1], [0, 0, 1, 1], [], []>, transpose_lhs_hint = false} : vector<1x12xf32>, vector<12x1xf32>, vector<1x1xf32> -> vector<1x1xf32>
    %get3A_81 = arith.constant 0 : index
    %get3A_82 = arith.constant 0 : index
    %get3A_83 = vector.load %arg8[%get3A_81, %get3A_82] : memref<1x1xf32, #tpu.memory_space<vmem>>, vector<1x1xf32>
    %add3A_84 = arith.addf %dot_general3A_80, %get3A_83 : vector<1x1xf32>
    %swap3A = arith.constant 0 : index
    %swap3A_85 = arith.constant 0 : index
    %swap3A_86 = vector.load %arg9[%swap3A, %swap3A_85] : memref<1x1xf32, #tpu.memory_space<vmem>>, vector<1x1xf32>
    tpu.vector_store %arg9[%swap3A, %swap3A_85], %add3A_84 {strides = array<i32>} : memref<1x1xf32, #tpu.memory_space<vmem>>, vector<1x1xf32>,
    return
  }
}

module attributes {stable_mosaic.version = 14 : i64} {
  func.func @_prep_body(%arg0: memref<2x1280x128xf32, #tpu.memory_space<vmem>>, %arg1: memref<1280x128xf32, #tpu.memory_space<vmem>>, %arg2: memref<1280x128xf32, #tpu.memory_space<vmem>>, %arg3: memref<1x128xf32, #tpu.memory_space<vmem>>, %arg4: memref<128x128xf32, #tpu.memory_space<vmem>>, %arg5: memref<1280x128xf32, #tpu.memory_space<vmem>>) attributes {dimension_semantics = [], scalar_prefetch = 0 : i64, scratch_operands = 0 : i64, tpu.core_type = #tpu.core_type<tc>} {
    %get3A = arith.constant 0 : index
    %get3A_0 = arith.constant 0 : index
    %get3A_1 = arith.constant 0 : index
    %get3A_2 = vector.load %arg0[%get3A, %get3A_0, %get3A_1] : memref<2x1280x128xf32, #tpu.memory_space<vmem>>, vector<1x1280x128xf32>
    %get3A_3 = vector.shape_cast %get3A_2 : vector<1x1280x128xf32> to vector<1280x128xf32>
    %get3A_4 = arith.constant 1 : index
    %get3A_5 = arith.constant 0 : index
    %get3A_6 = arith.constant 0 : index
    %get3A_7 = vector.load %arg0[%get3A_4, %get3A_5, %get3A_6] : memref<2x1280x128xf32, #tpu.memory_space<vmem>>, vector<1x1280x128xf32>
    %get3A_8 = vector.shape_cast %get3A_7 : vector<1x1280x128xf32> to vector<1280x128xf32>
    %add3A = arith.addf %get3A_3, %get3A_8 : vector<1280x128xf32>
    %get3A_9 = arith.constant 0 : index
    %get3A_10 = arith.constant 0 : index
    %get3A_11 = vector.load %arg1[%get3A_9, %get3A_10] : memref<1280x128xf32, #tpu.memory_space<vmem>>, vector<1280x128xf32>
    %mul3A = arith.mulf %add3A, %get3A_11 : vector<1280x128xf32>
    %get3A_12 = arith.constant 0 : index
    %get3A_13 = arith.constant 0 : index
    %get3A_14 = vector.load %arg3[%get3A_12, %get3A_13] : memref<1x128xf32, #tpu.memory_space<vmem>>, vector<1x128xf32>
    %add3A_15 = vector.broadcast %get3A_14 : vector<1x128xf32> to vector<1280x128xf32>
    %add3A_16 = arith.addf %mul3A, %add3A_15 : vector<1280x128xf32>
    %max3A = arith.constant 0.000000e+00 : f32
    %max3A_17 = vector.broadcast %max3A : f32 to vector<1280x128xf32>
    %max3A_18 = arith.maximumf %add3A_16, %max3A_17 : vector<1280x128xf32>
    %get3A_19 = arith.constant 0 : index
    %get3A_20 = arith.constant 0 : index
    %get3A_21 = vector.load %arg4[%get3A_19, %get3A_20] : memref<128x128xf32, #tpu.memory_space<vmem>>, vector<128x128xf32>
    %dot_general3A = arith.constant dense<0.000000e+00> : vector<1280x128xf32>
    %dot_general3A_22 = tpu.matmul %max3A_18, %get3A_21, %dot_general3A {dimension_numbers = #tpu.dot_dimension_numbers<[1], [0], [0], [1], [0, 0, 1, 1], [], []>, transpose_lhs_hint = false} : vector<1280x128xf32>, vector<128x128xf32>, vector<1280x128xf32> -> vector<1280x128xf32>
    %get3A_23 = arith.constant 0 : index
    %get3A_24 = arith.constant 0 : index
    %get3A_25 = vector.load %arg2[%get3A_23, %get3A_24] : memref<1280x128xf32, #tpu.memory_space<vmem>>, vector<1280x128xf32>
    %mul3A_26 = arith.mulf %dot_general3A_22, %get3A_25 : vector<1280x128xf32>
    %swap3A = arith.constant 0 : index
    %swap3A_27 = arith.constant 0 : index
    %swap3A_28 = vector.load %arg5[%swap3A, %swap3A_27] : memref<1280x128xf32, #tpu.memory_space<vmem>>, vector<1280x128xf32>
    tpu.vector_store %arg5[%swap3A, %swap3A_27], %mul3A_26 {strides = array<i32>} : memref<1280x128xf32, #tpu.memory_space<vmem>>, vector<1280x128xf32>,
    return
  }
}

</mosaic_0001>

<sc_bundles>
// kernel: kernel.10.cloned.1.call-start
scs
__scs_entry_jumppad:
0x0: {  	(pc) =	sbr.rel $0x88, $3  }
0x1: {  	(tag) =	ssettag $0x0;
	lr =	simm.s32 $0x1  }
0x2: {  	[smem:$0x3F93] =	sst lr;
	_ =	strace $0xD0000000  }
0x3: {  	_ = 	snop  }
0x4: {  	_ = 	snop  }
0x5: {  	_ = 	snop  }
0x6: {  	_ = 	snop  }
0x7: {  	_ = 	snop  }
__scs_overlays_trampoline_lowered:
0x8: {  	[smem:$0x3FA2] =	sst s0  }
0x9: {  	[smem:$0x3FA3] =	sst s1  }
0xa: {  	[smem:$0x3FA4] =	sst s2  }
0xb: {  	[smem:$0x3FA5] =	sst s3  }
0xc: {  	[smem:$0x3FA6] =	sst s4  }
0xd: {  	[smem:$0x3FA7] =	sst s5  }
0xe: {  	[smem:$0x3FA8] =	sst s6  }
0xf: {  	[smem:$0x3FA9] =	sst s7  }
0x10: {  	[smem:$0x3FAA] =	sst s8  }
0x11: {  	[smem:$0x3FAB] =	sst s9;
	s0 =	simm.s32 @!p0 $0x0  }
0x12: {  	s1 =	sld [smem:$0x3F91];
	s0 =	simm.s32 @p0 $0x1  }
0x13: {  	[smem:$0x3FAC] =	sst s0;
	s0 =	simm.s32 @!p1 $0x0  }
0x14: {  	s2 =	sld [smem:$0x3F90];
	s0 =	simm.s32 @p1 $0x1  }
0x15: {  	[smem:$0x3FAD] =	sst s0;
	s0 =	simm.s32 @!p2 $0x0  }
0x16: {  	s3 =	sld [smem:$0x3FDB];
	s0 =	simm.s32 @p2 $0x1  }
0x17: {  	s4 =	simm.s32 $0x1BF5;
	[smem:$0x3FAF] =	sst s0  }
0x18: {  	s0 =	sld [smem:$0x3F92];
	_ =	swait.ge [sflag:s4], $0x0  }
0x19: {  	s7 =	sld [smem:$0x3F93]  }
0x1a: {  	s8 =	sadd.s32 $0xFFFFE003, lr  }
0x1b: {  	s9 =	sadd.s32 $0xFFFFFEF7, lr;
	s5 =	simm.s32 $0xFFFFFFFF;
	p2 =	slt.u32 s8, $0xFFFFF086  }
0x1c: {  	p1 =	slt.u32 s9, $0xF7A;
	s5 =	simm.s32 @!p2 $0x0  }
0x1d: {  	s5 =	simm.s32 @p1 $0x1;
	p0 =	seq.s32 s7, s2  }
0x1e: {  	s7 =	smul.u32 @!p0 $0xF7A, s2;
	p2 =	seq.s32 @!p0 s5, $0x0  }
0x1f: {  	s9 =	smul.u32 $0xF7A, s1;
	s8 =	simm.s32 @!p0 $0x1BF5;
	p2 =	por !p2, p0  }
0x20: {  	[sflag:s8] =	ssyncset.s32 @!p0 $0xFFFFF086;
	s6 =	sadd.s32 @!p0 s3, s7;
	s7 =	simm.s32 @!p0 $0x108  }
0x21: {  	s3 =	sadd.s32 s3, s9;
	s6 =	sadd.s32 @!p0 $0x88, s6;
	s7 =	simm.s32 @p2 $0x1082  }
0x22: {  	[simem:s7], [sflag:s8] =	dma.local @!p0 [hbm:s6], $0xF7A  }
0x23: {  	s9 =	sor.u32 $0xD0000000, s2;
	s6 =	simm.s32 $0x108;
	_ =	swait.ge @!p0 [sflag:s8], $0x0  }
0x24: {  	s3 =	sadd.s32 $0x88, s3;
	s6 =	simm.s32 @!p1 $0x1082;
	[sflag:s4] =	ssyncset.s32 $0xFFFFF086  }
0x25: {  	[simem:s6], [sflag:s4] =	dma.local [hbm:s3], $0xF7A  }
0x26: {  	[smem:$0x3F93] =	sst s1;
	(tag) =	ssettag s2;
	_ =	strace s9  }
0x27: {  	s1 =	sld [smem:$0x3FA3]  }
0x28: {  	s2 =	sld [smem:$0x3FA4]  }
0x29: {  	s4 =	sld [smem:$0x3FA6]  }
0x2a: {  	p0 =	seq.s32 s5, $0x0;
	s5 =	sld [smem:$0x3FA7]  }
0x2b: {  	s6 =	sld [smem:$0x3FA8]  }
0x2c: {  	s7 =	sld [smem:$0x3FA9]  }
0x2d: {  	s3 =	simm.s32 $0x108;
	s8 =	sld [smem:$0x3FAA]  }
0x2e: {  	s3 =	simm.s32 @!p0 $0x1082;
	s9 =	sld [smem:$0x3FAB]  }
0x2f: {  	lr =	sadd.s32 s0, s3;
	s0 =	sld [smem:$0x3FA2]  }
0x30: {  	s3 =	sld [smem:$0x3FA5]  }
0x31: {  	[smem:$0x3FAE] =	sst s10  }
0x32: {  	s10 =	sld [smem:$0x3FAC];
	_ =	sdelay $0x3  }
0x33: {  	p0 =	seq.s32 s10, $0x1;
	s10 =	sld [smem:$0x3FAE];
	_ =	sdelay $0x3  }
0x34: {  	[smem:$0x3FAE] =	sst s10  }
0x35: {  	s10 =	sld [smem:$0x3FAD];
	_ =	sdelay $0x3  }
0x36: {  	p1 =	seq.s32 s10, $0x1;
	s10 =	sld [smem:$0x3FAE];
	_ =	sdelay $0x3  }
0x37: {  	[smem:$0x3FAE] =	sst s10  }
0x38: {  	s10 =	sld [smem:$0x3FAF]  }
0x39: {  	_ = 	snop;
	(pc) =	sbr.ind lr, $3  }
0x3a: {  	_ = 	snop  }
0x3b: {  	_ = 	snop  }
0x3c: {  	p2 =	seq.s32 s10, $0x1;
	s10 =	sld [smem:$0x3FAE]  }
0x3d: {  	_ =	shalt  }
0x3e: {  	_ =	shalt  }
0x3f: {  	_ =	shalt  }
0x40: {  	_ =	shalt  }
0x41: {  	_ =	shalt  }
0x42: {  	_ =	shalt  }
0x43: {  	_ =	shalt  }
0x44: {  	_ =	shalt  }
0x45: {  	_ =	shalt  }
0x46: {  	_ =	shalt  }
0x47: {  	_ =	shalt  }
0x48: {  	_ =	shalt  }
0x49: {  	_ =	shalt  }
0x4a: {  	_ =	shalt  }
0x4b: {  	_ =	shalt  }
0x4c: {  	_ =	shalt  }
0x4d: {  	_ =	shalt  }
0x4e: {  	_ =	shalt  }
0x4f: {  	_ =	shalt  }
0x50: {  	_ =	shalt  }
0x51: {  	_ =	shalt  }
0x52: {  	_ =	shalt  }
0x53: {  	_ =	shalt  }
0x54: {  	_ =	shalt  }
0x55: {  	_ =	shalt  }
0x56: {  	_ =	shalt  }
0x57: {  	_ =	shalt  }
0x58: {  	_ =	shalt  }
0x59: {  	_ =	shalt  }
0x5a: {  	_ =	shalt  }
0x5b: {  	_ =	shalt  }
0x5c: {  	_ =	shalt  }
0x5d: {  	_ =	shalt  }
0x5e: {  	_ =	shalt  }
0x5f: {  	_ =	shalt  }
0x60: {  	_ =	shalt  }
0x61: {  	_ =	shalt  }
0x62: {  	_ =	shalt  }
0x63: {  	_ =	shalt  }
0x64: {  	_ =	shalt  }
0x65: {  	_ =	shalt  }
0x66: {  	_ =	shalt  }
0x67: {  	_ =	shalt  }
0x68: {  	_ =	shalt  }
0x69: {  	_ =	shalt  }
0x6a: {  	_ =	shalt  }
0x6b: {  	_ =	shalt  }
0x6c: {  	_ =	shalt  }
0x6d: {  	_ =	shalt  }
0x6e: {  	_ =	shalt  }
0x6f: {  	_ =	shalt  }
0x70: {  	_ =	shalt  }
0x71: {  	_ =	shalt  }
0x72: {  	_ =	shalt  }
0x73: {  	_ =	shalt  }
0x74: {  	_ =	shalt  }
0x75: {  	_ =	shalt  }
0x76: {  	_ =	shalt  }
0x77: {  	_ =	shalt  }
0x78: {  	_ =	shalt  }
0x79: {  	_ =	shalt  }
0x7a: {  	_ =	shalt  }
0x7b: {  	_ =	shalt  }
0x7c: {  	_ =	shalt  }
0x7d: {  	_ =	shalt  }
0x7e: {  	_ =	shalt  }
0x7f: {  	_ =	shalt  }
0x80: {  	_ =	shalt  }
0x81: {  	_ =	shalt  }
0x82: {  	_ =	shalt  }
0x83: {  	_ =	shalt  }
0x84: {  	_ =	shalt  }
0x85: {  	_ =	shalt  }
0x86: {  	_ =	shalt  }
0x87: {  	_ =	shalt  }
.Lfunc_end0:
.L_simem_size_0:
called_computation_lowered:
.L_overlay_start_0:
0x88: {  	s2 =	sld [smem:$0x3FD9]  }
0x89: {  	s3 =	sld [smem:$0x3FFE];
	_ =	sdelay $0x1  }
0x8a: {  	s1 =	srdreg.scid  }
0x8b: {  	s0 =	sand.u32 $0x1, s1  }
0x8c: {  	s16 =	sshll.u32 s0, $0xA;
	s2 =	sadd.s32 s3, s2  }
0x8d: {  	s2 =	sadd.s32 s2, s16  }
0x8e: {  	[smem:$0x3FBA] =	sst s2  }
0x8f: {  	_ = 	snop  }
0x90: {  	(tm) =	ssettm $0x1  }
0x91: {  	s17 =	sld [smem:$0x3FFB];
	_ =	sdelay $0x3  }
0x92: {  	_ =	strace s17  }
0x93: {  	s2 =	sld [smem:$0x3FFC];
	_ =	sdelay $0x3  }
0x94: {  	_ =	strace s2  }
0x95: {  	s2 =	sld [smem:$0x3FFD];
	_ =	sdelay $0x3  }
0x96: {  	_ =	strace s2  }
0x97: {  	_ =	strace $0x8FFFFFFF  }
0x98: {  	s18 =	sld [smem:$0x3FDB];
	_ =	sdelay $0x1  }
0x99: {  	s19 =	simm.s32 $_scs_section_size  }
0x9a: {  	s4 =	simm.s32 $_size__tile_overlayer_lowered;
	s5 =	simm.s32 $_tile_overlayer_lowered  }
0x9b: {  	s22 =	simm.s32 $0x1BFF;
	s21 =	sshll.u32 s5, $0x1;
	s2 =	sadd.s32 s19, s18  }
0x9c: {  	s6 =	simm.s32 $0x0;
	s20 =	sshll.u32 s4, $0x1;
	s4 =	sadd.s32 s21, s2  }
0x9d: {  	[timem:s6], [sflag:s22] =	dma.local [hbm:s4], s20  }
0x9e: {  	_ =	swait.ge [sflag:s22], s20  }
0x9f: {  	s3 =	ssub.s32 $0x0, s20;
	[sflag:s22] =	ssyncset.done $0x0  }
0xa0: {  	[sflag:s22] =	ssyncadd.s32 s3;
	_ =	sdelay $0x1  }
0xa1: {  	s23 =	simm.s32 $0x1B8B  }
0xa2: {  	_ =	swait.ge [sflag:s23], $0x1  }
0xa3: {  	[sflag:s23] =	ssyncset.done $0x0  }
0xa4: {  	s25 =	simm.s32 $0x1B8E;
	s24 =	sld [smem:$0x3FFE];
	[sflag:s23] =	ssyncadd.s32 $0xFFFFFFFF  }
0xa5: {  	s26 =	simm.s32 $execute0_lowered;
	[smem:$0x3FD2] =	sst s25  }
0xa6: {  	s4 =	sshll.u32 s26, $0x1;
	_ =	strace $0x80000046;
	[dreg:$0x1] =	wrdreg $0xFFFFFFFF  }
0xa7: {  	s28 =	simm.s32 $_size_execute0_lowered;
	s2 =	sadd.s32 s2, s4;
	[dreg:$0x0] =	wrdreg $0x0  }
0xa8: {  	s4 =	sshll.u32 s28, $0x1;
	[dreg:$0x2] =	wrdreg s2  }
0xa9: {  	[dreg:$0x3] =	wrdreg s4  }
0xaa: {  	[dreg:$0x4] =	wrdreg $0xC0  }
0xab: {  	_ =	task [dreg:s6], $0x5FFFF  }
0xac: {  	[dreg:$0x1] =	wrdreg $0xFFFFFFFF  }
0xad: {  	[dreg:$0x0] =	wrdreg $0x60  }
0xae: {  	[dreg:$0x2] =	wrdreg s24  }
0xaf: {  	[dreg:$0x3] =	wrdreg $0x57000  }
0xb0: {  	[dreg:$0x4] =	wrdreg $0x7F000  }
0xb1: {  	[dreg:$0x5] =	wrdreg $0x9  }
0xb2: {  	_ =	task.clear_ibuf [dreg:s6], $0x6FFFF;
	_ =	strace $0x90000046  }
0xb3: {  	s29 =	simm.s32 $0x9;
	_ =	strace $0x80000048  }
0xb4: {  	_ =	swait.ge [sflag:s29], $0x1  }
0xb5: {  	[sflag:s29] =	ssyncadd.s32 $0xFFFFFFFF  }
0xb6: {  	_ =	strace $0x90000048  }
0xb7: {  	_ =	sfence  }
0xb8: {  	s30 =	sld [smem:$0x0];
	_ =	sdelay $0x2  }
0xb9: {  	s31 =	sshll.u32 s1, $0xD;
	s1 =	sshrl.u32 s1, $0x2  }
0xba: {  	s3 =	sand.u32 $0x4000, s31;
	s1 =	sadd.s32 s1, s30  }
0xbb: {  	s0 =	sor.u32 s3, s0;
	s1 =	sshll.u32 s1, $0x11  }
0xbc: {  	s0 =	sor.u32 s1, s0  }
0xbd: {  	s0 =	sadd.s32 $0x8F2B, s0  }
0xbe: {  	[sflag:s0] =	ssyncadd.remote.s32 $0x1  }
0xbf: {  	_ =	sfence.sel $0xFFFF  }
0xc0: {  	[dreg:$0x0] =	wrdreg $0xFFFFFFFF;
	(pc) =	sbr.abs _section_cstart, $3  }
0xc1: {  	[dreg:$0x1] =	wrdreg $0xFFFFFFFF  }
0xc2: {  	_ =	task.clear_ibuf [dreg:s6], $0x2FFFF;
	_ =	strace $0x9FFFFFFF  }
0xc3: {  	(tm) =	ssettm $0x7FFFFFFF  }
tec
execute0_lowered:
.L_overlay_start_1:
0x0: {  	(tag) =	ssettag $0x1  }
0x1: {  	s5 =	rddreg [dreg:$0x0]  }
0x2: {  	s1 =	srdreg.scid;
	s2 =	rddreg [dreg:$0x1]  }
0x3: {  	s0 =	stileid.u32;
	s3 =	rddreg [dreg:$0x2]  }
0x4: {  	s4 =	simm.s32 $0x0;
	s16 =	simm.s32 $0x2780;
	s17 =	simm.s32 $0x1  }
0x5: {  	s18 =	simm.s32 $0x80;
	s19 =	simm.s32 $0x4F00;
	s20 =	simm.s32 $0x2  }
0x6: {  	s6 =	sand.u32 $0x1, s1;
	s28 =	sshll.u32 s0, $0x1;
	s9 =	smul.u32 $0x2800, s0  }
0x7: {  	s21 =	simm.s32 $0x0;
	s1 =	sor.u32 s6, s28;
	s8 =	smul.u32 $0x50000, s6  }
0x8: {  	[smem:$0x7FF] =	sst s4;
	s29 =	ssub.s32 $0x2, s6;
	s7 =	smul.u32 $0x9C4, s1  }
0x9: {  	s1 =	rddreg [dreg:$0x3];
	_ =	strace $0x80000047;
	s11 =	sshrl.u32 s9, $0x3  }
0xa: {  	s31 =	sshrl.u32 s29, $0x1;
	s14 =	sadd.s32 s9, s2;
	s15 =	sadd.s32 s9, s3  }
0xb: {  	s8 =	sadd.s32 s9, s8;
	s11 =	sadd.s32 s11, s5;
	s13 =	ssub.s32 s29, s31  }
0xc: {  	s14 =	sshrl.u32 s14, $0x3;
	s15 =	sshrl.u32 s15, $0x3;
	s10 =	sshrl.u32 s7, $0x1  }
0xd: {  	s8 =	sshrl.u32 s8, $0x3;
	s30 =	sadd.s32 $0x9C4, s7;
	s7 =	sshrl.u32 s7, $0x5  }
.Ltmp0:
0xe: {  	s13 =	smax.u32 s13, $0x1;
	s10 =	sand.u32 $0xFFF0, s10;
	(pc) =	sbr.rel .LBB2_1-.Ltmp0, $4  }
0xf: {  	s12 =	sadd.s32 s8, s5;
	s6 =	sshrl.u32 s30, $0x5;
	s10 =	sadd.s32 s10, s5  }
0x10: {  	s5 =	ssub.s32 s6, s7;
	s6 =	sshll.u32 s0, $0x6;
	s7 =	sadd.s32 $0x17200, s11  }
0x11: {  	s11 =	sadd.s32 $0x1C200, s12;
	s12 =	sadd.s32 $0x21200, s12;
	s8 =	sor.u32 $0x1C01, s6  }
0x12: {  	v0 =	vimm.f32 $1.000000000e+00;
	s9 =	sadd.s32 $0xD400, s10;
	s10 =	sadd.s32 $0x3600, s10;
	p0 =	slt.s32 s5, $0x1  }
.LBB2_8:
0x13: {  	[sflag:s17] =	ssyncadd.s32 $0xFFFFF800  }
.LBB2_9:
0x14: {  	[bflag:$0x0] =	sbarrier.arrive $0xFFFF;
	s22 =	sor.u32 $0x1C02, s6  }
0x15: {  	[hbm:s11], [sflag:s22] =	dma.local [spmem:s14], $0x500  }
0x16: {  	s21 =	sadd.s32 $0x1, s21;
	_ =	swait.ge [sflag:s20], $0x500  }
0x17: {  	p1 =	sne.s32 s21, s13;
	[sflag:s20] =	ssyncset.done $0x0  }
.Ltmp1:
0x18: {  	[sflag:s20] =	ssyncadd.s32 $0xFFFFFB00;
	(pc) =	sbr.rel @!p1 .LBB2_10-.Ltmp1, $4  }
0x19: {  	[hbm:s12], [sflag:s22] =	dma.local [spmem:s15], $0x500  }
0x1a: {  	_ =	swait.ge [sflag:s20], $0x500  }
0x1b: {  	[sflag:s20] =	ssyncset.done $0x0  }
0x1c: {  	[sflag:s20] =	ssyncadd.s32 $0xFFFFFB00  }
.LBB2_1:
0x1d: {  	[spmem:s14], [sflag:s8] =	dma.local [hbm:s7], $0x500  }
0x1e: {  	[spmem:s15], [sflag:s8] =	dma.local [hbm:s7], $0x500  }
0x1f: {  	[tilespmem:s4], [sflag:$0x1] =	stream.linear.gather [hbm4b:s9+s4], $0x2780, $0x38;
	[tilespmem:$0xA700] =	vst v63  }
0x20: {  	_ = 	snop  }
0x21: {  	[tilespmem:s16], [sflag:$0x1] =	stream.linear.gather [hbm4b:s10+s4], $0x2780, $0x38;
	[tilespmem:$0xA700] =	vst v63  }
0x22: {  	_ =	swait.ge [sflag:s17], $0x500  }
0x23: {  	[sflag:s17] =	ssyncset.done $0x0  }
0x24: {  	[sflag:s17] =	ssyncadd.s32 $0xFFFFFB00  }
0x25: {  	_ =	swait.ge [sflag:s17], $0x500  }
0x26: {  	[sflag:s17] =	ssyncset.done $0x0  }
0x27: {  	[sflag:s17] =	ssyncadd.s32 $0xFFFFFB00  }
0x28: {  	_ =	swait.ge [sflag:s17], $0x2780  }
0x29: {  	[sflag:s17] =	ssyncset.done $0x0  }
0x2a: {  	[sflag:s17] =	ssyncadd.s32 $0xFFFFD880  }
0x2b: {  	_ =	swait.ge [sflag:s17], $0x2780  }
0x2c: {  	[sflag:s17] =	ssyncset.done $0x0  }
0x2d: {  	s22 =	simm.s32 $0x40;
	s23 =	simm.s32 $0x0;
	[sflag:s17] =	ssyncadd.s32 $0xFFFFD880  }
.LBB2_2:
0x2e: {  	p1 =	sne.s32 s22, $0x1FC0;
	[tilespmem:s23+$0x4F00] =	vst v0;
	s23 =	smov.u32 s22;
	s22 =	sadd.s32 $0x40, s22  }
.Ltmp2:
0x2f: {  	(pc) =	sbr.rel @p1 .LBB2_2-.Ltmp2, $2  }
0x30: {  	_ =	sdelay $0x2  }
0x31: {  	s23 =	sshra.s32 s23, $0x2  }
.Ltmp3:
0x32: {  	(pc) =	sbr.rel @p0 .LBB2_9-.Ltmp3, $4  }
0x33: {  	_ = 	snop  }
0x34: {  	[tilespmem:s23+$0x4F00] =	vst v0  }
0x35: {  	[bflag:$0x0] =	sbarrier.arrive $0xFFFF  }
0x36: {  	s23 =	simm.s32 $0x0;
	s22 =	simm.s32 $0x2780  }
0x37: {  	p1 =	sgt.s32 s5, $0x1  }
.Ltmp4:
0x38: {  	_ = 	snop;
	(pc) =	sbr.rel @!p1 .LBB2_6-.Ltmp4, $3  }
0x39: {  	_ =	sdelay $0x1  }
0x3a: {  	[spmem:s2] =	stream.indirect.scatter.add.f32 [tilespmem:s19], [sflag:$0x1], $0x10, s23, s18, $0xb8;
	[tilespmem:$0xA700] =	vst v63  }
0x3b: {  	s23 =	simm.s32 $0x1;
	s24 =	simm.s32 $0x80;
	s25 =	simm.s32 $0x2800  }
.LBB2_5:
0x3c: {  	[spmem:s3] =	stream.indirect.scatter.add.f32 [tilespmem:s19], [sflag:$0x1], $0x10, s22, s18, $0xb8;
	[tilespmem:$0xA700] =	vst v63  }
0x3d: {  	s23 =	sadd.s32 $0x1, s23  }
0x3e: {  	p1 =	slt.s32 s23, s5  }
.Ltmp5:
0x3f: {  	s22 =	smov.u32 s25;
	(pc) =	sbr.rel @p1 .LBB2_5-.Ltmp5, $3  }
0x40: {  	_ =	sdelay $0x1  }
0x41: {  	[spmem:s2] =	stream.indirect.scatter.add.f32 [tilespmem:s19], [sflag:$0x1], $0x10, s24, s18, $0xb8;
	[tilespmem:$0xA700] =	vst v63  }
0x42: {  	s25 =	sadd.s32 $0x80, s25;
	s24 =	sadd.s32 $0x80, s24  }
.LBB2_6:
0x43: {  	[spmem:s3] =	stream.indirect.scatter.add.f32 [tilespmem:s19], [sflag:$0x1], $0x10, s22, s18, $0xb8;
	[tilespmem:$0xA700] =	vst v63  }
0x44: {  	p1 =	sgt.s32 s5, $0x1  }
.Ltmp6:
0x45: {  	_ =	swait.ge [sflag:s17], $0x800;
	(pc) =	sbr.rel @!p1 .LBB2_8-.Ltmp6, $4  }
0x46: {  	[sflag:s17] =	ssyncset.done $0x0  }
0x47: {  	[sflag:s17] =	ssyncadd.s32 $0xFFFFF800  }
0x48: {  	_ =	swait.ge [sflag:s17], $0x800  }
0x49: {  	s22 =	simm.s32 $0x1;
	[sflag:s17] =	ssyncset.done $0x0  }
.LBB2_7:
0x4a: {  	s22 =	sadd.s32 $0x1, s22  }
0x4b: {  	[sflag:s17] =	ssyncadd.s32 $0xFFFFF800;
	p1 =	slt.s32 s22, s5  }
.Ltmp7:
0x4c: {  	_ =	swait.ge [sflag:s17], $0x800;
	(pc) =	sbr.rel @p1 .LBB2_7-.Ltmp7, $4  }
0x4d: {  	[sflag:s17] =	ssyncset.done $0x0  }
0x4e: {  	[sflag:s17] =	ssyncadd.s32 $0xFFFFF800  }
0x4f: {  	_ =	swait.ge [sflag:s17], $0x800  }
0x50: {  	[sflag:s17] =	ssyncset.done $0x0  }
.Ltmp8:
0x51: {  	_ = 	snop;
	(pc) =	sbr.rel .LBB2_8-.Ltmp8, $1  }
0x52: {  	_ =	sdelay $0x3  }
.LBB2_10:
0x53: {  	_ =	sfence.sel $0x180000  }
0x54: {  	[bflag:$0x0] =	sbarrier.arrive $0xFFFF  }
0x55: {  	p0 =	sne.s32 s0, $0x0;
	_ =	strace $0x90000047  }
0x56: {  	s0 =	sadd.s32 @!p0 $0x100000, s1;
	[bflag:$0x2] =	sbarrier.arrive $0xFFFF  }
0x57: {  	[sflag:s0] =	ssyncadd.tile.s32 @!p0 $0x1;
	_ =	shalt  }
.Lfunc_end2:
_tile_overlayer_lowered:
.L_overlay_start_2:
0x58: {  	(tag) =	ssettag $0x2  }
0x59: {  	s0 =	rddreg [dreg:$0x0];
	s2 =	stileid.u32  }
0x5a: {  	s1 =	rddreg [dreg:$0x1];
	p0 =	sne.s32 s2, $0x0  }
0x5b: {  	s3 =	rddreg [dreg:$0x2];
	[bflag:$0x3] =	sbarrier.arrive $0xFFFF;
	s2 =	simm.s32 @!p0 $0x1C02  }
0x5c: {  	[timem:s3], [sflag:s2] =	dma.local @!p0 [hbm:s0], s1  }
0x5d: {  	s0 =	simm.s32 @!p0 $0x2  }
0x5e: {  	_ =	swait.ge @!p0 [sflag:s0], s1  }
0x5f: {  	s1 =	ssub.s32 @!p0 $0x0, s1;
	[sflag:s0] =	ssyncset.done @!p0 $0x0  }
0x60: {  	[sflag:s0] =	ssyncadd.s32 @!p0 s1  }
0x61: {  	[bflag:$0x3] =	sbarrier.arrive $0xFFFF  }
0x62: {  	_ =	shalt  }

// kernel: kernel.13.cloned.1.call-start
scs
__scs_entry_jumppad:
0x0: {  	(pc) =	sbr.rel $0x88, $3  }
0x1: {  	(tag) =	ssettag $0x0;
	lr =	simm.s32 $0x1  }
0x2: {  	[smem:$0x3F93] =	sst lr;
	_ =	strace $0xD0000000  }
0x3: {  	_ = 	snop  }
0x4: {  	_ = 	snop  }
0x5: {  	_ = 	snop  }
0x6: {  	_ = 	snop  }
0x7: {  	_ = 	snop  }
__scs_overlays_trampoline_lowered:
0x8: {  	[smem:$0x3FA2] =	sst s0  }
0x9: {  	[smem:$0x3FA3] =	sst s1  }
0xa: {  	[smem:$0x3FA4] =	sst s2  }
0xb: {  	[smem:$0x3FA5] =	sst s3  }
0xc: {  	[smem:$0x3FA6] =	sst s4  }
0xd: {  	[smem:$0x3FA7] =	sst s5  }
0xe: {  	[smem:$0x3FA8] =	sst s6  }
0xf: {  	[smem:$0x3FA9] =	sst s7  }
0x10: {  	[smem:$0x3FAA] =	sst s8  }
0x11: {  	[smem:$0x3FAB] =	sst s9;
	s0 =	simm.s32 @!p0 $0x0  }
0x12: {  	s1 =	sld [smem:$0x3F91];
	s0 =	simm.s32 @p0 $0x1  }
0x13: {  	[smem:$0x3FAC] =	sst s0;
	s0 =	simm.s32 @!p1 $0x0  }
0x14: {  	s2 =	sld [smem:$0x3F90];
	s0 =	simm.s32 @p1 $0x1  }
0x15: {  	[smem:$0x3FAD] =	sst s0;
	s0 =	simm.s32 @!p2 $0x0  }
0x16: {  	s3 =	sld [smem:$0x3FDB];
	s0 =	simm.s32 @p2 $0x1  }
0x17: {  	s4 =	simm.s32 $0x1BF5;
	[smem:$0x3FAF] =	sst s0  }
0x18: {  	s0 =	sld [smem:$0x3F92];
	_ =	swait.ge [sflag:s4], $0x0  }
0x19: {  	s7 =	sld [smem:$0x3F93]  }
0x1a: {  	s8 =	sadd.s32 $0xFFFFE003, lr  }
0x1b: {  	s9 =	sadd.s32 $0xFFFFFEF7, lr;
	s5 =	simm.s32 $0xFFFFFFFF;
	p2 =	slt.u32 s8, $0xFFFFF086  }
0x1c: {  	p1 =	slt.u32 s9, $0xF7A;
	s5 =	simm.s32 @!p2 $0x0  }
0x1d: {  	s5 =	simm.s32 @p1 $0x1;
	p0 =	seq.s32 s7, s2  }
0x1e: {  	s7 =	smul.u32 @!p0 $0xF7A, s2;
	p2 =	seq.s32 @!p0 s5, $0x0  }
0x1f: {  	s9 =	smul.u32 $0xF7A, s1;
	s8 =	simm.s32 @!p0 $0x1BF5;
	p2 =	por !p2, p0  }
0x20: {  	[sflag:s8] =	ssyncset.s32 @!p0 $0xFFFFF086;
	s6 =	sadd.s32 @!p0 s3, s7;
	s7 =	simm.s32 @!p0 $0x108  }
0x21: {  	s3 =	sadd.s32 s3, s9;
	s6 =	sadd.s32 @!p0 $0x88, s6;
	s7 =	simm.s32 @p2 $0x1082  }
0x22: {  	[simem:s7], [sflag:s8] =	dma.local @!p0 [hbm:s6], $0xF7A  }
0x23: {  	s9 =	sor.u32 $0xD0000000, s2;
	s6 =	simm.s32 $0x108;
	_ =	swait.ge @!p0 [sflag:s8], $0x0  }
0x24: {  	s3 =	sadd.s32 $0x88, s3;
	s6 =	simm.s32 @!p1 $0x1082;
	[sflag:s4] =	ssyncset.s32 $0xFFFFF086  }
0x25: {  	[simem:s6], [sflag:s4] =	dma.local [hbm:s3], $0xF7A  }
0x26: {  	[smem:$0x3F93] =	sst s1;
	(tag) =	ssettag s2;
	_ =	strace s9  }
0x27: {  	s1 =	sld [smem:$0x3FA3]  }
0x28: {  	s2 =	sld [smem:$0x3FA4]  }
0x29: {  	s4 =	sld [smem:$0x3FA6]  }
0x2a: {  	p0 =	seq.s32 s5, $0x0;
	s5 =	sld [smem:$0x3FA7]  }
0x2b: {  	s6 =	sld [smem:$0x3FA8]  }
0x2c: {  	s7 =	sld [smem:$0x3FA9]  }
0x2d: {  	s3 =	simm.s32 $0x108;
	s8 =	sld [smem:$0x3FAA]  }
0x2e: {  	s3 =	simm.s32 @!p0 $0x1082;
	s9 =	sld [smem:$0x3FAB]  }
0x2f: {  	lr =	sadd.s32 s0, s3;
	s0 =	sld [smem:$0x3FA2]  }
0x30: {  	s3 =	sld [smem:$0x3FA5]  }
0x31: {  	[smem:$0x3FAE] =	sst s10  }
0x32: {  	s10 =	sld [smem:$0x3FAC];
	_ =	sdelay $0x3  }
0x33: {  	p0 =	seq.s32 s10, $0x1;
	s10 =	sld [smem:$0x3FAE];
	_ =	sdelay $0x3  }
0x34: {  	[smem:$0x3FAE] =	sst s10  }
0x35: {  	s10 =	sld [smem:$0x3FAD];
	_ =	sdelay $0x3  }
0x36: {  	p1 =	seq.s32 s10, $0x1;
	s10 =	sld [smem:$0x3FAE];
	_ =	sdelay $0x3  }
0x37: {  	[smem:$0x3FAE] =	sst s10  }
0x38: {  	s10 =	sld [smem:$0x3FAF]  }
0x39: {  	_ = 	snop;
	(pc) =	sbr.ind lr, $3  }
0x3a: {  	_ = 	snop  }
0x3b: {  	_ = 	snop  }
0x3c: {  	p2 =	seq.s32 s10, $0x1;
	s10 =	sld [smem:$0x3FAE]  }
0x3d: {  	_ =	shalt  }
0x3e: {  	_ =	shalt  }
0x3f: {  	_ =	shalt  }
0x40: {  	_ =	shalt  }
0x41: {  	_ =	shalt  }
0x42: {  	_ =	shalt  }
0x43: {  	_ =	shalt  }
0x44: {  	_ =	shalt  }
0x45: {  	_ =	shalt  }
0x46: {  	_ =	shalt  }
0x47: {  	_ =	shalt  }
0x48: {  	_ =	shalt  }
0x49: {  	_ =	shalt  }
0x4a: {  	_ =	shalt  }
0x4b: {  	_ =	shalt  }
0x4c: {  	_ =	shalt  }
0x4d: {  	_ =	shalt  }
0x4e: {  	_ =	shalt  }
0x4f: {  	_ =	shalt  }
0x50: {  	_ =	shalt  }
0x51: {  	_ =	shalt  }
0x52: {  	_ =	shalt  }
0x53: {  	_ =	shalt  }
0x54: {  	_ =	shalt  }
0x55: {  	_ =	shalt  }
0x56: {  	_ =	shalt  }
0x57: {  	_ =	shalt  }
0x58: {  	_ =	shalt  }
0x59: {  	_ =	shalt  }
0x5a: {  	_ =	shalt  }
0x5b: {  	_ =	shalt  }
0x5c: {  	_ =	shalt  }
0x5d: {  	_ =	shalt  }
0x5e: {  	_ =	shalt  }
0x5f: {  	_ =	shalt  }
0x60: {  	_ =	shalt  }
0x61: {  	_ =	shalt  }
0x62: {  	_ =	shalt  }
0x63: {  	_ =	shalt  }
0x64: {  	_ =	shalt  }
0x65: {  	_ =	shalt  }
0x66: {  	_ =	shalt  }
0x67: {  	_ =	shalt  }
0x68: {  	_ =	shalt  }
0x69: {  	_ =	shalt  }
0x6a: {  	_ =	shalt  }
0x6b: {  	_ =	shalt  }
0x6c: {  	_ =	shalt  }
0x6d: {  	_ =	shalt  }
0x6e: {  	_ =	shalt  }
0x6f: {  	_ =	shalt  }
0x70: {  	_ =	shalt  }
0x71: {  	_ =	shalt  }
0x72: {  	_ =	shalt  }
0x73: {  	_ =	shalt  }
0x74: {  	_ =	shalt  }
0x75: {  	_ =	shalt  }
0x76: {  	_ =	shalt  }
0x77: {  	_ =	shalt  }
0x78: {  	_ =	shalt  }
0x79: {  	_ =	shalt  }
0x7a: {  	_ =	shalt  }
0x7b: {  	_ =	shalt  }
0x7c: {  	_ =	shalt  }
0x7d: {  	_ =	shalt  }
0x7e: {  	_ =	shalt  }
0x7f: {  	_ =	shalt  }
0x80: {  	_ =	shalt  }
0x81: {  	_ =	shalt  }
0x82: {  	_ =	shalt  }
0x83: {  	_ =	shalt  }
0x84: {  	_ =	shalt  }
0x85: {  	_ =	shalt  }
0x86: {  	_ =	shalt  }
0x87: {  	_ =	shalt  }
.Lfunc_end0:
.L_simem_size_0:
called_computation.1_lowered:
.L_overlay_start_0:
0x88: {  	s2 =	sld [smem:$0x3FD9]  }
0x89: {  	s3 =	sld [smem:$0x3FFE];
	_ =	sdelay $0x1  }
0x8a: {  	s1 =	srdreg.scid  }
0x8b: {  	s0 =	sand.u32 $0x1, s1  }
0x8c: {  	s16 =	sshll.u32 s0, $0xA;
	s2 =	sadd.s32 s3, s2  }
0x8d: {  	s2 =	sadd.s32 s2, s16  }
0x8e: {  	[smem:$0x3FBA] =	sst s2  }
0x8f: {  	_ = 	snop  }
0x90: {  	(tm) =	ssettm $0x1  }
0x91: {  	s17 =	sld [smem:$0x3FFB];
	_ =	sdelay $0x3  }
0x92: {  	_ =	strace s17  }
0x93: {  	s2 =	sld [smem:$0x3FFC];
	_ =	sdelay $0x3  }
0x94: {  	_ =	strace s2  }
0x95: {  	s2 =	sld [smem:$0x3FFD];
	_ =	sdelay $0x3  }
0x96: {  	_ =	strace s2  }
0x97: {  	_ =	strace $0x8FFFFFFF  }
0x98: {  	s18 =	sld [smem:$0x3FDB];
	_ =	sdelay $0x1  }
0x99: {  	s19 =	simm.s32 $_scs_section_size  }
0x9a: {  	s4 =	simm.s32 $_size__tile_overlayer_lowered;
	s5 =	simm.s32 $_tile_overlayer_lowered  }
0x9b: {  	s22 =	simm.s32 $0x1BFF;
	s21 =	sshll.u32 s5, $0x1;
	s2 =	sadd.s32 s19, s18  }
0x9c: {  	s6 =	simm.s32 $0x0;
	s20 =	sshll.u32 s4, $0x1;
	s4 =	sadd.s32 s21, s2  }
0x9d: {  	[timem:s6], [sflag:s22] =	dma.local [hbm:s4], s20  }
0x9e: {  	_ =	swait.ge [sflag:s22], s20  }
0x9f: {  	s3 =	ssub.s32 $0x0, s20;
	[sflag:s22] =	ssyncset.done $0x0  }
0xa0: {  	[sflag:s22] =	ssyncadd.s32 s3;
	_ =	sdelay $0x1  }
0xa1: {  	s23 =	simm.s32 $0x1B8B  }
0xa2: {  	_ =	swait.ge [sflag:s23], $0x1  }
0xa3: {  	[sflag:s23] =	ssyncset.done $0x0  }
0xa4: {  	s25 =	simm.s32 $0x1B8E;
	s24 =	sld [smem:$0x3FFE];
	[sflag:s23] =	ssyncadd.s32 $0xFFFFFFFF  }
0xa5: {  	s26 =	simm.s32 $execute0_lowered;
	[smem:$0x3FD2] =	sst s25  }
0xa6: {  	s4 =	sshll.u32 s26, $0x1;
	_ =	strace $0x80000049;
	[dreg:$0x1] =	wrdreg $0xFFFFFFFF  }
0xa7: {  	s28 =	simm.s32 $_size_execute0_lowered;
	s2 =	sadd.s32 s2, s4;
	[dreg:$0x0] =	wrdreg $0x0  }
0xa8: {  	s4 =	sshll.u32 s28, $0x1;
	[dreg:$0x2] =	wrdreg s2  }
0xa9: {  	[dreg:$0x3] =	wrdreg s4  }
0xaa: {  	[dreg:$0x4] =	wrdreg $0xC0  }
0xab: {  	_ =	task [dreg:s6], $0x5FFFF  }
0xac: {  	[dreg:$0x1] =	wrdreg $0xFFFFFFFF  }
0xad: {  	[dreg:$0x0] =	wrdreg $0x60  }
0xae: {  	[dreg:$0x2] =	wrdreg s24  }
0xaf: {  	[dreg:$0x3] =	wrdreg $0xB7000  }
0xb0: {  	[dreg:$0x4] =	wrdreg $0x8F000  }
0xb1: {  	[dreg:$0x5] =	wrdreg $0x9  }
0xb2: {  	_ =	task.clear_ibuf [dreg:s6], $0x6FFFF;
	_ =	strace $0x90000049  }
0xb3: {  	s29 =	simm.s32 $0x9;
	_ =	strace $0x8000004B  }
0xb4: {  	_ =	swait.ge [sflag:s29], $0x1  }
0xb5: {  	[sflag:s29] =	ssyncadd.s32 $0xFFFFFFFF  }
0xb6: {  	_ =	strace $0x9000004B  }
0xb7: {  	_ =	sfence  }
0xb8: {  	s30 =	sld [smem:$0x0];
	_ =	sdelay $0x2  }
0xb9: {  	s31 =	sshll.u32 s1, $0xD;
	s1 =	sshrl.u32 s1, $0x2  }
0xba: {  	s3 =	sand.u32 $0x4000, s31;
	s1 =	sadd.s32 s1, s30  }
0xbb: {  	s0 =	sor.u32 s3, s0;
	s1 =	sshll.u32 s1, $0x11  }
0xbc: {  	s0 =	sor.u32 s1, s0  }
0xbd: {  	s0 =	sadd.s32 $0x8F2B, s0  }
0xbe: {  	[sflag:s0] =	ssyncadd.remote.s32 $0x1  }
0xbf: {  	_ =	sfence.sel $0xFFFF  }
0xc0: {  	[dreg:$0x0] =	wrdreg $0xFFFFFFFF;
	(pc) =	sbr.abs _section_cstart, $3  }
0xc1: {  	[dreg:$0x1] =	wrdreg $0xFFFFFFFF  }
0xc2: {  	_ =	task.clear_ibuf [dreg:s6], $0x2FFFF;
	_ =	strace $0x9FFFFFFF  }
0xc3: {  	(tm) =	ssettm $0x7FFFFFFF  }
tec
execute0_lowered:
.L_overlay_start_1:
0x0: {  	(tag) =	ssettag $0x1  }
0x1: {  	s5 =	stileid.u32;
	s0 =	srdreg.scid  }
0x2: {  	s0 =	sand.u32 $0x1, s0;
	s1 =	sshll.u32 s5, $0x1  }
0x3: {  	s1 =	sor.u32 s0, s1  }
0x4: {  	s3 =	smul.u32 $0x9C4, s1;
	_ =	sdelay $0x1  }
0x5: {  	s1 =	sadd.s32 $0x9C4, s3  }
0x6: {  	s23 =	sshrl.u32 s3, $0x5;
	s24 =	sshrl.u32 s1, $0x5  }
0x7: {  	s1 =	ssub.s32 s24, s23  }
0x8: {  	p6 =	slt.u32 s1, $0x4  }
0x9: {  	p1 =	slt.u32 @!p6 s1, $0x5  }
0xa: {  	s2 =	simm.s32 @!p1 $0x0;
	p4 =	por p1, p6  }
0xb: {  	s2 =	simm.s32 @p1 $0x1;
	p0 =	slt.u32 @!p4 s1, $0x6  }
0xc: {  	p3 =	seq.s32 s1, $0xFFFFFFFD;
	[smem:$0x7F5] =	sst s2;
	p2 =	por @!p6 p0, p1  }
0xd: {  	s2 =	simm.s32 @!p0 $0x0;
	p5 =	por p2, p6;
	p2 =	slt.s32 @!p3 s1, $0x2  }
0xe: {  	s2 =	simm.s32 @p0 $0x1;
	p2 =	por p2, p3  }
0xf: {  	[smem:$0x7F4] =	sst s2;
	p1 =	slt.u32 @!p5 s1, $0x7;
	s2 =	simm.s32 @!p2 $0x0  }
0x10: {  	p0 =	por @!p4 p1, p0;
	s2 =	simm.s32 @p2 $0x1  }
0x11: {  	[smem:$0x7ED] =	sst s2;
	s2 =	simm.s32 @!p0 $0x0  }
0x12: {  	s20 =	sld [smem:$0x7F5];
	s2 =	simm.s32 @p0 $0x1  }
0x13: {  	[smem:$0x7EE] =	sst s2  }
0x14: {  	s21 =	sld [smem:$0x7EE]  }
0x15: {  	s6 =	rddreg [dreg:$0x0]  }
0x16: {  	s31 =	simm.s32 $0x0;
	s19 =	simm.s32 $0x1;
	p2 =	slt.s32 @!p3 s1, $0xFFFFFFFF  }
0x17: {  	p2 =	por p3, p2;
	p0 =	seq.s32 s20, $0x1;
	p3 =	seq.s32 s21, $0x1  }
0x18: {  	s9 =	smul.u32 $0x2800, s5;
	[smem:$0x7FF] =	sst s31;
	p3 =	por @!p6 p3, p0  }
0x19: {  	s26 =	smul.u32 $0x28000, s0;
	p0 =	por p3, p6;
	p3 =	slt.s32 @!p2 s1, $0x3  }
0x1a: {  	s0 =	ssub.s32 $0x2, s0;
	s28 =	sshrl.u32 s9, $0x3;
	p3 =	por p3, p2  }
0x1b: {  	s29 =	sshrl.u32 s0, $0x1;
	s10 =	sadd.s32 s28, s6;
	s4 =	simm.s32 @!p3 $0x0  }
0x1c: {  	s0 =	ssub.s32 s0, s29;
	s7 =	simm.s32 @!p4 $0x0;
	s4 =	simm.s32 @p3 $0x1  }
0x1d: {  	s7 =	simm.s32 @p4 $0x1;
	[smem:$0x7EF] =	sst s4;
	s4 =	simm.s32 @!p0 $0x0  }
0x1e: {  	[smem:$0x7F3] =	sst s7;
	s4 =	simm.s32 @p0 $0x1;
	p0 =	slt.u32 @!p0 s1, $0x8  }
0x1f: {  	s3 =	sshrl.u32 s3, $0x1;
	[smem:$0x7F0] =	sst s4;
	s4 =	simm.s32 @!p0 $0x0  }
0x20: {  	s3 =	sand.u32 $0xFFF0, s3;
	s8 =	sld [smem:$0x7F5];
	s4 =	simm.s32 @p0 $0x1  }
0x21: {  	s30 =	sadd.s32 $0x17200, s10;
	s3 =	sadd.s32 s3, s6;
	[smem:$0x7F2] =	sst s4  }
0x22: {  	s13 =	smax.u32 s0, $0x1;
	s11 =	sadd.s32 $0x3600, s3;
	s22 =	sld [smem:$0x7F2]  }
0x23: {  	s14 =	sadd.s32 $0x3, s1;
	s7 =	sadd.s32 s9, s26;
	s25 =	sld [smem:$0x7F4]  }
0x24: {  	s26 =	simm.s32 $0x0;
	s7 =	sshrl.u32 s7, $0x3;
	p3 =	slt.s32 @!p2 s1, $0x0  }
0x25: {  	p0 =	por p2, p3;
	s4 =	simm.s32 @!p5 $0x0;
	p2 =	seq.s32 s22, $0x1  }
0x26: {  	p3 =	seq.s32 s25, $0x1;
	s4 =	simm.s32 @p5 $0x1;
	p2 =	por @!p5 p2, p1  }
0x27: {  	p5 =	sgt.s32 s1, $0x0;
	p1 =	por @!p4 p2, p3;
	p2 =	seq.s32 s8, $0x1  }
0x28: {  	s12 =	sadd.s32 s7, s6;
	p4 =	por @!p6 p1, p2;
	p1 =	slt.u32 @p5 s1, $0x2  }
0x29: {  	s6 =	sshll.u32 s5, $0x6;
	p2 =	por !p5, p1;
	p1 =	slt.s32 @!p0 s1, $0x4  }
0x2a: {  	s7 =	sadd.s32 $0x1C200, s10;
	s2 =	rddreg [dreg:$0x1];
	p1 =	por p1, p0  }
0x2b: {  	s10 =	sadd.s32 $0xD400, s3;
	[smem:$0x7F1] =	sst s4;
	s0 =	simm.s32 @!p1 $0x0  }
0x2c: {  	s4 =	rddreg [dreg:$0x2];
	_ =	strace $0x8000004A;
	s0 =	simm.s32 @p1 $0x1  }
0x2d: {  	p1 =	sne.s32 @!p0 s24, s23;
	[smem:$0x7F6] =	sst s0;
	s0 =	simm.s32 @!p0 $0x0  }
0x2e: {  	s5 =	sor.u32 $0x1C01, s6;
	s0 =	simm.s32 @p0 $0x1;
	p0 =	por p0, !p1  }
0x2f: {  	s12 =	sadd.s32 $0x21200, s12;
	[smem:$0x7F7] =	sst s0;
	s0 =	simm.s32 @!p0 $0x0  }
0x30: {  	s16 =	sor.u32 $0x1C02, s6;
	s20 =	simm.s32 $0x2;
	s0 =	simm.s32 @p0 $0x1  }
0x31: {  	s15 =	sadd.s32 s9, s2;
	[smem:$0x7F8] =	sst s0;
	s0 =	simm.s32 @!p6 $0x0  }
0x32: {  	s15 =	sshrl.u32 s15, $0x3;
	p0 =	por p4, p6;
	s0 =	simm.s32 @p6 $0x1  }
0x33: {  	s21 =	simm.s32 $0x3;
	[smem:$0x7F9] =	sst s0;
	s0 =	simm.s32 @!p0 $0x0  }
0x34: {  	s25 =	simm.s32 $0x11;
	s17 =	sadd.s32 s9, s4;
	s0 =	simm.s32 @p0 $0x1  }
0x35: {  	p3 =	slt.u32 @!p2 s1, $0x3;
	[smem:$0x7FA] =	sst s0;
	s0 =	simm.s32 @!p5 $0x0  }
0x36: {  	[dreg:$0x4] =	wrdreg s5;
	p3 =	por p2, p3;
	s0 =	simm.s32 @p5 $0x1  }
.Ltmp0:
0x37: {  	[smem:$0x7FB] =	sst s0;
	s0 =	simm.s32 @!p3 $0x0;
	(pc) =	sbr.rel .LBB2_1-.Ltmp0, $4  }
0x38: {  	[dreg:$0x5] =	wrdreg s7;
	p6 =	slt.s32 s1, $0xFFFFFFFD;
	s0 =	simm.s32 @p3 $0x1  }
0x39: {  	s17 =	sshrl.u32 s17, $0x3;
	[smem:$0x7FC] =	sst s0;
	s0 =	simm.s32 @!p6 $0x0  }
0x3a: {  	s22 =	simm.s32 $0x4;
	s8 =	simm.s32 $0x2780;
	s0 =	simm.s32 @p6 $0x1  }
0x3b: {  	s24 =	simm.s32 $0x80;
	p1 =	slt.s32 s1, $0x1;
	[smem:$0x7FD] =	sst s0  }
.LBB2_12:
0x3c: {  	s26 =	sadd.s32 $0x1, s26  }
0x3d: {  	p0 =	sne.s32 s26, s13  }
.Ltmp1:
0x3e: {  	[bflag:$0x0] =	sbarrier.arrive $0xFFFF;
	s0 =	sor.u32 $0x1C11, s6;
	(pc) =	sbr.rel @!p0 .LBB2_13-.Ltmp1, $4  }
0x3f: {  	[hbm:s12], [sflag:s0] =	dma.local [spmem:s15], $0x500  }
0x40: {  	_ =	swait.ge [sflag:s25], $0x500  }
0x41: {  	[sflag:s25] =	ssyncset.done $0x0  }
0x42: {  	[sflag:s25] =	ssyncadd.s32 $0xFFFFFB00  }
.LBB2_1:
0x43: {  	[spmem:s15], [sflag:s5] =	dma.local [hbm:s30], $0x500  }
0x44: {  	[spmem:s17], [sflag:s16] =	dma.local [hbm:s7], $0x500  }
0x45: {  	[tilespmem:s31], [sflag:$0x3] =	stream.linear.gather [hbm4b:s10+s31], $0x2780, $0x38;
	[tilespmem:$0xDF00] =	vst v63  }
0x46: {  	_ = 	snop  }
0x47: {  	[tilespmem:s8], [sflag:$0x4] =	stream.linear.gather [hbm4b:s11+s31], $0x2780, $0x38;
	[tilespmem:$0xDF00] =	vst v63  }
0x48: {  	_ =	swait.ge [sflag:s19], $0x500  }
0x49: {  	[sflag:s19] =	ssyncset.done $0x0  }
0x4a: {  	[sflag:s19] =	ssyncadd.s32 $0xFFFFFB00  }
0x4b: {  	_ =	swait.ge [sflag:s20], $0x500  }
0x4c: {  	[sflag:s20] =	ssyncset.done $0x0  }
0x4d: {  	[sflag:s20] =	ssyncadd.s32 $0xFFFFFB00  }
0x4e: {  	_ =	swait.ge [sflag:s21], $0x2780  }
0x4f: {  	[sflag:s21] =	ssyncset.done $0x0  }
0x50: {  	[sflag:s21] =	ssyncadd.s32 $0xFFFFD880  }
.Ltmp2:
0x51: {  	_ =	swait.ge [sflag:s22], $0x2780;
	(pc) =	sbr.rel @p6 .LBB2_12-.Ltmp2, $3  }
0x52: {  	[sflag:s22] =	ssyncset.done $0x0  }
0x53: {  	[sflag:s22] =	ssyncadd.s32 $0xFFFFD880  }
0x54: {  	[bflag:$0x0] =	sbarrier.arrive $0xFFFF;
	_ =	sdelay $0x1  }
0x55: {  	s0 =	simm.s32 @!p1 $0x80;
	s3 =	simm.s32 @!p1 $0x0;
	s18 =	simm.s32 @!p1 $0x4F00  }
0x56: {  	[tilespmem:s18], [sflag:$0x1] =	stream.indirect.gather @!p1 [spmem:s4], $0x10, s3, s0, $0xb8;
	[tilespmem:$0xDF00] =	vst v63  }
0x57: {  	s18 =	sld [smem:$0x7ED];
	_ =	sdelay $0x2  }
0x58: {  	s23 =	sld [smem:$0x7EF];
	p0 =	seq.s32 s18, $0x1  }
0x59: {  	s0 =	simm.s32 @!p0 $0x80;
	s3 =	simm.s32 @!p0 $0x5700  }
0x5a: {  	[tilespmem:s3], [sflag:$0x2] =	stream.indirect.gather @!p0 [spmem:s4], $0x10, s0, s0, $0xb8;
	[tilespmem:$0xDF00] =	vst v63  }
0x5b: {  	s28 =	sld [smem:$0x7F6];
	p0 =	seq.s32 s23, $0x1  }
0x5c: {  	s0 =	simm.s32 @!p0 $0x80;
	s3 =	simm.s32 @!p0 $0x100;
	s18 =	simm.s32 @!p0 $0x5F00  }
0x5d: {  	[tilespmem:s18], [sflag:$0x3] =	stream.indirect.gather @!p0 [spmem:s4], $0x10, s3, s0, $0xb8;
	[tilespmem:$0xDF00] =	vst v63  }
0x5e: {  	s29 =	sld [smem:$0x7F8];
	p0 =	seq.s32 s28, $0x1  }
0x5f: {  	s0 =	simm.s32 @!p0 $0x80;
	s3 =	simm.s32 @!p0 $0x180;
	s18 =	simm.s32 @!p0 $0x6700  }
0x60: {  	[tilespmem:s18], [sflag:$0x4] =	stream.indirect.gather @!p0 [spmem:s4], $0x10, s3, s0, $0xb8;
	[tilespmem:$0xDF00] =	vst v63  }
0x61: {  	p0 =	seq.s32 s29, $0x1  }
.Ltmp3:
0x62: {  	_ = 	snop;
	(pc) =	sbr.rel @p0 .LBB2_10-.Ltmp3, $1  }
0x63: {  	_ =	sdelay $0x3  }
0x64: {  	s0 =	sld [smem:$0x7F7];
	p4 =	sgt.s32 s14, $0x4  }
.Ltmp4:
0x65: {  	_ = 	snop;
	(pc) =	sbr.rel @!p4 .LBB2_4-.Ltmp4, $4  }
0x66: {  	_ = 	snop  }
0x67: {  	s9 =	smov.u32 s30;
	p3 =	sle.s32 s1, $0x4;
	p0 =	seq.s32 s0, $0x1  }
0x68: {  	s30 =	simm.s32 $0x5;
	s3 =	simm.s32 @!p0 $0x4;
	s28 =	simm.s32 @!p0 $0x2780  }
0x69: {  	s29 =	simm.s32 @!p0 $0x200;
	p0 =	por p3, p3;
	p3 =	por $0x0, $0x0  }
0x6a: {  	p3 =	por @!p0 $0x1, $0x1  }
0x6b: {  	s0 =	sand.u32 $0x7, s3;
	p4 =	por p3, p0  }
0x6c: {  	p6 =	sle.s32 s1, $0x5;
	s31 =	simm.s32 @!p0 $0x80;
	s3 =	sadd.s32 @!p4 $0x9, s0  }
0x6d: {  	s18 =	sxor.u32 $0x4, s0;
	s23 =	sshll.u32 @!p0 s0, $0xB;
	_ =	swait.ge @!p4 [sflag:s3], $0x800  }
0x6e: {  	p3 =	por $0x1, $0x1;
	s23 =	sadd.s32 @!p0 $0x4F00, s23;
	[sflag:s3] =	ssyncset.done @!p4 $0x0  }
0x6f: {  	s0 =	sadd.s32 @!p0 $0x1, s0;
	[sflag:s3] =	ssyncadd.s32 @!p4 $0xFFFFF800;
	p4 =	sgt.s32 s14, $0x5  }
.Ltmp5:
0x70: {  	s5 =	sadd.s32 $0x1, s18;
	s3 =	simm.s32 $0x6;
	(pc) =	sbr.rel @!p4 .LBB2_6-.Ltmp5, $4  }
0x71: {  	[tilespmem:s23], [sflag:s0] =	stream.indirect.gather @!p0 [spmem:s4], $0x10, s29, s31, $0xb8;
	[tilespmem:$0xDF00] =	vst v63  }
0x72: {  	s23 =	sshll.u32 s18, $0xB;
	p0 =	por p6, p6;
	_ =	swait.ge [sflag:s5], $0x800  }
0x73: {  	s31 =	simm.s32 $0x2800;
	s29 =	simm.s32 $0x280;
	[sflag:s5] =	ssyncset.done $0x0  }
0x74: {  	s0 =	sadd.s32 $0x4F00, s23;
	s23 =	sadd.s32 $0x9, s18;
	[sflag:s5] =	ssyncadd.s32 $0xFFFFF800  }
.LBB2_7:
0x75: {  	[spmem:s2] =	stream.indirect.scatter.add.f32 [tilespmem:s0], [sflag:s23], $0x10, s28, s24, $0xb8;
	[tilespmem:$0xDF00] =	vst v63  }
0x76: {  	s0 =	smov.u32 s3;
	s28 =	smov.u32 s31;
	s5 =	sadd.s32 $0x1, s3  }
0x77: {  	p6 =	slt.u32 @!p0 s30, $0x8;
	p5 =	slt.s32 s3, s14;
	p4 =	sge.s32 s0, s1  }
0x78: {  	s3 =	sand.u32 $0x7, s30;
	s7 =	simm.s32 @!p0 $0x80;
	p6 =	por p6, p0  }
0x79: {  	s18 =	sxor.u32 $0x4, s3;
	s30 =	sshll.u32 @!p0 s3, $0xB;
	s23 =	sadd.s32 @!p6 $0x9, s3  }
0x7a: {  	s30 =	sadd.s32 @!p0 $0x4F00, s30;
	s3 =	sadd.s32 @!p0 $0x1, s3;
	_ =	swait.ge @!p6 [sflag:s23], $0x800  }
0x7b: {  	s31 =	sadd.s32 $0x80, s31;
	s8 =	sshll.u32 s18, $0xB;
	[sflag:s23] =	ssyncset.done @!p6 $0x0  }
.Ltmp6:
0x7c: {  	[sflag:s23] =	ssyncadd.s32 @!p6 $0xFFFFF800;
	s23 =	sadd.s32 $0x1, s18;
	(pc) =	sbr.rel @p5 .LBB2_7-.Ltmp6, $4  }
0x7d: {  	[tilespmem:s30], [sflag:s3] =	stream.indirect.gather @!p0 [spmem:s4], $0x10, s29, s7, $0xb8;
	[tilespmem:$0xDF00] =	vst v63  }
0x7e: {  	s30 =	smov.u32 s0;
	p0 =	por p4, p4;
	_ =	swait.ge [sflag:s23], $0x800  }
0x7f: {  	s29 =	sadd.s32 $0x80, s29;
	s0 =	sadd.s32 $0x4F00, s8;
	[sflag:s23] =	ssyncset.done $0x0  }
0x80: {  	s3 =	smov.u32 s5;
	[sflag:s23] =	ssyncadd.s32 $0xFFFFF800;
	s23 =	sadd.s32 $0x9, s18  }
0x81: {  	s5 =	sld [smem:$0x7FB]  }
0x82: {  	s3 =	smov.u32 s30;
	s30 =	smov.u32 s9;
	s9 =	sld [smem:$0x7FD]  }
0x83: {  	_ = 	snop  }
0x84: {  	s18 =	smov.u32 s28;
	s28 =	smov.u32 s31  }
0x85: {  	s31 =	simm.s32 $0x0;
	p5 =	seq.s32 s5, $0x1;
	p6 =	seq.s32 s9, $0x1  }
.LBB2_9:
0x86: {  	[spmem:s2] =	stream.indirect.scatter.add.f32 @p3 [tilespmem:s0], [sflag:s23], $0x10, s18, s24, $0xb8;
	[tilespmem:$0xDF00] =	vst v63  }
0x87: {  	p3 =	slt.u32 @!p0 s3, $0x8  }
0x88: {  	s0 =	sand.u32 $0x7, s3;
	p3 =	por p3, p0  }
0x89: {  	s3 =	sadd.s32 @!p3 $0x9, s0  }
0x8a: {  	s8 =	simm.s32 @!p0 $0x80;
	s7 =	sshll.u32 @!p0 s0, $0xB;
	_ =	swait.ge @!p3 [sflag:s3], $0x800  }
0x8b: {  	s5 =	sxor.u32 $0x4, s0;
	s7 =	sadd.s32 @!p0 $0x4F00, s7;
	[sflag:s3] =	ssyncset.done @!p3 $0x0  }
0x8c: {  	s0 =	sadd.s32 @!p0 $0x1, s0;
	s9 =	sadd.s32 $0x1, s5;
	[sflag:s3] =	ssyncadd.s32 @!p3 $0xFFFFF800  }
0x8d: {  	[tilespmem:s7], [sflag:s0] =	stream.indirect.gather @!p0 [spmem:s4], $0x10, s29, s8, $0xb8;
	[tilespmem:$0xDF00] =	vst v63  }
0x8e: {  	s18 =	sshll.u32 s5, $0xB;
	_ =	swait.ge [sflag:s9], $0x800  }
0x8f: {  	s23 =	sadd.s32 $0x9, s5;
	[sflag:s9] =	ssyncset.done $0x0;
	s29 =	sld [smem:$0x7FC]  }
0x90: {  	s0 =	sadd.s32 $0x4F00, s18;
	s5 =	rddreg [dreg:$0x4];
	[sflag:s9] =	ssyncadd.s32 $0xFFFFF800  }
0x91: {  	[spmem:s2] =	stream.indirect.scatter.add.f32 [tilespmem:s0], [sflag:s23], $0x10, s28, s24, $0xb8;
	[tilespmem:$0xDF00] =	vst v63  }
0x92: {  	s8 =	simm.s32 $0x2780;
	s7 =	rddreg [dreg:$0x5];
	p3 =	seq.s32 s29, $0x1  }
.LBB2_10:
0x93: {  	s0 =	simm.s32 @p5 $0x9  }
0x94: {  	_ =	swait.ge @p5 [sflag:s0], $0x800  }
.Ltmp7:
0x95: {  	[sflag:s0] =	ssyncset.done @p5 $0x0;
	(pc) =	sbr.rel @p3 .LBB2_12-.Ltmp7, $4  }
0x96: {  	[sflag:s0] =	ssyncadd.s32 @p5 $0xFFFFF800;
	s0 =	simm.s32 @!p2 $0xA  }
0x97: {  	_ =	swait.ge @!p2 [sflag:s0], $0x800  }
0x98: {  	[sflag:s0] =	ssyncset.done @!p2 $0x0  }
0x99: {  	[sflag:s0] =	ssyncadd.s32 @!p2 $0xFFFFF800  }
0x9a: {  	s0 =	simm.s32 $0xB  }
0x9b: {  	_ =	swait.ge [sflag:s0], $0x800  }
0x9c: {  	s9 =	sld [smem:$0x7F9];
	_ =	sdelay $0x2  }
0x9d: {  	[sflag:s0] =	ssyncset.done $0x0;
	p0 =	seq.s32 s9, $0x1  }
0x9e: {  	[sflag:s0] =	ssyncadd.s32 $0xFFFFF800;
	s0 =	simm.s32 @!p0 $0xC  }
0x9f: {  	_ =	swait.ge @!p0 [sflag:s0], $0x800  }
0xa0: {  	s18 =	sld [smem:$0x7F3];
	_ =	sdelay $0x1  }
0xa1: {  	[sflag:s0] =	ssyncset.done @!p0 $0x0  }
0xa2: {  	[sflag:s0] =	ssyncadd.s32 @!p0 $0xFFFFF800;
	p0 =	seq.s32 s18, $0x1  }
0xa3: {  	s0 =	simm.s32 @!p0 $0xD  }
0xa4: {  	_ =	swait.ge @!p0 [sflag:s0], $0x800  }
0xa5: {  	s23 =	sld [smem:$0x7F1];
	_ =	sdelay $0x1  }
0xa6: {  	[sflag:s0] =	ssyncset.done @!p0 $0x0  }
0xa7: {  	[sflag:s0] =	ssyncadd.s32 @!p0 $0xFFFFF800;
	p0 =	seq.s32 s23, $0x1  }
0xa8: {  	s0 =	simm.s32 @!p0 $0xE  }
0xa9: {  	_ =	swait.ge @!p0 [sflag:s0], $0x800  }
0xaa: {  	s28 =	sld [smem:$0x7F0];
	_ =	sdelay $0x1  }
0xab: {  	[sflag:s0] =	ssyncset.done @!p0 $0x0  }
0xac: {  	[sflag:s0] =	ssyncadd.s32 @!p0 $0xFFFFF800;
	p0 =	seq.s32 s28, $0x1  }
0xad: {  	s0 =	simm.s32 @!p0 $0xF  }
0xae: {  	_ =	swait.ge @!p0 [sflag:s0], $0x800  }
0xaf: {  	s29 =	sld [smem:$0x7FA];
	_ =	sdelay $0x1  }
0xb0: {  	[sflag:s0] =	ssyncset.done @!p0 $0x0  }
.Ltmp8:
0xb1: {  	[sflag:s0] =	ssyncadd.s32 @!p0 $0xFFFFF800;
	p0 =	seq.s32 s29, $0x1;
	(pc) =	sbr.rel .LBB2_12-.Ltmp8, $4  }
0xb2: {  	s0 =	simm.s32 @!p0 $0x10  }
0xb3: {  	_ =	swait.ge @!p0 [sflag:s0], $0x800  }
0xb4: {  	[sflag:s0] =	ssyncset.done @!p0 $0x0  }
0xb5: {  	[sflag:s0] =	ssyncadd.s32 @!p0 $0xFFFFF800  }
.LBB2_4:
.Ltmp9:
0xb6: {  	(pc) =	sbr.rel .LBB2_9-.Ltmp9, $2  }
0xb7: {  	_ =	sdelay $0x2  }
0xb8: {  	s30 =	smov.u32 s9  }
.LBB2_6:
0xb9: {  	s3 =	sld [smem:$0x7F7]  }
.Ltmp10:
0xba: {  	s5 =	sld [smem:$0x7FB];
	(pc) =	sbr.rel .LBB2_9-.Ltmp10, $4  }
0xbb: {  	s30 =	smov.u32 s9;
	s9 =	sld [smem:$0x7FD]  }
0xbc: {  	s28 =	simm.s32 $0x2800  }
0xbd: {  	s31 =	simm.s32 $0x0;
	p4 =	seq.s32 s3, $0x1;
	s3 =	simm.s32 $0x5  }
0xbe: {  	p5 =	seq.s32 s5, $0x1;
	p6 =	seq.s32 s9, $0x1;
	s18 =	simm.s32 @!p4 $0x2780  }
.LBB2_13:
0xbf: {  	_ =	sfence.sel $0x180000  }
0xc0: {  	[bflag:$0x0] =	sbarrier.arrive $0xFFFF  }
0xc1: {  	_ =	strace $0x9000004A  }
0xc2: {  	s0 =	stileid.u32;
	[bflag:$0x2] =	sbarrier.arrive $0xFFFF  }
0xc3: {  	p0 =	sne.s32 s0, $0x0;
	s0 =	rddreg [dreg:$0x3]  }
0xc4: {  	s0 =	sadd.s32 @!p0 $0x100000, s0  }
0xc5: {  	[sflag:s0] =	ssyncadd.tile.s32 @!p0 $0x1;
	_ =	shalt  }
.Lfunc_end2:
_tile_overlayer_lowered:
.L_overlay_start_2:
0xc6: {  	(tag) =	ssettag $0x2  }
0xc7: {  	s0 =	rddreg [dreg:$0x0];
	s2 =	stileid.u32  }
0xc8: {  	s1 =	rddreg [dreg:$0x1];
	p0 =	sne.s32 s2, $0x0  }
0xc9: {  	s3 =	rddreg [dreg:$0x2];
	[bflag:$0x3] =	sbarrier.arrive $0xFFFF;
	s2 =	simm.s32 @!p0 $0x1C11  }
0xca: {  	[timem:s3], [sflag:s2] =	dma.local @!p0 [hbm:s0], s1  }
0xcb: {  	s0 =	simm.s32 @!p0 $0x11  }
0xcc: {  	_ =	swait.ge @!p0 [sflag:s0], s1  }
0xcd: {  	s1 =	ssub.s32 @!p0 $0x0, s1;
	[sflag:s0] =	ssyncset.done @!p0 $0x0  }
0xce: {  	[sflag:s0] =	ssyncadd.s32 @!p0 s1  }
0xcf: {  	[bflag:$0x3] =	sbarrier.arrive $0xFFFF  }
0xd0: {  	_ =	shalt  }

// kernel: kernel.16.cloned.1.call-start
scs
__scs_entry_jumppad:
0x0: {  	(pc) =	sbr.rel $0x88, $3  }
0x1: {  	(tag) =	ssettag $0x0;
	lr =	simm.s32 $0x1  }
0x2: {  	[smem:$0x3F93] =	sst lr;
	_ =	strace $0xD0000000  }
0x3: {  	_ = 	snop  }
0x4: {  	_ = 	snop  }
0x5: {  	_ = 	snop  }
0x6: {  	_ = 	snop  }
0x7: {  	_ = 	snop  }
__scs_overlays_trampoline_lowered:
0x8: {  	[smem:$0x3FA2] =	sst s0  }
0x9: {  	[smem:$0x3FA3] =	sst s1  }
0xa: {  	[smem:$0x3FA4] =	sst s2  }
0xb: {  	[smem:$0x3FA5] =	sst s3  }
0xc: {  	[smem:$0x3FA6] =	sst s4  }
0xd: {  	[smem:$0x3FA7] =	sst s5  }
0xe: {  	[smem:$0x3FA8] =	sst s6  }
0xf: {  	[smem:$0x3FA9] =	sst s7  }
0x10: {  	[smem:$0x3FAA] =	sst s8  }
0x11: {  	[smem:$0x3FAB] =	sst s9;
	s0 =	simm.s32 @!p0 $0x0  }
0x12: {  	s1 =	sld [smem:$0x3F91];
	s0 =	simm.s32 @p0 $0x1  }
0x13: {  	[smem:$0x3FAC] =	sst s0;
	s0 =	simm.s32 @!p1 $0x0  }
0x14: {  	s2 =	sld [smem:$0x3F90];
	s0 =	simm.s32 @p1 $0x1  }
0x15: {  	[smem:$0x3FAD] =	sst s0;
	s0 =	simm.s32 @!p2 $0x0  }
0x16: {  	s3 =	sld [smem:$0x3FDB];
	s0 =	simm.s32 @p2 $0x1  }
0x17: {  	s4 =	simm.s32 $0x1BF5;
	[smem:$0x3FAF] =	sst s0  }
0x18: {  	s0 =	sld [smem:$0x3F92];
	_ =	swait.ge [sflag:s4], $0x0  }
0x19: {  	s7 =	sld [smem:$0x3F93]  }
0x1a: {  	s8 =	sadd.s32 $0xFFFFE003, lr  }
0x1b: {  	s9 =	sadd.s32 $0xFFFFFEF7, lr;
	s5 =	simm.s32 $0xFFFFFFFF;
	p2 =	slt.u32 s8, $0xFFFFF086  }
0x1c: {  	p1 =	slt.u32 s9, $0xF7A;
	s5 =	simm.s32 @!p2 $0x0  }
0x1d: {  	s5 =	simm.s32 @p1 $0x1;
	p0 =	seq.s32 s7, s2  }
0x1e: {  	s7 =	smul.u32 @!p0 $0xF7A, s2;
	p2 =	seq.s32 @!p0 s5, $0x0  }
0x1f: {  	s9 =	smul.u32 $0xF7A, s1;
	s8 =	simm.s32 @!p0 $0x1BF5;
	p2 =	por !p2, p0  }
0x20: {  	[sflag:s8] =	ssyncset.s32 @!p0 $0xFFFFF086;
	s6 =	sadd.s32 @!p0 s3, s7;
	s7 =	simm.s32 @!p0 $0x108  }
0x21: {  	s3 =	sadd.s32 s3, s9;
	s6 =	sadd.s32 @!p0 $0x88, s6;
	s7 =	simm.s32 @p2 $0x1082  }
0x22: {  	[simem:s7], [sflag:s8] =	dma.local @!p0 [hbm:s6], $0xF7A  }
0x23: {  	s9 =	sor.u32 $0xD0000000, s2;
	s6 =	simm.s32 $0x108;
	_ =	swait.ge @!p0 [sflag:s8], $0x0  }
0x24: {  	s3 =	sadd.s32 $0x88, s3;
	s6 =	simm.s32 @!p1 $0x1082;
	[sflag:s4] =	ssyncset.s32 $0xFFFFF086  }
0x25: {  	[simem:s6], [sflag:s4] =	dma.local [hbm:s3], $0xF7A  }
0x26: {  	[smem:$0x3F93] =	sst s1;
	(tag) =	ssettag s2;
	_ =	strace s9  }
0x27: {  	s1 =	sld [smem:$0x3FA3]  }
0x28: {  	s2 =	sld [smem:$0x3FA4]  }
0x29: {  	s4 =	sld [smem:$0x3FA6]  }
0x2a: {  	p0 =	seq.s32 s5, $0x0;
	s5 =	sld [smem:$0x3FA7]  }
0x2b: {  	s6 =	sld [smem:$0x3FA8]  }
0x2c: {  	s7 =	sld [smem:$0x3FA9]  }
0x2d: {  	s3 =	simm.s32 $0x108;
	s8 =	sld [smem:$0x3FAA]  }
0x2e: {  	s3 =	simm.s32 @!p0 $0x1082;
	s9 =	sld [smem:$0x3FAB]  }
0x2f: {  	lr =	sadd.s32 s0, s3;
	s0 =	sld [smem:$0x3FA2]  }
0x30: {  	s3 =	sld [smem:$0x3FA5]  }
0x31: {  	[smem:$0x3FAE] =	sst s10  }
0x32: {  	s10 =	sld [smem:$0x3FAC];
	_ =	sdelay $0x3  }
0x33: {  	p0 =	seq.s32 s10, $0x1;
	s10 =	sld [smem:$0x3FAE];
	_ =	sdelay $0x3  }
0x34: {  	[smem:$0x3FAE] =	sst s10  }
0x35: {  	s10 =	sld [smem:$0x3FAD];
	_ =	sdelay $0x3  }
0x36: {  	p1 =	seq.s32 s10, $0x1;
	s10 =	sld [smem:$0x3FAE];
	_ =	sdelay $0x3  }
0x37: {  	[smem:$0x3FAE] =	sst s10  }
0x38: {  	s10 =	sld [smem:$0x3FAF]  }
0x39: {  	_ = 	snop;
	(pc) =	sbr.ind lr, $3  }
0x3a: {  	_ = 	snop  }
0x3b: {  	_ = 	snop  }
0x3c: {  	p2 =	seq.s32 s10, $0x1;
	s10 =	sld [smem:$0x3FAE]  }
0x3d: {  	_ =	shalt  }
0x3e: {  	_ =	shalt  }
0x3f: {  	_ =	shalt  }
0x40: {  	_ =	shalt  }
0x41: {  	_ =	shalt  }
0x42: {  	_ =	shalt  }
0x43: {  	_ =	shalt  }
0x44: {  	_ =	shalt  }
0x45: {  	_ =	shalt  }
0x46: {  	_ =	shalt  }
0x47: {  	_ =	shalt  }
0x48: {  	_ =	shalt  }
0x49: {  	_ =	shalt  }
0x4a: {  	_ =	shalt  }
0x4b: {  	_ =	shalt  }
0x4c: {  	_ =	shalt  }
0x4d: {  	_ =	shalt  }
0x4e: {  	_ =	shalt  }
0x4f: {  	_ =	shalt  }
0x50: {  	_ =	shalt  }
0x51: {  	_ =	shalt  }
0x52: {  	_ =	shalt  }
0x53: {  	_ =	shalt  }
0x54: {  	_ =	shalt  }
0x55: {  	_ =	shalt  }
0x56: {  	_ =	shalt  }
0x57: {  	_ =	shalt  }
0x58: {  	_ =	shalt  }
0x59: {  	_ =	shalt  }
0x5a: {  	_ =	shalt  }
0x5b: {  	_ =	shalt  }
0x5c: {  	_ =	shalt  }
0x5d: {  	_ =	shalt  }
0x5e: {  	_ =	shalt  }
0x5f: {  	_ =	shalt  }
0x60: {  	_ =	shalt  }
0x61: {  	_ =	shalt  }
0x62: {  	_ =	shalt  }
0x63: {  	_ =	shalt  }
0x64: {  	_ =	shalt  }
0x65: {  	_ =	shalt  }
0x66: {  	_ =	shalt  }
0x67: {  	_ =	shalt  }
0x68: {  	_ =	shalt  }
0x69: {  	_ =	shalt  }
0x6a: {  	_ =	shalt  }
0x6b: {  	_ =	shalt  }
0x6c: {  	_ =	shalt  }
0x6d: {  	_ =	shalt  }
0x6e: {  	_ =	shalt  }
0x6f: {  	_ =	shalt  }
0x70: {  	_ =	shalt  }
0x71: {  	_ =	shalt  }
0x72: {  	_ =	shalt  }
0x73: {  	_ =	shalt  }
0x74: {  	_ =	shalt  }
0x75: {  	_ =	shalt  }
0x76: {  	_ =	shalt  }
0x77: {  	_ =	shalt  }
0x78: {  	_ =	shalt  }
0x79: {  	_ =	shalt  }
0x7a: {  	_ =	shalt  }
0x7b: {  	_ =	shalt  }
0x7c: {  	_ =	shalt  }
0x7d: {  	_ =	shalt  }
0x7e: {  	_ =	shalt  }
0x7f: {  	_ =	shalt  }
0x80: {  	_ =	shalt  }
0x81: {  	_ =	shalt  }
0x82: {  	_ =	shalt  }
0x83: {  	_ =	shalt  }
0x84: {  	_ =	shalt  }
0x85: {  	_ =	shalt  }
0x86: {  	_ =	shalt  }
0x87: {  	_ =	shalt  }
.Lfunc_end0:
.L_simem_size_0:
called_computation.2_lowered:
.L_overlay_start_0:
0x88: {  	s2 =	sld [smem:$0x3FD9]  }
0x89: {  	s3 =	sld [smem:$0x3FFE];
	_ =	sdelay $0x1  }
0x8a: {  	s1 =	srdreg.scid  }
0x8b: {  	s0 =	sand.u32 $0x1, s1  }
0x8c: {  	s16 =	sshll.u32 s0, $0xA;
	s2 =	sadd.s32 s3, s2  }
0x8d: {  	s2 =	sadd.s32 s2, s16  }
0x8e: {  	[smem:$0x3FBA] =	sst s2  }
0x8f: {  	_ = 	snop  }
0x90: {  	(tm) =	ssettm $0x1  }
0x91: {  	s17 =	sld [smem:$0x3FFB];
	_ =	sdelay $0x3  }
0x92: {  	_ =	strace s17  }
0x93: {  	s2 =	sld [smem:$0x3FFC];
	_ =	sdelay $0x3  }
0x94: {  	_ =	strace s2  }
0x95: {  	s2 =	sld [smem:$0x3FFD];
	_ =	sdelay $0x3  }
0x96: {  	_ =	strace s2  }
0x97: {  	_ =	strace $0x8FFFFFFF  }
0x98: {  	s18 =	sld [smem:$0x3FDB];
	_ =	sdelay $0x1  }
0x99: {  	s19 =	simm.s32 $_scs_section_size  }
0x9a: {  	s4 =	simm.s32 $_size__tile_overlayer_lowered;
	s5 =	simm.s32 $_tile_overlayer_lowered  }
0x9b: {  	s22 =	simm.s32 $0x1BFF;
	s21 =	sshll.u32 s5, $0x1;
	s2 =	sadd.s32 s19, s18  }
0x9c: {  	s6 =	simm.s32 $0x0;
	s20 =	sshll.u32 s4, $0x1;
	s4 =	sadd.s32 s21, s2  }
0x9d: {  	[timem:s6], [sflag:s22] =	dma.local [hbm:s4], s20  }
0x9e: {  	_ =	swait.ge [sflag:s22], s20  }
0x9f: {  	s3 =	ssub.s32 $0x0, s20;
	[sflag:s22] =	ssyncset.done $0x0  }
0xa0: {  	[sflag:s22] =	ssyncadd.s32 s3;
	_ =	sdelay $0x1  }
0xa1: {  	s23 =	simm.s32 $0x1B8B  }
0xa2: {  	_ =	swait.ge [sflag:s23], $0x1  }
0xa3: {  	[sflag:s23] =	ssyncset.done $0x0  }
0xa4: {  	s25 =	simm.s32 $0x1B8E;
	s24 =	sld [smem:$0x3FFE];
	[sflag:s23] =	ssyncadd.s32 $0xFFFFFFFF  }
0xa5: {  	s26 =	simm.s32 $execute0_lowered;
	[smem:$0x3FD2] =	sst s25  }
0xa6: {  	s4 =	sshll.u32 s26, $0x1;
	_ =	strace $0x8000004C;
	[dreg:$0x1] =	wrdreg $0xFFFFFFFF  }
0xa7: {  	s28 =	simm.s32 $_size_execute0_lowered;
	s2 =	sadd.s32 s2, s4;
	[dreg:$0x0] =	wrdreg $0x0  }
0xa8: {  	s4 =	sshll.u32 s28, $0x1;
	[dreg:$0x2] =	wrdreg s2  }
0xa9: {  	[dreg:$0x3] =	wrdreg s4  }
0xaa: {  	[dreg:$0x4] =	wrdreg $0xC0  }
0xab: {  	_ =	task [dreg:s6], $0x5FFFF  }
0xac: {  	[dreg:$0x1] =	wrdreg $0xFFFFFFFF  }
0xad: {  	[dreg:$0x0] =	wrdreg $0x60  }
0xae: {  	[dreg:$0x2] =	wrdreg s24  }
0xaf: {  	[dreg:$0x3] =	wrdreg $0xB7000  }
0xb0: {  	[dreg:$0x4] =	wrdreg $0x8F000  }
0xb1: {  	[dreg:$0x5] =	wrdreg $0x9  }
0xb2: {  	_ =	task.clear_ibuf [dreg:s6], $0x6FFFF;
	_ =	strace $0x9000004C  }
0xb3: {  	s29 =	simm.s32 $0x9;
	_ =	strace $0x8000004E  }
0xb4: {  	_ =	swait.ge [sflag:s29], $0x1  }
0xb5: {  	[sflag:s29] =	ssyncadd.s32 $0xFFFFFFFF  }
0xb6: {  	_ =	strace $0x9000004E  }
0xb7: {  	_ =	sfence  }
0xb8: {  	s30 =	sld [smem:$0x0];
	_ =	sdelay $0x2  }
0xb9: {  	s31 =	sshll.u32 s1, $0xD;
	s1 =	sshrl.u32 s1, $0x2  }
0xba: {  	s3 =	sand.u32 $0x4000, s31;
	s1 =	sadd.s32 s1, s30  }
0xbb: {  	s0 =	sor.u32 s3, s0;
	s1 =	sshll.u32 s1, $0x11  }
0xbc: {  	s0 =	sor.u32 s1, s0  }
0xbd: {  	s0 =	sadd.s32 $0x8F2B, s0  }
0xbe: {  	[sflag:s0] =	ssyncadd.remote.s32 $0x1  }
0xbf: {  	_ =	sfence.sel $0xFFFF  }
0xc0: {  	[dreg:$0x0] =	wrdreg $0xFFFFFFFF;
	(pc) =	sbr.abs _section_cstart, $3  }
0xc1: {  	[dreg:$0x1] =	wrdreg $0xFFFFFFFF  }
0xc2: {  	_ =	task.clear_ibuf [dreg:s6], $0x2FFFF;
	_ =	strace $0x9FFFFFFF  }
0xc3: {  	(tm) =	ssettm $0x7FFFFFFF  }
tec
execute0_lowered:
.L_overlay_start_1:
0x0: {  	(tag) =	ssettag $0x1  }
0x1: {  	s5 =	stileid.u32;
	s0 =	srdreg.scid  }
0x2: {  	s0 =	sand.u32 $0x1, s0;
	s1 =	sshll.u32 s5, $0x1  }
0x3: {  	s1 =	sor.u32 s0, s1  }
0x4: {  	s3 =	smul.u32 $0x9C4, s1;
	_ =	sdelay $0x1  }
0x5: {  	s1 =	sadd.s32 $0x9C4, s3  }
0x6: {  	s23 =	sshrl.u32 s3, $0x5;
	s24 =	sshrl.u32 s1, $0x5  }
0x7: {  	s1 =	ssub.s32 s24, s23  }
0x8: {  	p6 =	slt.u32 s1, $0x4  }
0x9: {  	p1 =	slt.u32 @!p6 s1, $0x5  }
0xa: {  	s2 =	simm.s32 @!p1 $0x0;
	p4 =	por p1, p6  }
0xb: {  	s2 =	simm.s32 @p1 $0x1;
	p0 =	slt.u32 @!p4 s1, $0x6  }
0xc: {  	p3 =	seq.s32 s1, $0xFFFFFFFD;
	[smem:$0x7F5] =	sst s2;
	p2 =	por @!p6 p0, p1  }
0xd: {  	s2 =	simm.s32 @!p0 $0x0;
	p5 =	por p2, p6;
	p2 =	slt.s32 @!p3 s1, $0x2  }
0xe: {  	s2 =	simm.s32 @p0 $0x1;
	p2 =	por p2, p3  }
0xf: {  	[smem:$0x7F4] =	sst s2;
	p1 =	slt.u32 @!p5 s1, $0x7;
	s2 =	simm.s32 @!p2 $0x0  }
0x10: {  	p0 =	por @!p4 p1, p0;
	s2 =	simm.s32 @p2 $0x1  }
0x11: {  	[smem:$0x7ED] =	sst s2;
	s2 =	simm.s32 @!p0 $0x0  }
0x12: {  	s20 =	sld [smem:$0x7F5];
	s2 =	simm.s32 @p0 $0x1  }
0x13: {  	[smem:$0x7EE] =	sst s2  }
0x14: {  	s21 =	sld [smem:$0x7EE]  }
0x15: {  	s6 =	rddreg [dreg:$0x0]  }
0x16: {  	s31 =	simm.s32 $0x0;
	s19 =	simm.s32 $0x1;
	p2 =	slt.s32 @!p3 s1, $0xFFFFFFFF  }
0x17: {  	p2 =	por p3, p2;
	p0 =	seq.s32 s20, $0x1;
	p3 =	seq.s32 s21, $0x1  }
0x18: {  	s9 =	smul.u32 $0x2800, s5;
	[smem:$0x7FF] =	sst s31;
	p3 =	por @!p6 p3, p0  }
0x19: {  	s26 =	smul.u32 $0x28000, s0;
	p0 =	por p3, p6;
	p3 =	slt.s32 @!p2 s1, $0x3  }
0x1a: {  	s0 =	ssub.s32 $0x2, s0;
	s28 =	sshrl.u32 s9, $0x3;
	p3 =	por p3, p2  }
0x1b: {  	s29 =	sshrl.u32 s0, $0x1;
	s10 =	sadd.s32 s28, s6;
	s4 =	simm.s32 @!p3 $0x0  }
0x1c: {  	s0 =	ssub.s32 s0, s29;
	s7 =	simm.s32 @!p4 $0x0;
	s4 =	simm.s32 @p3 $0x1  }
0x1d: {  	s7 =	simm.s32 @p4 $0x1;
	[smem:$0x7EF] =	sst s4;
	s4 =	simm.s32 @!p0 $0x0  }
0x1e: {  	[smem:$0x7F3] =	sst s7;
	s4 =	simm.s32 @p0 $0x1;
	p0 =	slt.u32 @!p0 s1, $0x8  }
0x1f: {  	s3 =	sshrl.u32 s3, $0x1;
	[smem:$0x7F0] =	sst s4;
	s4 =	simm.s32 @!p0 $0x0  }
0x20: {  	s3 =	sand.u32 $0xFFF0, s3;
	s8 =	sld [smem:$0x7F5];
	s4 =	simm.s32 @p0 $0x1  }
0x21: {  	s30 =	sadd.s32 $0x17200, s10;
	s3 =	sadd.s32 s3, s6;
	[smem:$0x7F2] =	sst s4  }
0x22: {  	s13 =	smax.u32 s0, $0x1;
	s11 =	sadd.s32 $0x3600, s3;
	s22 =	sld [smem:$0x7F2]  }
0x23: {  	s14 =	sadd.s32 $0x3, s1;
	s7 =	sadd.s32 s9, s26;
	s25 =	sld [smem:$0x7F4]  }
0x24: {  	s26 =	simm.s32 $0x0;
	s7 =	sshrl.u32 s7, $0x3;
	p3 =	slt.s32 @!p2 s1, $0x0  }
0x25: {  	p0 =	por p2, p3;
	s4 =	simm.s32 @!p5 $0x0;
	p2 =	seq.s32 s22, $0x1  }
0x26: {  	p3 =	seq.s32 s25, $0x1;
	s4 =	simm.s32 @p5 $0x1;
	p2 =	por @!p5 p2, p1  }
0x27: {  	p5 =	sgt.s32 s1, $0x0;
	p1 =	por @!p4 p2, p3;
	p2 =	seq.s32 s8, $0x1  }
0x28: {  	s12 =	sadd.s32 s7, s6;
	p4 =	por @!p6 p1, p2;
	p1 =	slt.u32 @p5 s1, $0x2  }
0x29: {  	s6 =	sshll.u32 s5, $0x6;
	p2 =	por !p5, p1;
	p1 =	slt.s32 @!p0 s1, $0x4  }
0x2a: {  	s7 =	sadd.s32 $0x1C200, s10;
	s2 =	rddreg [dreg:$0x1];
	p1 =	por p1, p0  }
0x2b: {  	s10 =	sadd.s32 $0xD400, s3;
	[smem:$0x7F1] =	sst s4;
	s0 =	simm.s32 @!p1 $0x0  }
0x2c: {  	s4 =	rddreg [dreg:$0x2];
	_ =	strace $0x8000004D;
	s0 =	simm.s32 @p1 $0x1  }
0x2d: {  	p1 =	sne.s32 @!p0 s24, s23;
	[smem:$0x7F6] =	sst s0;
	s0 =	simm.s32 @!p0 $0x0  }
0x2e: {  	s5 =	sor.u32 $0x1C01, s6;
	s0 =	simm.s32 @p0 $0x1;
	p0 =	por p0, !p1  }
0x2f: {  	s12 =	sadd.s32 $0x21200, s12;
	[smem:$0x7F7] =	sst s0;
	s0 =	simm.s32 @!p0 $0x0  }
0x30: {  	s16 =	sor.u32 $0x1C02, s6;
	s20 =	simm.s32 $0x2;
	s0 =	simm.s32 @p0 $0x1  }
0x31: {  	s15 =	sadd.s32 s9, s2;
	[smem:$0x7F8] =	sst s0;
	s0 =	simm.s32 @!p6 $0x0  }
0x32: {  	s15 =	sshrl.u32 s15, $0x3;
	p0 =	por p4, p6;
	s0 =	simm.s32 @p6 $0x1  }
0x33: {  	s21 =	simm.s32 $0x3;
	[smem:$0x7F9] =	sst s0;
	s0 =	simm.s32 @!p0 $0x0  }
0x34: {  	s25 =	simm.s32 $0x11;
	s17 =	sadd.s32 s9, s4;
	s0 =	simm.s32 @p0 $0x1  }
0x35: {  	p3 =	slt.u32 @!p2 s1, $0x3;
	[smem:$0x7FA] =	sst s0;
	s0 =	simm.s32 @!p5 $0x0  }
0x36: {  	[dreg:$0x4] =	wrdreg s5;
	p3 =	por p2, p3;
	s0 =	simm.s32 @p5 $0x1  }
.Ltmp0:
0x37: {  	[smem:$0x7FB] =	sst s0;
	s0 =	simm.s32 @!p3 $0x0;
	(pc) =	sbr.rel .LBB2_1-.Ltmp0, $4  }
0x38: {  	[dreg:$0x5] =	wrdreg s7;
	p6 =	slt.s32 s1, $0xFFFFFFFD;
	s0 =	simm.s32 @p3 $0x1  }
0x39: {  	s17 =	sshrl.u32 s17, $0x3;
	[smem:$0x7FC] =	sst s0;
	s0 =	simm.s32 @!p6 $0x0  }
0x3a: {  	s22 =	simm.s32 $0x4;
	s8 =	simm.s32 $0x2780;
	s0 =	simm.s32 @p6 $0x1  }
0x3b: {  	s24 =	simm.s32 $0x80;
	p1 =	slt.s32 s1, $0x1;
	[smem:$0x7FD] =	sst s0  }
.LBB2_12:
0x3c: {  	s26 =	sadd.s32 $0x1, s26  }
0x3d: {  	p0 =	sne.s32 s26, s13  }
.Ltmp1:
0x3e: {  	[bflag:$0x0] =	sbarrier.arrive $0xFFFF;
	s0 =	sor.u32 $0x1C11, s6;
	(pc) =	sbr.rel @!p0 .LBB2_13-.Ltmp1, $4  }
0x3f: {  	[hbm:s12], [sflag:s0] =	dma.local [spmem:s15], $0x500  }
0x40: {  	_ =	swait.ge [sflag:s25], $0x500  }
0x41: {  	[sflag:s25] =	ssyncset.done $0x0  }
0x42: {  	[sflag:s25] =	ssyncadd.s32 $0xFFFFFB00  }
.LBB2_1:
0x43: {  	[spmem:s15], [sflag:s5] =	dma.local [hbm:s30], $0x500  }
0x44: {  	[spmem:s17], [sflag:s16] =	dma.local [hbm:s7], $0x500  }
0x45: {  	[tilespmem:s31], [sflag:$0x3] =	stream.linear.gather [hbm4b:s10+s31], $0x2780, $0x38;
	[tilespmem:$0xDF00] =	vst v63  }
0x46: {  	_ = 	snop  }
0x47: {  	[tilespmem:s8], [sflag:$0x4] =	stream.linear.gather [hbm4b:s11+s31], $0x2780, $0x38;
	[tilespmem:$0xDF00] =	vst v63  }
0x48: {  	_ =	swait.ge [sflag:s19], $0x500  }
0x49: {  	[sflag:s19] =	ssyncset.done $0x0  }
0x4a: {  	[sflag:s19] =	ssyncadd.s32 $0xFFFFFB00  }
0x4b: {  	_ =	swait.ge [sflag:s20], $0x500  }
0x4c: {  	[sflag:s20] =	ssyncset.done $0x0  }
0x4d: {  	[sflag:s20] =	ssyncadd.s32 $0xFFFFFB00  }
0x4e: {  	_ =	swait.ge [sflag:s21], $0x2780  }
0x4f: {  	[sflag:s21] =	ssyncset.done $0x0  }
0x50: {  	[sflag:s21] =	ssyncadd.s32 $0xFFFFD880  }
.Ltmp2:
0x51: {  	_ =	swait.ge [sflag:s22], $0x2780;
	(pc) =	sbr.rel @p6 .LBB2_12-.Ltmp2, $3  }
0x52: {  	[sflag:s22] =	ssyncset.done $0x0  }
0x53: {  	[sflag:s22] =	ssyncadd.s32 $0xFFFFD880  }
0x54: {  	[bflag:$0x0] =	sbarrier.arrive $0xFFFF;
	_ =	sdelay $0x1  }
0x55: {  	s0 =	simm.s32 @!p1 $0x80;
	s3 =	simm.s32 @!p1 $0x0;
	s18 =	simm.s32 @!p1 $0x4F00  }
0x56: {  	[tilespmem:s18], [sflag:$0x1] =	stream.indirect.gather @!p1 [spmem:s4], $0x10, s3, s0, $0xb8;
	[tilespmem:$0xDF00] =	vst v63  }
0x57: {  	s18 =	sld [smem:$0x7ED];
	_ =	sdelay $0x2  }
0x58: {  	s23 =	sld [smem:$0x7EF];
	p0 =	seq.s32 s18, $0x1  }
0x59: {  	s0 =	simm.s32 @!p0 $0x80;
	s3 =	simm.s32 @!p0 $0x5700  }
0x5a: {  	[tilespmem:s3], [sflag:$0x2] =	stream.indirect.gather @!p0 [spmem:s4], $0x10, s0, s0, $0xb8;
	[tilespmem:$0xDF00] =	vst v63  }
0x5b: {  	s28 =	sld [smem:$0x7F6];
	p0 =	seq.s32 s23, $0x1  }
0x5c: {  	s0 =	simm.s32 @!p0 $0x80;
	s3 =	simm.s32 @!p0 $0x100;
	s18 =	simm.s32 @!p0 $0x5F00  }
0x5d: {  	[tilespmem:s18], [sflag:$0x3] =	stream.indirect.gather @!p0 [spmem:s4], $0x10, s3, s0, $0xb8;
	[tilespmem:$0xDF00] =	vst v63  }
0x5e: {  	s29 =	sld [smem:$0x7F8];
	p0 =	seq.s32 s28, $0x1  }
0x5f: {  	s0 =	simm.s32 @!p0 $0x80;
	s3 =	simm.s32 @!p0 $0x180;
	s18 =	simm.s32 @!p0 $0x6700  }
0x60: {  	[tilespmem:s18], [sflag:$0x4] =	stream.indirect.gather @!p0 [spmem:s4], $0x10, s3, s0, $0xb8;
	[tilespmem:$0xDF00] =	vst v63  }
0x61: {  	p0 =	seq.s32 s29, $0x1  }
.Ltmp3:
0x62: {  	_ = 	snop;
	(pc) =	sbr.rel @p0 .LBB2_10-.Ltmp3, $1  }
0x63: {  	_ =	sdelay $0x3  }
0x64: {  	s0 =	sld [smem:$0x7F7];
	p4 =	sgt.s32 s14, $0x4  }
.Ltmp4:
0x65: {  	_ = 	snop;
	(pc) =	sbr.rel @!p4 .LBB2_4-.Ltmp4, $4  }
0x66: {  	_ = 	snop  }
0x67: {  	s9 =	smov.u32 s30;
	p3 =	sle.s32 s1, $0x4;
	p0 =	seq.s32 s0, $0x1  }
0x68: {  	s30 =	simm.s32 $0x5;
	s3 =	simm.s32 @!p0 $0x4;
	s28 =	simm.s32 @!p0 $0x2780  }
0x69: {  	s29 =	simm.s32 @!p0 $0x200;
	p0 =	por p3, p3;
	p3 =	por $0x0, $0x0  }
0x6a: {  	p3 =	por @!p0 $0x1, $0x1  }
0x6b: {  	s0 =	sand.u32 $0x7, s3;
	p4 =	por p3, p0  }
0x6c: {  	p6 =	sle.s32 s1, $0x5;
	s31 =	simm.s32 @!p0 $0x80;
	s3 =	sadd.s32 @!p4 $0x9, s0  }
0x6d: {  	s18 =	sxor.u32 $0x4, s0;
	s23 =	sshll.u32 @!p0 s0, $0xB;
	_ =	swait.ge @!p4 [sflag:s3], $0x800  }
0x6e: {  	p3 =	por $0x1, $0x1;
	s23 =	sadd.s32 @!p0 $0x4F00, s23;
	[sflag:s3] =	ssyncset.done @!p4 $0x0  }
0x6f: {  	s0 =	sadd.s32 @!p0 $0x1, s0;
	[sflag:s3] =	ssyncadd.s32 @!p4 $0xFFFFF800;
	p4 =	sgt.s32 s14, $0x5  }
.Ltmp5:
0x70: {  	s5 =	sadd.s32 $0x1, s18;
	s3 =	simm.s32 $0x6;
	(pc) =	sbr.rel @!p4 .LBB2_6-.Ltmp5, $4  }
0x71: {  	[tilespmem:s23], [sflag:s0] =	stream.indirect.gather @!p0 [spmem:s4], $0x10, s29, s31, $0xb8;
	[tilespmem:$0xDF00] =	vst v63  }
0x72: {  	s23 =	sshll.u32 s18, $0xB;
	p0 =	por p6, p6;
	_ =	swait.ge [sflag:s5], $0x800  }
0x73: {  	s31 =	simm.s32 $0x2800;
	s29 =	simm.s32 $0x280;
	[sflag:s5] =	ssyncset.done $0x0  }
0x74: {  	s0 =	sadd.s32 $0x4F00, s23;
	s23 =	sadd.s32 $0x9, s18;
	[sflag:s5] =	ssyncadd.s32 $0xFFFFF800  }
.LBB2_7:
0x75: {  	[spmem:s2] =	stream.indirect.scatter.add.f32 [tilespmem:s0], [sflag:s23], $0x10, s28, s24, $0xb8;
	[tilespmem:$0xDF00] =	vst v63  }
0x76: {  	s0 =	smov.u32 s3;
	s28 =	smov.u32 s31;
	s5 =	sadd.s32 $0x1, s3  }
0x77: {  	p6 =	slt.u32 @!p0 s30, $0x8;
	p5 =	slt.s32 s3, s14;
	p4 =	sge.s32 s0, s1  }
0x78: {  	s3 =	sand.u32 $0x7, s30;
	s7 =	simm.s32 @!p0 $0x80;
	p6 =	por p6, p0  }
0x79: {  	s18 =	sxor.u32 $0x4, s3;
	s30 =	sshll.u32 @!p0 s3, $0xB;
	s23 =	sadd.s32 @!p6 $0x9, s3  }
0x7a: {  	s30 =	sadd.s32 @!p0 $0x4F00, s30;
	s3 =	sadd.s32 @!p0 $0x1, s3;
	_ =	swait.ge @!p6 [sflag:s23], $0x800  }
0x7b: {  	s31 =	sadd.s32 $0x80, s31;
	s8 =	sshll.u32 s18, $0xB;
	[sflag:s23] =	ssyncset.done @!p6 $0x0  }
.Ltmp6:
0x7c: {  	[sflag:s23] =	ssyncadd.s32 @!p6 $0xFFFFF800;
	s23 =	sadd.s32 $0x1, s18;
	(pc) =	sbr.rel @p5 .LBB2_7-.Ltmp6, $4  }
0x7d: {  	[tilespmem:s30], [sflag:s3] =	stream.indirect.gather @!p0 [spmem:s4], $0x10, s29, s7, $0xb8;
	[tilespmem:$0xDF00] =	vst v63  }
0x7e: {  	s30 =	smov.u32 s0;
	p0 =	por p4, p4;
	_ =	swait.ge [sflag:s23], $0x800  }
0x7f: {  	s29 =	sadd.s32 $0x80, s29;
	s0 =	sadd.s32 $0x4F00, s8;
	[sflag:s23] =	ssyncset.done $0x0  }
0x80: {  	s3 =	smov.u32 s5;
	[sflag:s23] =	ssyncadd.s32 $0xFFFFF800;
	s23 =	sadd.s32 $0x9, s18  }
0x81: {  	s5 =	sld [smem:$0x7FB]  }
0x82: {  	s3 =	smov.u32 s30;
	s30 =	smov.u32 s9;
	s9 =	sld [smem:$0x7FD]  }
0x83: {  	_ = 	snop  }
0x84: {  	s18 =	smov.u32 s28;
	s28 =	smov.u32 s31  }
0x85: {  	s31 =	simm.s32 $0x0;
	p5 =	seq.s32 s5, $0x1;
	p6 =	seq.s32 s9, $0x1  }
.LBB2_9:
0x86: {  	[spmem:s2] =	stream.indirect.scatter.add.f32 @p3 [tilespmem:s0], [sflag:s23], $0x10, s18, s24, $0xb8;
	[tilespmem:$0xDF00] =	vst v63  }
0x87: {  	p3 =	slt.u32 @!p0 s3, $0x8  }
0x88: {  	s0 =	sand.u32 $0x7, s3;
	p3 =	por p3, p0  }
0x89: {  	s3 =	sadd.s32 @!p3 $0x9, s0  }
0x8a: {  	s8 =	simm.s32 @!p0 $0x80;
	s7 =	sshll.u32 @!p0 s0, $0xB;
	_ =	swait.ge @!p3 [sflag:s3], $0x800  }
0x8b: {  	s5 =	sxor.u32 $0x4, s0;
	s7 =	sadd.s32 @!p0 $0x4F00, s7;
	[sflag:s3] =	ssyncset.done @!p3 $0x0  }
0x8c: {  	s0 =	sadd.s32 @!p0 $0x1, s0;
	s9 =	sadd.s32 $0x1, s5;
	[sflag:s3] =	ssyncadd.s32 @!p3 $0xFFFFF800  }
0x8d: {  	[tilespmem:s7], [sflag:s0] =	stream.indirect.gather @!p0 [spmem:s4], $0x10, s29, s8, $0xb8;
	[tilespmem:$0xDF00] =	vst v63  }
0x8e: {  	s18 =	sshll.u32 s5, $0xB;
	_ =	swait.ge [sflag:s9], $0x800  }
0x8f: {  	s23 =	sadd.s32 $0x9, s5;
	[sflag:s9] =	ssyncset.done $0x0;
	s29 =	sld [smem:$0x7FC]  }
0x90: {  	s0 =	sadd.s32 $0x4F00, s18;
	s5 =	rddreg [dreg:$0x4];
	[sflag:s9] =	ssyncadd.s32 $0xFFFFF800  }
0x91: {  	[spmem:s2] =	stream.indirect.scatter.add.f32 [tilespmem:s0], [sflag:s23], $0x10, s28, s24, $0xb8;
	[tilespmem:$0xDF00] =	vst v63  }
0x92: {  	s8 =	simm.s32 $0x2780;
	s7 =	rddreg [dreg:$0x5];
	p3 =	seq.s32 s29, $0x1  }
.LBB2_10:
0x93: {  	s0 =	simm.s32 @p5 $0x9  }
0x94: {  	_ =	swait.ge @p5 [sflag:s0], $0x800  }
.Ltmp7:
0x95: {  	[sflag:s0] =	ssyncset.done @p5 $0x0;
	(pc) =	sbr.rel @p3 .LBB2_12-.Ltmp7, $4  }
0x96: {  	[sflag:s0] =	ssyncadd.s32 @p5 $0xFFFFF800;
	s0 =	simm.s32 @!p2 $0xA  }
0x97: {  	_ =	swait.ge @!p2 [sflag:s0], $0x800  }
0x98: {  	[sflag:s0] =	ssyncset.done @!p2 $0x0  }
0x99: {  	[sflag:s0] =	ssyncadd.s32 @!p2 $0xFFFFF800  }
0x9a: {  	s0 =	simm.s32 $0xB  }
0x9b: {  	_ =	swait.ge [sflag:s0], $0x800  }
0x9c: {  	s9 =	sld [smem:$0x7F9];
	_ =	sdelay $0x2  }
0x9d: {  	[sflag:s0] =	ssyncset.done $0x0;
	p0 =	seq.s32 s9, $0x1  }
0x9e: {  	[sflag:s0] =	ssyncadd.s32 $0xFFFFF800;
	s0 =	simm.s32 @!p0 $0xC  }
0x9f: {  	_ =	swait.ge @!p0 [sflag:s0], $0x800  }
0xa0: {  	s18 =	sld [smem:$0x7F3];
	_ =	sdelay $0x1  }
0xa1: {  	[sflag:s0] =	ssyncset.done @!p0 $0x0  }
0xa2: {  	[sflag:s0] =	ssyncadd.s32 @!p0 $0xFFFFF800;
	p0 =	seq.s32 s18, $0x1  }
0xa3: {  	s0 =	simm.s32 @!p0 $0xD  }
0xa4: {  	_ =	swait.ge @!p0 [sflag:s0], $0x800  }
0xa5: {  	s23 =	sld [smem:$0x7F1];
	_ =	sdelay $0x1  }
0xa6: {  	[sflag:s0] =	ssyncset.done @!p0 $0x0  }
0xa7: {  	[sflag:s0] =	ssyncadd.s32 @!p0 $0xFFFFF800;
	p0 =	seq.s32 s23, $0x1  }
0xa8: {  	s0 =	simm.s32 @!p0 $0xE  }
0xa9: {  	_ =	swait.ge @!p0 [sflag:s0], $0x800  }
0xaa: {  	s28 =	sld [smem:$0x7F0];
	_ =	sdelay $0x1  }
0xab: {  	[sflag:s0] =	ssyncset.done @!p0 $0x0  }
0xac: {  	[sflag:s0] =	ssyncadd.s32 @!p0 $0xFFFFF800;
	p0 =	seq.s32 s28, $0x1  }
0xad: {  	s0 =	simm.s32 @!p0 $0xF  }
0xae: {  	_ =	swait.ge @!p0 [sflag:s0], $0x800  }
0xaf: {  	s29 =	sld [smem:$0x7FA];
	_ =	sdelay $0x1  }
0xb0: {  	[sflag:s0] =	ssyncset.done @!p0 $0x0  }
.Ltmp8:
0xb1: {  	[sflag:s0] =	ssyncadd.s32 @!p0 $0xFFFFF800;
	p0 =	seq.s32 s29, $0x1;
	(pc) =	sbr.rel .LBB2_12-.Ltmp8, $4  }
0xb2: {  	s0 =	simm.s32 @!p0 $0x10  }
0xb3: {  	_ =	swait.ge @!p0 [sflag:s0], $0x800  }
0xb4: {  	[sflag:s0] =	ssyncset.done @!p0 $0x0  }
0xb5: {  	[sflag:s0] =	ssyncadd.s32 @!p0 $0xFFFFF800  }
.LBB2_4:
.Ltmp9:
0xb6: {  	(pc) =	sbr.rel .LBB2_9-.Ltmp9, $2  }
0xb7: {  	_ =	sdelay $0x2  }
0xb8: {  	s30 =	smov.u32 s9  }
.LBB2_6:
0xb9: {  	s3 =	sld [smem:$0x7F7]  }
.Ltmp10:
0xba: {  	s5 =	sld [smem:$0x7FB];
	(pc) =	sbr.rel .LBB2_9-.Ltmp10, $4  }
0xbb: {  	s30 =	smov.u32 s9;
	s9 =	sld [smem:$0x7FD]  }
0xbc: {  	s28 =	simm.s32 $0x2800  }
0xbd: {  	s31 =	simm.s32 $0x0;
	p4 =	seq.s32 s3, $0x1;
	s3 =	simm.s32 $0x5  }
0xbe: {  	p5 =	seq.s32 s5, $0x1;
	p6 =	seq.s32 s9, $0x1;
	s18 =	simm.s32 @!p4 $0x2780  }
.LBB2_13:
0xbf: {  	_ =	sfence.sel $0x180000  }
0xc0: {  	[bflag:$0x0] =	sbarrier.arrive $0xFFFF  }
0xc1: {  	_ =	strace $0x9000004D  }
0xc2: {  	s0 =	stileid.u32;
	[bflag:$0x2] =	sbarrier.arrive $0xFFFF  }
0xc3: {  	p0 =	sne.s32 s0, $0x0;
	s0 =	rddreg [dreg:$0x3]  }
0xc4: {  	s0 =	sadd.s32 @!p0 $0x100000, s0  }
0xc5: {  	[sflag:s0] =	ssyncadd.tile.s32 @!p0 $0x1;
	_ =	shalt  }
.Lfunc_end2:
_tile_overlayer_lowered:
.L_overlay_start_2:
0xc6: {  	(tag) =	ssettag $0x2  }
0xc7: {  	s0 =	rddreg [dreg:$0x0];
	s2 =	stileid.u32  }
0xc8: {  	s1 =	rddreg [dreg:$0x1];
	p0 =	sne.s32 s2, $0x0  }
0xc9: {  	s3 =	rddreg [dreg:$0x2];
	[bflag:$0x3] =	sbarrier.arrive $0xFFFF;
	s2 =	simm.s32 @!p0 $0x1C11  }
0xca: {  	[timem:s3], [sflag:s2] =	dma.local @!p0 [hbm:s0], s1  }
0xcb: {  	s0 =	simm.s32 @!p0 $0x11  }
0xcc: {  	_ =	swait.ge @!p0 [sflag:s0], s1  }
0xcd: {  	s1 =	ssub.s32 @!p0 $0x0, s1;
	[sflag:s0] =	ssyncset.done @!p0 $0x0  }
0xce: {  	[sflag:s0] =	ssyncadd.s32 @!p0 s1  }
0xcf: {  	[bflag:$0x3] =	sbarrier.arrive $0xFFFF  }
0xd0: {  	_ =	shalt  }

// kernel: kernel.19.cloned.1.call-start
scs
__scs_entry_jumppad:
0x0: {  	(pc) =	sbr.rel $0x88, $3  }
0x1: {  	(tag) =	ssettag $0x0;
	lr =	simm.s32 $0x1  }
0x2: {  	[smem:$0x3F93] =	sst lr;
	_ =	strace $0xD0000000  }
0x3: {  	_ = 	snop  }
0x4: {  	_ = 	snop  }
0x5: {  	_ = 	snop  }
0x6: {  	_ = 	snop  }
0x7: {  	_ = 	snop  }
__scs_overlays_trampoline_lowered:
0x8: {  	[smem:$0x3FA2] =	sst s0  }
0x9: {  	[smem:$0x3FA3] =	sst s1  }
0xa: {  	[smem:$0x3FA4] =	sst s2  }
0xb: {  	[smem:$0x3FA5] =	sst s3  }
0xc: {  	[smem:$0x3FA6] =	sst s4  }
0xd: {  	[smem:$0x3FA7] =	sst s5  }
0xe: {  	[smem:$0x3FA8] =	sst s6  }
0xf: {  	[smem:$0x3FA9] =	sst s7  }
0x10: {  	[smem:$0x3FAA] =	sst s8  }
0x11: {  	[smem:$0x3FAB] =	sst s9;
	s0 =	simm.s32 @!p0 $0x0  }
0x12: {  	s1 =	sld [smem:$0x3F91];
	s0 =	simm.s32 @p0 $0x1  }
0x13: {  	[smem:$0x3FAC] =	sst s0;
	s0 =	simm.s32 @!p1 $0x0  }
0x14: {  	s2 =	sld [smem:$0x3F90];
	s0 =	simm.s32 @p1 $0x1  }
0x15: {  	[smem:$0x3FAD] =	sst s0;
	s0 =	simm.s32 @!p2 $0x0  }
0x16: {  	s3 =	sld [smem:$0x3FDB];
	s0 =	simm.s32 @p2 $0x1  }
0x17: {  	s4 =	simm.s32 $0x1BF5;
	[smem:$0x3FAF] =	sst s0  }
0x18: {  	s0 =	sld [smem:$0x3F92];
	_ =	swait.ge [sflag:s4], $0x0  }
0x19: {  	s7 =	sld [smem:$0x3F93]  }
0x1a: {  	s8 =	sadd.s32 $0xFFFFE003, lr  }
0x1b: {  	s9 =	sadd.s32 $0xFFFFFEF7, lr;
	s5 =	simm.s32 $0xFFFFFFFF;
	p2 =	slt.u32 s8, $0xFFFFF086  }
0x1c: {  	p1 =	slt.u32 s9, $0xF7A;
	s5 =	simm.s32 @!p2 $0x0  }
0x1d: {  	s5 =	simm.s32 @p1 $0x1;
	p0 =	seq.s32 s7, s2  }
0x1e: {  	s7 =	smul.u32 @!p0 $0xF7A, s2;
	p2 =	seq.s32 @!p0 s5, $0x0  }
0x1f: {  	s9 =	smul.u32 $0xF7A, s1;
	s8 =	simm.s32 @!p0 $0x1BF5;
	p2 =	por !p2, p0  }
0x20: {  	[sflag:s8] =	ssyncset.s32 @!p0 $0xFFFFF086;
	s6 =	sadd.s32 @!p0 s3, s7;
	s7 =	simm.s32 @!p0 $0x108  }
0x21: {  	s3 =	sadd.s32 s3, s9;
	s6 =	sadd.s32 @!p0 $0x88, s6;
	s7 =	simm.s32 @p2 $0x1082  }
0x22: {  	[simem:s7], [sflag:s8] =	dma.local @!p0 [hbm:s6], $0xF7A  }
0x23: {  	s9 =	sor.u32 $0xD0000000, s2;
	s6 =	simm.s32 $0x108;
	_ =	swait.ge @!p0 [sflag:s8], $0x0  }
0x24: {  	s3 =	sadd.s32 $0x88, s3;
	s6 =	simm.s32 @!p1 $0x1082;
	[sflag:s4] =	ssyncset.s32 $0xFFFFF086  }
0x25: {  	[simem:s6], [sflag:s4] =	dma.local [hbm:s3], $0xF7A  }
0x26: {  	[smem:$0x3F93] =	sst s1;
	(tag) =	ssettag s2;
	_ =	strace s9  }
0x27: {  	s1 =	sld [smem:$0x3FA3]  }
0x28: {  	s2 =	sld [smem:$0x3FA4]  }
0x29: {  	s4 =	sld [smem:$0x3FA6]  }
0x2a: {  	p0 =	seq.s32 s5, $0x0;
	s5 =	sld [smem:$0x3FA7]  }
0x2b: {  	s6 =	sld [smem:$0x3FA8]  }
0x2c: {  	s7 =	sld [smem:$0x3FA9]  }
0x2d: {  	s3 =	simm.s32 $0x108;
	s8 =	sld [smem:$0x3FAA]  }
0x2e: {  	s3 =	simm.s32 @!p0 $0x1082;
	s9 =	sld [smem:$0x3FAB]  }
0x2f: {  	lr =	sadd.s32 s0, s3;
	s0 =	sld [smem:$0x3FA2]  }
0x30: {  	s3 =	sld [smem:$0x3FA5]  }
0x31: {  	[smem:$0x3FAE] =	sst s10  }
0x32: {  	s10 =	sld [smem:$0x3FAC];
	_ =	sdelay $0x3  }
0x33: {  	p0 =	seq.s32 s10, $0x1;
	s10 =	sld [smem:$0x3FAE];
	_ =	sdelay $0x3  }
0x34: {  	[smem:$0x3FAE] =	sst s10  }
0x35: {  	s10 =	sld [smem:$0x3FAD];
	_ =	sdelay $0x3  }
0x36: {  	p1 =	seq.s32 s10, $0x1;
	s10 =	sld [smem:$0x3FAE];
	_ =	sdelay $0x3  }
0x37: {  	[smem:$0x3FAE] =	sst s10  }
0x38: {  	s10 =	sld [smem:$0x3FAF]  }
0x39: {  	_ = 	snop;
	(pc) =	sbr.ind lr, $3  }
0x3a: {  	_ = 	snop  }
0x3b: {  	_ = 	snop  }
0x3c: {  	p2 =	seq.s32 s10, $0x1;
	s10 =	sld [smem:$0x3FAE]  }
0x3d: {  	_ =	shalt  }
0x3e: {  	_ =	shalt  }
0x3f: {  	_ =	shalt  }
0x40: {  	_ =	shalt  }
0x41: {  	_ =	shalt  }
0x42: {  	_ =	shalt  }
0x43: {  	_ =	shalt  }
0x44: {  	_ =	shalt  }
0x45: {  	_ =	shalt  }
0x46: {  	_ =	shalt  }
0x47: {  	_ =	shalt  }
0x48: {  	_ =	shalt  }
0x49: {  	_ =	shalt  }
0x4a: {  	_ =	shalt  }
0x4b: {  	_ =	shalt  }
0x4c: {  	_ =	shalt  }
0x4d: {  	_ =	shalt  }
0x4e: {  	_ =	shalt  }
0x4f: {  	_ =	shalt  }
0x50: {  	_ =	shalt  }
0x51: {  	_ =	shalt  }
0x52: {  	_ =	shalt  }
0x53: {  	_ =	shalt  }
0x54: {  	_ =	shalt  }
0x55: {  	_ =	shalt  }
0x56: {  	_ =	shalt  }
0x57: {  	_ =	shalt  }
0x58: {  	_ =	shalt  }
0x59: {  	_ =	shalt  }
0x5a: {  	_ =	shalt  }
0x5b: {  	_ =	shalt  }
0x5c: {  	_ =	shalt  }
0x5d: {  	_ =	shalt  }
0x5e: {  	_ =	shalt  }
0x5f: {  	_ =	shalt  }
0x60: {  	_ =	shalt  }
0x61: {  	_ =	shalt  }
0x62: {  	_ =	shalt  }
0x63: {  	_ =	shalt  }
0x64: {  	_ =	shalt  }
0x65: {  	_ =	shalt  }
0x66: {  	_ =	shalt  }
0x67: {  	_ =	shalt  }
0x68: {  	_ =	shalt  }
0x69: {  	_ =	shalt  }
0x6a: {  	_ =	shalt  }
0x6b: {  	_ =	shalt  }
0x6c: {  	_ =	shalt  }
0x6d: {  	_ =	shalt  }
0x6e: {  	_ =	shalt  }
0x6f: {  	_ =	shalt  }
0x70: {  	_ =	shalt  }
0x71: {  	_ =	shalt  }
0x72: {  	_ =	shalt  }
0x73: {  	_ =	shalt  }
0x74: {  	_ =	shalt  }
0x75: {  	_ =	shalt  }
0x76: {  	_ =	shalt  }
0x77: {  	_ =	shalt  }
0x78: {  	_ =	shalt  }
0x79: {  	_ =	shalt  }
0x7a: {  	_ =	shalt  }
0x7b: {  	_ =	shalt  }
0x7c: {  	_ =	shalt  }
0x7d: {  	_ =	shalt  }
0x7e: {  	_ =	shalt  }
0x7f: {  	_ =	shalt  }
0x80: {  	_ =	shalt  }
0x81: {  	_ =	shalt  }
0x82: {  	_ =	shalt  }
0x83: {  	_ =	shalt  }
0x84: {  	_ =	shalt  }
0x85: {  	_ =	shalt  }
0x86: {  	_ =	shalt  }
0x87: {  	_ =	shalt  }
.Lfunc_end0:
.L_simem_size_0:
called_computation.3_lowered:
.L_overlay_start_0:
0x88: {  	s2 =	sld [smem:$0x3FD9]  }
0x89: {  	s3 =	sld [smem:$0x3FFE];
	_ =	sdelay $0x1  }
0x8a: {  	s1 =	srdreg.scid  }
0x8b: {  	s0 =	sand.u32 $0x1, s1  }
0x8c: {  	s16 =	sshll.u32 s0, $0xA;
	s2 =	sadd.s32 s3, s2  }
0x8d: {  	s2 =	sadd.s32 s2, s16  }
0x8e: {  	[smem:$0x3FBA] =	sst s2  }
0x8f: {  	_ = 	snop  }
0x90: {  	(tm) =	ssettm $0x1  }
0x91: {  	s17 =	sld [smem:$0x3FFB];
	_ =	sdelay $0x3  }
0x92: {  	_ =	strace s17  }
0x93: {  	s2 =	sld [smem:$0x3FFC];
	_ =	sdelay $0x3  }
0x94: {  	_ =	strace s2  }
0x95: {  	s2 =	sld [smem:$0x3FFD];
	_ =	sdelay $0x3  }
0x96: {  	_ =	strace s2  }
0x97: {  	_ =	strace $0x8FFFFFFF  }
0x98: {  	s18 =	sld [smem:$0x3FDB];
	_ =	sdelay $0x1  }
0x99: {  	s19 =	simm.s32 $_scs_section_size  }
0x9a: {  	s4 =	simm.s32 $_size__tile_overlayer_lowered;
	s5 =	simm.s32 $_tile_overlayer_lowered  }
0x9b: {  	s22 =	simm.s32 $0x1BFF;
	s21 =	sshll.u32 s5, $0x1;
	s2 =	sadd.s32 s19, s18  }
0x9c: {  	s6 =	simm.s32 $0x0;
	s20 =	sshll.u32 s4, $0x1;
	s4 =	sadd.s32 s21, s2  }
0x9d: {  	[timem:s6], [sflag:s22] =	dma.local [hbm:s4], s20  }
0x9e: {  	_ =	swait.ge [sflag:s22], s20  }
0x9f: {  	s3 =	ssub.s32 $0x0, s20;
	[sflag:s22] =	ssyncset.done $0x0  }
0xa0: {  	[sflag:s22] =	ssyncadd.s32 s3;
	_ =	sdelay $0x1  }
0xa1: {  	s23 =	simm.s32 $0x1B8B  }
0xa2: {  	_ =	swait.ge [sflag:s23], $0x1  }
0xa3: {  	[sflag:s23] =	ssyncset.done $0x0  }
0xa4: {  	s25 =	simm.s32 $0x1B8E;
	s24 =	sld [smem:$0x3FFE];
	[sflag:s23] =	ssyncadd.s32 $0xFFFFFFFF  }
0xa5: {  	s26 =	simm.s32 $execute0_lowered;
	[smem:$0x3FD2] =	sst s25  }
0xa6: {  	s4 =	sshll.u32 s26, $0x1;
	_ =	strace $0x8000004F;
	[dreg:$0x1] =	wrdreg $0xFFFFFFFF  }
0xa7: {  	s28 =	simm.s32 $_size_execute0_lowered;
	s2 =	sadd.s32 s2, s4;
	[dreg:$0x0] =	wrdreg $0x0  }
0xa8: {  	s4 =	sshll.u32 s28, $0x1;
	[dreg:$0x2] =	wrdreg s2  }
0xa9: {  	[dreg:$0x3] =	wrdreg s4  }
0xaa: {  	[dreg:$0x4] =	wrdreg $0xC0  }
0xab: {  	_ =	task [dreg:s6], $0x5FFFF  }
0xac: {  	[dreg:$0x1] =	wrdreg $0xFFFFFFFF  }
0xad: {  	[dreg:$0x0] =	wrdreg $0x60  }
0xae: {  	[dreg:$0x2] =	wrdreg s24  }
0xaf: {  	[dreg:$0x3] =	wrdreg $0xB7000  }
0xb0: {  	[dreg:$0x4] =	wrdreg $0x8F000  }
0xb1: {  	[dreg:$0x5] =	wrdreg $0x9  }
0xb2: {  	_ =	task.clear_ibuf [dreg:s6], $0x6FFFF;
	_ =	strace $0x9000004F  }
0xb3: {  	s29 =	simm.s32 $0x9;
	_ =	strace $0x80000051  }
0xb4: {  	_ =	swait.ge [sflag:s29], $0x1  }
0xb5: {  	[sflag:s29] =	ssyncadd.s32 $0xFFFFFFFF  }
0xb6: {  	_ =	strace $0x90000051  }
0xb7: {  	_ =	sfence  }
0xb8: {  	s30 =	sld [smem:$0x0];
	_ =	sdelay $0x2  }
0xb9: {  	s31 =	sshll.u32 s1, $0xD;
	s1 =	sshrl.u32 s1, $0x2  }
0xba: {  	s3 =	sand.u32 $0x4000, s31;
	s1 =	sadd.s32 s1, s30  }
0xbb: {  	s0 =	sor.u32 s3, s0;
	s1 =	sshll.u32 s1, $0x11  }
0xbc: {  	s0 =	sor.u32 s1, s0  }
0xbd: {  	s0 =	sadd.s32 $0x8F2B, s0  }
0xbe: {  	[sflag:s0] =	ssyncadd.remote.s32 $0x1  }
0xbf: {  	_ =	sfence.sel $0xFFFF  }
0xc0: {  	[dreg:$0x0] =	wrdreg $0xFFFFFFFF;
	(pc) =	sbr.abs _section_cstart, $3  }
0xc1: {  	[dreg:$0x1] =	wrdreg $0xFFFFFFFF  }
0xc2: {  	_ =	task.clear_ibuf [dreg:s6], $0x2FFFF;
	_ =	strace $0x9FFFFFFF  }
0xc3: {  	(tm) =	ssettm $0x7FFFFFFF  }
tec
execute0_lowered:
.L_overlay_start_1:
0x0: {  	(tag) =	ssettag $0x1  }
0x1: {  	s5 =	stileid.u32;
	s0 =	srdreg.scid  }
0x2: {  	s0 =	sand.u32 $0x1, s0;
	s1 =	sshll.u32 s5, $0x1  }
0x3: {  	s1 =	sor.u32 s0, s1  }
0x4: {  	s3 =	smul.u32 $0x9C4, s1;
	_ =	sdelay $0x1  }
0x5: {  	s1 =	sadd.s32 $0x9C4, s3  }
0x6: {  	s23 =	sshrl.u32 s3, $0x5;
	s24 =	sshrl.u32 s1, $0x5  }
0x7: {  	s1 =	ssub.s32 s24, s23  }
0x8: {  	p6 =	slt.u32 s1, $0x4  }
0x9: {  	p1 =	slt.u32 @!p6 s1, $0x5  }
0xa: {  	s2 =	simm.s32 @!p1 $0x0;
	p4 =	por p1, p6  }
0xb: {  	s2 =	simm.s32 @p1 $0x1;
	p0 =	slt.u32 @!p4 s1, $0x6  }
0xc: {  	p3 =	seq.s32 s1, $0xFFFFFFFD;
	[smem:$0x7F5] =	sst s2;
	p2 =	por @!p6 p0, p1  }
0xd: {  	s2 =	simm.s32 @!p0 $0x0;
	p5 =	por p2, p6;
	p2 =	slt.s32 @!p3 s1, $0x2  }
0xe: {  	s2 =	simm.s32 @p0 $0x1;
	p2 =	por p2, p3  }
0xf: {  	[smem:$0x7F4] =	sst s2;
	p1 =	slt.u32 @!p5 s1, $0x7;
	s2 =	simm.s32 @!p2 $0x0  }
0x10: {  	p0 =	por @!p4 p1, p0;
	s2 =	simm.s32 @p2 $0x1  }
0x11: {  	[smem:$0x7ED] =	sst s2;
	s2 =	simm.s32 @!p0 $0x0  }
0x12: {  	s20 =	sld [smem:$0x7F5];
	s2 =	simm.s32 @p0 $0x1  }
0x13: {  	[smem:$0x7EE] =	sst s2  }
0x14: {  	s21 =	sld [smem:$0x7EE]  }
0x15: {  	s6 =	rddreg [dreg:$0x0]  }
0x16: {  	s31 =	simm.s32 $0x0;
	s19 =	simm.s32 $0x1;
	p2 =	slt.s32 @!p3 s1, $0xFFFFFFFF  }
0x17: {  	p2 =	por p3, p2;
	p0 =	seq.s32 s20, $0x1;
	p3 =	seq.s32 s21, $0x1  }
0x18: {  	s9 =	smul.u32 $0x2800, s5;
	[smem:$0x7FF] =	sst s31;
	p3 =	por @!p6 p3, p0  }
0x19: {  	s26 =	smul.u32 $0x28000, s0;
	p0 =	por p3, p6;
	p3 =	slt.s32 @!p2 s1, $0x3  }
0x1a: {  	s0 =	ssub.s32 $0x2, s0;
	s28 =	sshrl.u32 s9, $0x3;
	p3 =	por p3, p2  }
0x1b: {  	s29 =	sshrl.u32 s0, $0x1;
	s10 =	sadd.s32 s28, s6;
	s4 =	simm.s32 @!p3 $0x0  }
0x1c: {  	s0 =	ssub.s32 s0, s29;
	s7 =	simm.s32 @!p4 $0x0;
	s4 =	simm.s32 @p3 $0x1  }
0x1d: {  	s7 =	simm.s32 @p4 $0x1;
	[smem:$0x7EF] =	sst s4;
	s4 =	simm.s32 @!p0 $0x0  }
0x1e: {  	[smem:$0x7F3] =	sst s7;
	s4 =	simm.s32 @p0 $0x1;
	p0 =	slt.u32 @!p0 s1, $0x8  }
0x1f: {  	s3 =	sshrl.u32 s3, $0x1;
	[smem:$0x7F0] =	sst s4;
	s4 =	simm.s32 @!p0 $0x0  }
0x20: {  	s3 =	sand.u32 $0xFFF0, s3;
	s8 =	sld [smem:$0x7F5];
	s4 =	simm.s32 @p0 $0x1  }
0x21: {  	s30 =	sadd.s32 $0x17200, s10;
	s3 =	sadd.s32 s3, s6;
	[smem:$0x7F2] =	sst s4  }
0x22: {  	s13 =	smax.u32 s0, $0x1;
	s11 =	sadd.s32 $0x3600, s3;
	s22 =	sld [smem:$0x7F2]  }
0x23: {  	s14 =	sadd.s32 $0x3, s1;
	s7 =	sadd.s32 s9, s26;
	s25 =	sld [smem:$0x7F4]  }
0x24: {  	s26 =	simm.s32 $0x0;
	s7 =	sshrl.u32 s7, $0x3;
	p3 =	slt.s32 @!p2 s1, $0x0  }
0x25: {  	p0 =	por p2, p3;
	s4 =	simm.s32 @!p5 $0x0;
	p2 =	seq.s32 s22, $0x1  }
0x26: {  	p3 =	seq.s32 s25, $0x1;
	s4 =	simm.s32 @p5 $0x1;
	p2 =	por @!p5 p2, p1  }
0x27: {  	p5 =	sgt.s32 s1, $0x0;
	p1 =	por @!p4 p2, p3;
	p2 =	seq.s32 s8, $0x1  }
0x28: {  	s12 =	sadd.s32 s7, s6;
	p4 =	por @!p6 p1, p2;
	p1 =	slt.u32 @p5 s1, $0x2  }
0x29: {  	s6 =	sshll.u32 s5, $0x6;
	p2 =	por !p5, p1;
	p1 =	slt.s32 @!p0 s1, $0x4  }
0x2a: {  	s7 =	sadd.s32 $0x1C200, s10;
	s2 =	rddreg [dreg:$0x1];
	p1 =	por p1, p0  }
0x2b: {  	s10 =	sadd.s32 $0xD400, s3;
	[smem:$0x7F1] =	sst s4;
	s0 =	simm.s32 @!p1 $0x0  }
0x2c: {  	s4 =	rddreg [dreg:$0x2];
	_ =	strace $0x80000050;
	s0 =	simm.s32 @p1 $0x1  }
0x2d: {  	p1 =	sne.s32 @!p0 s24, s23;
	[smem:$0x7F6] =	sst s0;
	s0 =	simm.s32 @!p0 $0x0  }
0x2e: {  	s5 =	sor.u32 $0x1C01, s6;
	s0 =	simm.s32 @p0 $0x1;
	p0 =	por p0, !p1  }
0x2f: {  	s12 =	sadd.s32 $0x21200, s12;
	[smem:$0x7F7] =	sst s0;
	s0 =	simm.s32 @!p0 $0x0  }
0x30: {  	s16 =	sor.u32 $0x1C02, s6;
	s20 =	simm.s32 $0x2;
	s0 =	simm.s32 @p0 $0x1  }
0x31: {  	s15 =	sadd.s32 s9, s2;
	[smem:$0x7F8] =	sst s0;
	s0 =	simm.s32 @!p6 $0x0  }
0x32: {  	s15 =	sshrl.u32 s15, $0x3;
	p0 =	por p4, p6;
	s0 =	simm.s32 @p6 $0x1  }
0x33: {  	s21 =	simm.s32 $0x3;
	[smem:$0x7F9] =	sst s0;
	s0 =	simm.s32 @!p0 $0x0  }
0x34: {  	s25 =	simm.s32 $0x11;
	s17 =	sadd.s32 s9, s4;
	s0 =	simm.s32 @p0 $0x1  }
0x35: {  	p3 =	slt.u32 @!p2 s1, $0x3;
	[smem:$0x7FA] =	sst s0;
	s0 =	simm.s32 @!p5 $0x0  }
0x36: {  	[dreg:$0x4] =	wrdreg s5;
	p3 =	por p2, p3;
	s0 =	simm.s32 @p5 $0x1  }
.Ltmp0:
0x37: {  	[smem:$0x7FB] =	sst s0;
	s0 =	simm.s32 @!p3 $0x0;
	(pc) =	sbr.rel .LBB2_1-.Ltmp0, $4  }
0x38: {  	[dreg:$0x5] =	wrdreg s7;
	p6 =	slt.s32 s1, $0xFFFFFFFD;
	s0 =	simm.s32 @p3 $0x1  }
0x39: {  	s17 =	sshrl.u32 s17, $0x3;
	[smem:$0x7FC] =	sst s0;
	s0 =	simm.s32 @!p6 $0x0  }
0x3a: {  	s22 =	simm.s32 $0x4;
	s8 =	simm.s32 $0x2780;
	s0 =	simm.s32 @p6 $0x1  }
0x3b: {  	s24 =	simm.s32 $0x80;
	p1 =	slt.s32 s1, $0x1;
	[smem:$0x7FD] =	sst s0  }
.LBB2_12:
0x3c: {  	s26 =	sadd.s32 $0x1, s26  }
0x3d: {  	p0 =	sne.s32 s26, s13  }
.Ltmp1:
0x3e: {  	[bflag:$0x0] =	sbarrier.arrive $0xFFFF;
	s0 =	sor.u32 $0x1C11, s6;
	(pc) =	sbr.rel @!p0 .LBB2_13-.Ltmp1, $4  }
0x3f: {  	[hbm:s12], [sflag:s0] =	dma.local [spmem:s15], $0x500  }
0x40: {  	_ =	swait.ge [sflag:s25], $0x500  }
0x41: {  	[sflag:s25] =	ssyncset.done $0x0  }
0x42: {  	[sflag:s25] =	ssyncadd.s32 $0xFFFFFB00  }
.LBB2_1:
0x43: {  	[spmem:s15], [sflag:s5] =	dma.local [hbm:s30], $0x500  }
0x44: {  	[spmem:s17], [sflag:s16] =	dma.local [hbm:s7], $0x500  }
0x45: {  	[tilespmem:s31], [sflag:$0x3] =	stream.linear.gather [hbm4b:s10+s31], $0x2780, $0x38;
	[tilespmem:$0xDF00] =	vst v63  }
0x46: {  	_ = 	snop  }
0x47: {  	[tilespmem:s8], [sflag:$0x4] =	stream.linear.gather [hbm4b:s11+s31], $0x2780, $0x38;
	[tilespmem:$0xDF00] =	vst v63  }
0x48: {  	_ =	swait.ge [sflag:s19], $0x500  }
0x49: {  	[sflag:s19] =	ssyncset.done $0x0  }
0x4a: {  	[sflag:s19] =	ssyncadd.s32 $0xFFFFFB00  }
0x4b: {  	_ =	swait.ge [sflag:s20], $0x500  }
0x4c: {  	[sflag:s20] =	ssyncset.done $0x0  }
0x4d: {  	[sflag:s20] =	ssyncadd.s32 $0xFFFFFB00  }
0x4e: {  	_ =	swait.ge [sflag:s21], $0x2780  }
0x4f: {  	[sflag:s21] =	ssyncset.done $0x0  }
0x50: {  	[sflag:s21] =	ssyncadd.s32 $0xFFFFD880  }
.Ltmp2:
0x51: {  	_ =	swait.ge [sflag:s22], $0x2780;
	(pc) =	sbr.rel @p6 .LBB2_12-.Ltmp2, $3  }
0x52: {  	[sflag:s22] =	ssyncset.done $0x0  }
0x53: {  	[sflag:s22] =	ssyncadd.s32 $0xFFFFD880  }
0x54: {  	[bflag:$0x0] =	sbarrier.arrive $0xFFFF;
	_ =	sdelay $0x1  }
0x55: {  	s0 =	simm.s32 @!p1 $0x80;
	s3 =	simm.s32 @!p1 $0x0;
	s18 =	simm.s32 @!p1 $0x4F00  }
0x56: {  	[tilespmem:s18], [sflag:$0x1] =	stream.indirect.gather @!p1 [spmem:s4], $0x10, s3, s0, $0xb8;
	[tilespmem:$0xDF00] =	vst v63  }
0x57: {  	s18 =	sld [smem:$0x7ED];
	_ =	sdelay $0x2  }
0x58: {  	s23 =	sld [smem:$0x7EF];
	p0 =	seq.s32 s18, $0x1  }
0x59: {  	s0 =	simm.s32 @!p0 $0x80;
	s3 =	simm.s32 @!p0 $0x5700  }
0x5a: {  	[tilespmem:s3], [sflag:$0x2] =	stream.indirect.gather @!p0 [spmem:s4], $0x10, s0, s0, $0xb8;
	[tilespmem:$0xDF00] =	vst v63  }
0x5b: {  	s28 =	sld [smem:$0x7F6];
	p0 =	seq.s32 s23, $0x1  }
0x5c: {  	s0 =	simm.s32 @!p0 $0x80;
	s3 =	simm.s32 @!p0 $0x100;
	s18 =	simm.s32 @!p0 $0x5F00  }
0x5d: {  	[tilespmem:s18], [sflag:$0x3] =	stream.indirect.gather @!p0 [spmem:s4], $0x10, s3, s0, $0xb8;
	[tilespmem:$0xDF00] =	vst v63  }
0x5e: {  	s29 =	sld [smem:$0x7F8];
	p0 =	seq.s32 s28, $0x1  }
0x5f: {  	s0 =	simm.s32 @!p0 $0x80;
	s3 =	simm.s32 @!p0 $0x180;
	s18 =	simm.s32 @!p0 $0x6700  }
0x60: {  	[tilespmem:s18], [sflag:$0x4] =	stream.indirect.gather @!p0 [spmem:s4], $0x10, s3, s0, $0xb8;
	[tilespmem:$0xDF00] =	vst v63  }
0x61: {  	p0 =	seq.s32 s29, $0x1  }
.Ltmp3:
0x62: {  	_ = 	snop;
	(pc) =	sbr.rel @p0 .LBB2_10-.Ltmp3, $1  }
0x63: {  	_ =	sdelay $0x3  }
0x64: {  	s0 =	sld [smem:$0x7F7];
	p4 =	sgt.s32 s14, $0x4  }
.Ltmp4:
0x65: {  	_ = 	snop;
	(pc) =	sbr.rel @!p4 .LBB2_4-.Ltmp4, $4  }
0x66: {  	_ = 	snop  }
0x67: {  	s9 =	smov.u32 s30;
	p3 =	sle.s32 s1, $0x4;
	p0 =	seq.s32 s0, $0x1  }
0x68: {  	s30 =	simm.s32 $0x5;
	s3 =	simm.s32 @!p0 $0x4;
	s28 =	simm.s32 @!p0 $0x2780  }
0x69: {  	s29 =	simm.s32 @!p0 $0x200;
	p0 =	por p3, p3;
	p3 =	por $0x0, $0x0  }
0x6a: {  	p3 =	por @!p0 $0x1, $0x1  }
0x6b: {  	s0 =	sand.u32 $0x7, s3;
	p4 =	por p3, p0  }
0x6c: {  	p6 =	sle.s32 s1, $0x5;
	s31 =	simm.s32 @!p0 $0x80;
	s3 =	sadd.s32 @!p4 $0x9, s0  }
0x6d: {  	s18 =	sxor.u32 $0x4, s0;
	s23 =	sshll.u32 @!p0 s0, $0xB;
	_ =	swait.ge @!p4 [sflag:s3], $0x800  }
0x6e: {  	p3 =	por $0x1, $0x1;
	s23 =	sadd.s32 @!p0 $0x4F00, s23;
	[sflag:s3] =	ssyncset.done @!p4 $0x0  }
0x6f: {  	s0 =	sadd.s32 @!p0 $0x1, s0;
	[sflag:s3] =	ssyncadd.s32 @!p4 $0xFFFFF800;
	p4 =	sgt.s32 s14, $0x5  }
.Ltmp5:
0x70: {  	s5 =	sadd.s32 $0x1, s18;
	s3 =	simm.s32 $0x6;
	(pc) =	sbr.rel @!p4 .LBB2_6-.Ltmp5, $4  }
0x71: {  	[tilespmem:s23], [sflag:s0] =	stream.indirect.gather @!p0 [spmem:s4], $0x10, s29, s31, $0xb8;
	[tilespmem:$0xDF00] =	vst v63  }
0x72: {  	s23 =	sshll.u32 s18, $0xB;
	p0 =	por p6, p6;
	_ =	swait.ge [sflag:s5], $0x800  }
0x73: {  	s31 =	simm.s32 $0x2800;
	s29 =	simm.s32 $0x280;
	[sflag:s5] =	ssyncset.done $0x0  }
0x74: {  	s0 =	sadd.s32 $0x4F00, s23;
	s23 =	sadd.s32 $0x9, s18;
	[sflag:s5] =	ssyncadd.s32 $0xFFFFF800  }
.LBB2_7:
0x75: {  	[spmem:s2] =	stream.indirect.scatter.add.f32 [tilespmem:s0], [sflag:s23], $0x10, s28, s24, $0xb8;
	[tilespmem:$0xDF00] =	vst v63  }
0x76: {  	s0 =	smov.u32 s3;
	s28 =	smov.u32 s31;
	s5 =	sadd.s32 $0x1, s3  }
0x77: {  	p6 =	slt.u32 @!p0 s30, $0x8;
	p5 =	slt.s32 s3, s14;
	p4 =	sge.s32 s0, s1  }
0x78: {  	s3 =	sand.u32 $0x7, s30;
	s7 =	simm.s32 @!p0 $0x80;
	p6 =	por p6, p0  }
0x79: {  	s18 =	sxor.u32 $0x4, s3;
	s30 =	sshll.u32 @!p0 s3, $0xB;
	s23 =	sadd.s32 @!p6 $0x9, s3  }
0x7a: {  	s30 =	sadd.s32 @!p0 $0x4F00, s30;
	s3 =	sadd.s32 @!p0 $0x1, s3;
	_ =	swait.ge @!p6 [sflag:s23], $0x800  }
0x7b: {  	s31 =	sadd.s32 $0x80, s31;
	s8 =	sshll.u32 s18, $0xB;
	[sflag:s23] =	ssyncset.done @!p6 $0x0  }
.Ltmp6:
0x7c: {  	[sflag:s23] =	ssyncadd.s32 @!p6 $0xFFFFF800;
	s23 =	sadd.s32 $0x1, s18;
	(pc) =	sbr.rel @p5 .LBB2_7-.Ltmp6, $4  }
0x7d: {  	[tilespmem:s30], [sflag:s3] =	stream.indirect.gather @!p0 [spmem:s4], $0x10, s29, s7, $0xb8;
	[tilespmem:$0xDF00] =	vst v63  }
0x7e: {  	s30 =	smov.u32 s0;
	p0 =	por p4, p4;
	_ =	swait.ge [sflag:s23], $0x800  }
0x7f: {  	s29 =	sadd.s32 $0x80, s29;
	s0 =	sadd.s32 $0x4F00, s8;
	[sflag:s23] =	ssyncset.done $0x0  }
0x80: {  	s3 =	smov.u32 s5;
	[sflag:s23] =	ssyncadd.s32 $0xFFFFF800;
	s23 =	sadd.s32 $0x9, s18  }
0x81: {  	s5 =	sld [smem:$0x7FB]  }
0x82: {  	s3 =	smov.u32 s30;
	s30 =	smov.u32 s9;
	s9 =	sld [smem:$0x7FD]  }
0x83: {  	_ = 	snop  }
0x84: {  	s18 =	smov.u32 s28;
	s28 =	smov.u32 s31  }
0x85: {  	s31 =	simm.s32 $0x0;
	p5 =	seq.s32 s5, $0x1;
	p6 =	seq.s32 s9, $0x1  }
.LBB2_9:
0x86: {  	[spmem:s2] =	stream.indirect.scatter.add.f32 @p3 [tilespmem:s0], [sflag:s23], $0x10, s18, s24, $0xb8;
	[tilespmem:$0xDF00] =	vst v63  }
0x87: {  	p3 =	slt.u32 @!p0 s3, $0x8  }
0x88: {  	s0 =	sand.u32 $0x7, s3;
	p3 =	por p3, p0  }
0x89: {  	s3 =	sadd.s32 @!p3 $0x9, s0  }
0x8a: {  	s8 =	simm.s32 @!p0 $0x80;
	s7 =	sshll.u32 @!p0 s0, $0xB;
	_ =	swait.ge @!p3 [sflag:s3], $0x800  }
0x8b: {  	s5 =	sxor.u32 $0x4, s0;
	s7 =	sadd.s32 @!p0 $0x4F00, s7;
	[sflag:s3] =	ssyncset.done @!p3 $0x0  }
0x8c: {  	s0 =	sadd.s32 @!p0 $0x1, s0;
	s9 =	sadd.s32 $0x1, s5;
	[sflag:s3] =	ssyncadd.s32 @!p3 $0xFFFFF800  }
0x8d: {  	[tilespmem:s7], [sflag:s0] =	stream.indirect.gather @!p0 [spmem:s4], $0x10, s29, s8, $0xb8;
	[tilespmem:$0xDF00] =	vst v63  }
0x8e: {  	s18 =	sshll.u32 s5, $0xB;
	_ =	swait.ge [sflag:s9], $0x800  }
0x8f: {  	s23 =	sadd.s32 $0x9, s5;
	[sflag:s9] =	ssyncset.done $0x0;
	s29 =	sld [smem:$0x7FC]  }
0x90: {  	s0 =	sadd.s32 $0x4F00, s18;
	s5 =	rddreg [dreg:$0x4];
	[sflag:s9] =	ssyncadd.s32 $0xFFFFF800  }
0x91: {  	[spmem:s2] =	stream.indirect.scatter.add.f32 [tilespmem:s0], [sflag:s23], $0x10, s28, s24, $0xb8;
	[tilespmem:$0xDF00] =	vst v63  }
0x92: {  	s8 =	simm.s32 $0x2780;
	s7 =	rddreg [dreg:$0x5];
	p3 =	seq.s32 s29, $0x1  }
.LBB2_10:
0x93: {  	s0 =	simm.s32 @p5 $0x9  }
0x94: {  	_ =	swait.ge @p5 [sflag:s0], $0x800  }
.Ltmp7:
0x95: {  	[sflag:s0] =	ssyncset.done @p5 $0x0;
	(pc) =	sbr.rel @p3 .LBB2_12-.Ltmp7, $4  }
0x96: {  	[sflag:s0] =	ssyncadd.s32 @p5 $0xFFFFF800;
	s0 =	simm.s32 @!p2 $0xA  }
0x97: {  	_ =	swait.ge @!p2 [sflag:s0], $0x800  }
0x98: {  	[sflag:s0] =	ssyncset.done @!p2 $0x0  }
0x99: {  	[sflag:s0] =	ssyncadd.s32 @!p2 $0xFFFFF800  }
0x9a: {  	s0 =	simm.s32 $0xB  }
0x9b: {  	_ =	swait.ge [sflag:s0], $0x800  }
0x9c: {  	s9 =	sld [smem:$0x7F9];
	_ =	sdelay $0x2  }
0x9d: {  	[sflag:s0] =	ssyncset.done $0x0;
	p0 =	seq.s32 s9, $0x1  }
0x9e: {  	[sflag:s0] =	ssyncadd.s32 $0xFFFFF800;
	s0 =	simm.s32 @!p0 $0xC  }
0x9f: {  	_ =	swait.ge @!p0 [sflag:s0], $0x800  }
0xa0: {  	s18 =	sld [smem:$0x7F3];
	_ =	sdelay $0x1  }
0xa1: {  	[sflag:s0] =	ssyncset.done @!p0 $0x0  }
0xa2: {  	[sflag:s0] =	ssyncadd.s32 @!p0 $0xFFFFF800;
	p0 =	seq.s32 s18, $0x1  }
0xa3: {  	s0 =	simm.s32 @!p0 $0xD  }
0xa4: {  	_ =	swait.ge @!p0 [sflag:s0], $0x800  }
0xa5: {  	s23 =	sld [smem:$0x7F1];
	_ =	sdelay $0x1  }
0xa6: {  	[sflag:s0] =	ssyncset.done @!p0 $0x0  }
0xa7: {  	[sflag:s0] =	ssyncadd.s32 @!p0 $0xFFFFF800;
	p0 =	seq.s32 s23, $0x1  }
0xa8: {  	s0 =	simm.s32 @!p0 $0xE  }
0xa9: {  	_ =	swait.ge @!p0 [sflag:s0], $0x800  }
0xaa: {  	s28 =	sld [smem:$0x7F0];
	_ =	sdelay $0x1  }
0xab: {  	[sflag:s0] =	ssyncset.done @!p0 $0x0  }
0xac: {  	[sflag:s0] =	ssyncadd.s32 @!p0 $0xFFFFF800;
	p0 =	seq.s32 s28, $0x1  }
0xad: {  	s0 =	simm.s32 @!p0 $0xF  }
0xae: {  	_ =	swait.ge @!p0 [sflag:s0], $0x800  }
0xaf: {  	s29 =	sld [smem:$0x7FA];
	_ =	sdelay $0x1  }
0xb0: {  	[sflag:s0] =	ssyncset.done @!p0 $0x0  }
.Ltmp8:
0xb1: {  	[sflag:s0] =	ssyncadd.s32 @!p0 $0xFFFFF800;
	p0 =	seq.s32 s29, $0x1;
	(pc) =	sbr.rel .LBB2_12-.Ltmp8, $4  }
0xb2: {  	s0 =	simm.s32 @!p0 $0x10  }
0xb3: {  	_ =	swait.ge @!p0 [sflag:s0], $0x800  }
0xb4: {  	[sflag:s0] =	ssyncset.done @!p0 $0x0  }
0xb5: {  	[sflag:s0] =	ssyncadd.s32 @!p0 $0xFFFFF800  }
.LBB2_4:
.Ltmp9:
0xb6: {  	(pc) =	sbr.rel .LBB2_9-.Ltmp9, $2  }
0xb7: {  	_ =	sdelay $0x2  }
0xb8: {  	s30 =	smov.u32 s9  }
.LBB2_6:
0xb9: {  	s3 =	sld [smem:$0x7F7]  }
.Ltmp10:
0xba: {  	s5 =	sld [smem:$0x7FB];
	(pc) =	sbr.rel .LBB2_9-.Ltmp10, $4  }
0xbb: {  	s30 =	smov.u32 s9;
	s9 =	sld [smem:$0x7FD]  }
0xbc: {  	s28 =	simm.s32 $0x2800  }
0xbd: {  	s31 =	simm.s32 $0x0;
	p4 =	seq.s32 s3, $0x1;
	s3 =	simm.s32 $0x5  }
0xbe: {  	p5 =	seq.s32 s5, $0x1;
	p6 =	seq.s32 s9, $0x1;
	s18 =	simm.s32 @!p4 $0x2780  }
.LBB2_13:
0xbf: {  	_ =	sfence.sel $0x180000  }
0xc0: {  	[bflag:$0x0] =	sbarrier.arrive $0xFFFF  }
0xc1: {  	_ =	strace $0x90000050  }
0xc2: {  	s0 =	stileid.u32;
	[bflag:$0x2] =	sbarrier.arrive $0xFFFF  }
0xc3: {  	p0 =	sne.s32 s0, $0x0;
	s0 =	rddreg [dreg:$0x3]  }
0xc4: {  	s0 =	sadd.s32 @!p0 $0x100000, s0  }
0xc5: {  	[sflag:s0] =	ssyncadd.tile.s32 @!p0 $0x1;
	_ =	shalt  }
.Lfunc_end2:
_tile_overlayer_lowered:
.L_overlay_start_2:
0xc6: {  	(tag) =	ssettag $0x2  }
0xc7: {  	s0 =	rddreg [dreg:$0x0];
	s2 =	stileid.u32  }
0xc8: {  	s1 =	rddreg [dreg:$0x1];
	p0 =	sne.s32 s2, $0x0  }
0xc9: {  	s3 =	rddreg [dreg:$0x2];
	[bflag:$0x3] =	sbarrier.arrive $0xFFFF;
	s2 =	simm.s32 @!p0 $0x1C11  }
0xca: {  	[timem:s3], [sflag:s2] =	dma.local @!p0 [hbm:s0], s1  }
0xcb: {  	s0 =	simm.s32 @!p0 $0x11  }
0xcc: {  	_ =	swait.ge @!p0 [sflag:s0], s1  }
0xcd: {  	s1 =	ssub.s32 @!p0 $0x0, s1;
	[sflag:s0] =	ssyncset.done @!p0 $0x0  }
0xce: {  	[sflag:s0] =	ssyncadd.s32 @!p0 s1  }
0xcf: {  	[bflag:$0x3] =	sbarrier.arrive $0xFFFF  }
0xd0: {  	_ =	shalt  }

</sc_bundles>
